<compile_context>
chip_gen: v7x
topology: tpu7x:2x2x1
jax: 0.10.2.dev20260603
libtpu: 0.0.44.dev20260713+nightly
codegen_flags: <defaults>
</compile_context>

<pallas_src>
import functools

import jax
import jax.numpy as jnp
from jax import lax
from jax.experimental import pallas as pl
from jax.experimental.pallas import tpu as pltpu
from jax.experimental.pallas import tpu_sc as plsc

ALPHA = 2.0
NEG_WEIGHT = 1.0
MIN_IOU = 0.05

L = 16
ROWS = 16
B, M, N = 32, 1024, 1024
S_SC = 16
HALF_ROWS = M // 2
NCHUNK = HALF_ROWS // ROWS
NJC = N // L
NPAIR = NCHUNK // 2
EX_W = N + L
R_TC = 512


def _sc_body(scores_hbm, ious_hbm, out_hbm,
             iou0, iou1, sc0, sc1, lastrow, colsum, partner, rowvec, out_buf,
             shared, sem_i0, sem_i1, sem_s0, sem_s1):
    cid = lax.axis_index("c")
    sid = lax.axis_index("s")
    b = cid * 8 + sid // 2
    half = sid % 2
    r_base = half * HALF_ROWS

    def iou_copy(g, buf, sem):
        return pltpu.make_async_copy(
            ious_hbm.at[b, pl.ds(r_base + g * ROWS, ROWS), pl.ds(0, N)],
            buf, sem)

    def sc_copy(g, buf, sem):
        return pltpu.make_async_copy(
            scores_hbm.at[b, pl.ds(r_base + g * ROWS, ROWS)], buf, sem)

    iou_copy(0, iou0, sem_i0).start()
    sc_copy(0, sc0, sem_s0).start()
    iou_copy(1, iou1, sem_i1).start()
    sc_copy(1, sc1, sem_s1).start()

    pltpu.sync_copy(scores_hbm.at[b, pl.ds(M, 1)], lastrow)

    def zbody(j, _):
        colsum[0, pl.ds(j * L, L)] = jnp.zeros((L,), jnp.float32)
        return 0
    lax.fori_loop(0, EX_W // L, zbody, 0)

    zero_v = jnp.zeros((L,), jnp.float32)
    iota16 = jnp.arange(L, dtype=jnp.int32)

    def chunk_compute(g, iou_buf, sc_buf, s1, cnt, n0c, n0d):
        def make_jc_body(base):
            def jc_body(jc, c):
                s1_, cnt_, raccs = c
                off = jc * L
                colacc = colsum[0, pl.ds(off, L)]
                new_raccs = []
                for i in range(ROWS // 2):
                    vio = iou_buf[base + i, pl.ds(off, L)]
                    vsc = sc_buf[base + i, pl.ds(off, L)]
                    m = vio >= MIN_IOU
                    t = jnp.where(m, jnp.minimum(vio, 1.0), 0.0)
                    s1_ = s1_ + vsc * t
                    cnt_ = cnt_ + jnp.where(m, 1.0, 0.0)
                    colacc = colacc + t
                    new_raccs.append(raccs[i] + t)
                colsum[0, pl.ds(off, L)] = colacc
                return s1_, cnt_, tuple(new_raccs)
            return jc_body

        for base in (0, ROWS // 2):
            s1, cnt, raccs = lax.fori_loop(
                0, NJC, make_jc_body(base),
                (s1, cnt, (zero_v,) * (ROWS // 2)))
            for i in range(ROWS // 2):
                rowvec[base + i] = raccs[i]

        rowsum = plsc.load_gather(
            rowvec, [iota16, jnp.full((L,), 0, jnp.int32)])
        for c in range(1, L):
            rowsum = rowsum + plsc.load_gather(
                rowvec, [iota16, jnp.full((L,), c, jnp.int32)])
        fvec = jnp.where(rowsum <= 0.001, 1.0, 0.0)
        lc = plsc.load_gather(
            sc_buf, [iota16, jnp.full((L,), N, jnp.int32)])
        return s1, cnt, n0c + fvec, n0d + fvec * lc

    def pair_body(p, carry):
        s1, cnt, n0c, n0d = carry
        g0 = 2 * p
        iou_copy(g0, iou0, sem_i0).wait()
        sc_copy(g0, sc0, sem_s0).wait()
        s1, cnt, n0c, n0d = chunk_compute(g0, iou0, sc0, s1, cnt, n0c, n0d)
        ge = jnp.minimum(g0 + 2, NCHUNK - 1)
        iou_copy(ge, iou0, sem_i0).start()
        sc_copy(ge, sc0, sem_s0).start()

        g1 = 2 * p + 1
        iou_copy(g1, iou1, sem_i1).wait()
        sc_copy(g1, sc1, sem_s1).wait()
        s1, cnt, n0c, n0d = chunk_compute(g1, iou1, sc1, s1, cnt, n0c, n0d)
        go = jnp.minimum(g1 + 2, NCHUNK - 1)
        iou_copy(go, iou1, sem_i1).start()
        sc_copy(go, sc1, sem_s1).start()
        return s1, cnt, n0c, n0d

    s1, cnt, n0c, n0d = lax.fori_loop(
        0, NPAIR, pair_body, (zero_v, zero_v, zero_v, zero_v))

    iou_copy(NCHUNK - 1, iou0, sem_i0).wait()
    sc_copy(NCHUNK - 1, sc0, sem_s0).wait()
    iou_copy(NCHUNK - 1, iou1, sem_i1).wait()
    sc_copy(NCHUNK - 1, sc1, sem_s1).wait()

    s1s = jnp.full((L,), jnp.sum(s1), jnp.float32)
    cnts = jnp.full((L,), jnp.sum(cnt), jnp.float32)
    n0cs = jnp.full((L,), jnp.sum(n0c), jnp.float32)
    n0ds = jnp.full((L,), jnp.sum(n0d), jnp.float32)
    summary = jnp.where(
        iota16 == 0, s1s,
        jnp.where(iota16 == 1, cnts,
                  jnp.where(iota16 == 2, n0cs,
                            jnp.where(iota16 == 3, n0ds, 0.0))))
    colsum[0, pl.ds(N, L)] = summary
    pltpu.sync_copy(colsum, shared.at[sid])
    plsc.subcore_barrier()

    @pl.when(half == 0)
    def _():
        pltpu.sync_copy(shared.at[sid + 1], partner)

        def neg1_body(jc, c):
            n1c_, n1d_ = c
            off = jc * L
            v = colsum[0, pl.ds(off, L)] + partner[0, pl.ds(off, L)]
            lr = lastrow[0, pl.ds(off, L)]
            n1 = jnp.where(v <= 0.001, 1.0, 0.0)
            return n1c_ + n1, n1d_ + n1 * lr
        n1c, n1d = lax.fori_loop(0, NJC, neg1_body, (zero_v, zero_v))

        psv = partner[0, pl.ds(N, L)]
        s1_t = s1s + psv[0]
        cnt_t = cnts + psv[1]
        n0c_t = n0cs + psv[2]
        n0d_t = n0ds + psv[3]
        n1cs = jnp.full((L,), jnp.sum(n1c), jnp.float32)
        n1ds = jnp.full((L,), jnp.sum(n1d), jnp.float32)

        nll_pos = -(ALPHA * s1_t) / jnp.maximum(cnt_t, 1.0)
        nll_neg = (-n0d_t - n1ds) / (
            jnp.maximum(n0c_t, 1.0) + jnp.maximum(n1cs, 1.0))
        loss = (nll_pos + NEG_WEIGHT * nll_neg) * (1.0 / B)

        out_buf[...] = loss
        pltpu.sync_copy(out_buf, out_hbm.at[b])


def _tc_body(sc_ref, iou_ref, lr_ref, out_ref, colsum, prodsum, cntsum, accs):
    r = pl.program_id(1)
    nr = pl.num_programs(1)

    @pl.when(r == 0)
    def _():
        accs[0] = 0.0
        accs[1] = 0.0
        colsum[...] = jnp.zeros_like(colsum)
        prodsum[...] = jnp.zeros_like(prodsum)
        cntsum[...] = jnp.zeros_like(cntsum)

    sc = sc_ref[0]
    io = iou_ref[0]
    m = io >= MIN_IOU
    t = jnp.where(m, jnp.minimum(io, 1.0), 0.0)
    prod = sc[:, :N] * t
    ones_r = jnp.ones((1, R_TC), jnp.float32)
    colsum[...] = colsum[...] + jnp.dot(
        ones_r, t, preferred_element_type=jnp.float32)
    prodsum[...] = prodsum[...] + jnp.dot(
        ones_r, prod, preferred_element_type=jnp.float32,
        precision=lax.Precision.HIGHEST)
    cntsum[...] = cntsum[...] + jnp.dot(
        ones_r, m.astype(jnp.float32), preferred_element_type=jnp.float32)
    rowsum = jnp.dot(t, jnp.ones((N, 1), jnp.float32),
                     preferred_element_type=jnp.float32)
    f = jnp.where(rowsum <= 0.001, 1.0, 0.0)
    accs[0] = accs[0] + jnp.sum(f)
    accs[1] = accs[1] + jnp.sum(f * sc[:, N:N + 1])

    @pl.when(r == nr - 1)
    def _():
        cs = colsum[...]
        n1 = jnp.where(cs <= 0.001, 1.0, 0.0)
        lr = lr_ref[0, 0:1, :N]
        n1c = jnp.sum(n1)
        n1d = jnp.sum(n1 * lr)
        nll_pos = -(ALPHA * jnp.sum(prodsum[...])) / jnp.maximum(
            jnp.sum(cntsum[...]), 1.0)
        nll_neg = (-accs[1] - n1d) / (
            jnp.maximum(accs[0], 1.0) + jnp.maximum(n1c, 1.0))
        loss = (nll_pos + NEG_WEIGHT * nll_neg) * (1.0 / B)
        out_ref[...] = jnp.reshape(loss, (1, 1, 1))


@jax.jit
def _run(scores, ious):
    mesh = plsc.VectorSubcoreMesh(core_axis_name="c", subcore_axis_name="s")
    sc_fn = pl.kernel(
        _sc_body,
        out_type=jax.ShapeDtypeStruct((S_SC, L), jnp.float32),
        mesh=mesh,
        scratch_types=[
            pltpu.VMEM((ROWS, N), jnp.float32),
            pltpu.VMEM((ROWS, N), jnp.float32),
            pltpu.VMEM((ROWS, N + 1), jnp.float32),
            pltpu.VMEM((ROWS, N + 1), jnp.float32),
            pltpu.VMEM((1, N + 1), jnp.float32),
            pltpu.VMEM((1, EX_W), jnp.float32),
            pltpu.VMEM((1, EX_W), jnp.float32),
            pltpu.VMEM((ROWS, L), jnp.float32),
            pltpu.VMEM((L,), jnp.float32),
            pltpu.VMEM_SHARED((16, 1, EX_W), jnp.float32),
            pltpu.SemaphoreType.DMA,
            pltpu.SemaphoreType.DMA,
            pltpu.SemaphoreType.DMA,
            pltpu.SemaphoreType.DMA,
        ],
        compiler_params=pltpu.CompilerParams(
            use_tc_tiling_on_sc=True, needs_layout_passes=False),
    )
    sc_out = sc_fn(scores, ious)

    bt = B - S_SC
    tc_fn = pl.pallas_call(
        _tc_body,
        grid=(bt, M // R_TC),
        in_specs=[
            pl.BlockSpec((1, R_TC, N + 1), lambda s, r: (s + S_SC, r, 0)),
            pl.BlockSpec((1, R_TC, N), lambda s, r: (s + S_SC, r, 0)),
            pl.BlockSpec((1, 8, N + 1), lambda s, r: (s + S_SC, M // 8, 0)),
        ],
        out_specs=pl.BlockSpec((1, 1, 1), lambda s, r: (s, 0, 0)),
        out_shape=jax.ShapeDtypeStruct((bt, 1, 1), jnp.float32),
        scratch_shapes=[
            pltpu.VMEM((1, N), jnp.float32),
            pltpu.VMEM((1, N), jnp.float32),
            pltpu.VMEM((1, N), jnp.float32),
            pltpu.SMEM((2,), jnp.float32),
        ],
    )
    tc_out = tc_fn(scores, ious, scores)

    return jnp.sum(sc_out[:, 0]) + jnp.sum(tc_out)


def kernel(logmax_scores, instance_ious, instance_matches):
    del instance_matches
    return _run(logmax_scores, instance_ious)

# --- scband reference (transcript-rebuilt; emitter-appended) ---
"""Pipeline reference for scband-instance-matching-loss-83726092468508 (READ-ONLY COPY).

The authoritative reference and input builder live on the scoring server;
editing this copy changes nothing except your own understanding.
"""

import jax, jax.numpy as jnp
import numpy as np

ALPHA = 2.0        # cfg.instance_match.gt_alpha
NEG_WEIGHT = 1.0   # cfg.instance_match.nll_negative
MIN_IOU = 0.05


def setup_inputs(seed: int = 0) -> dict:
    key = jax.random.key(seed)
    k1, k2, k3 = jax.random.split(key, 3)
    B, M, N = 32, 1024, 1024
    # per-scene log-softmax-like score matrices with dustbin row/col -> [B, M+1, N+1]
    logmax_scores = jax.random.normal(k1, (B, M + 1, N + 1), dtype=jnp.float32)
    # per-scene pairwise IoU between predicted and GT instances -> [B, M, N]
    instance_ious = jax.random.uniform(k2, (B, M, N), dtype=jnp.float32)
    # GT match index pairs (unused by the 'nllv2' loss path, kept for signature fidelity)
    instance_matches = jax.random.randint(k3, (B, 256, 2), 0, 1024, dtype=jnp.int32)
    return {
        "logmax_scores": logmax_scores,
        "instance_ious": instance_ious,
        "instance_matches": instance_matches,
    }


def _nll_loss_v2_per_scene(logscores, ious):
    # logscores: [M+1, N+1]; ious: [M, N]
    m, n = ious.shape
    ious = jnp.clip(ious, 0.0, 1.0)
    ious = jnp.where(ious < MIN_IOU, 0.0, ious)
    matches0 = jnp.sum(ious, axis=1) > 0.001  # [M]
    matches1 = jnp.sum(ious, axis=0) > 0.001  # [N]
    neg0 = jnp.where(matches0, 0.0, 1.0)
    neg1 = jnp.where(matches1, 0.0, 1.0)
    gt_weights = jnp.zeros_like(logscores)
    gt_weights = gt_weights.at[:m, :n].set(ALPHA * ious)
    gt_weights = gt_weights.at[:m, -1].set(neg0)
    gt_weights = gt_weights.at[-1, :n].set(neg1)
    num_pos = jnp.maximum(
        jnp.sum((gt_weights[:m, :n] > 0.001).astype(jnp.float32)), 1.0)
    loss_sc = logscores * gt_weights
    nll_loss = -jnp.sum(loss_sc[:m, :n]) / num_pos
    num_neg0 = jnp.maximum(jnp.sum(gt_weights[:m, -1]), 1.0)
    num_neg1 = jnp.maximum(jnp.sum(gt_weights[-1, :n]), 1.0)
    nll_neg = (-jnp.sum(loss_sc[:m, -1]) - jnp.sum(loss_sc[-1, :n])) / (num_neg0 + num_neg1)
    return nll_loss, nll_neg


def reference(logmax_scores, instance_ious, instance_matches):
    del instance_matches  # not used by the 'nllv2' loss path
    B = logmax_scores.shape[0]
    nll_pos_b, nll_neg_b = jax.vmap(_nll_loss_v2_per_scene)(logmax_scores, instance_ious)
    nll_pos = jnp.sum(nll_pos_b) / B
    nll_neg = jnp.sum(nll_neg_b) / B
    match_loss = nll_pos + NEG_WEIGHT * nll_neg
    return match_loss

if __name__ == "__main__":
    import jax
    _d = setup_inputs()
    print(jax.jit(kernel)(*tuple(_d.values())))

</pallas_src>

<mosaic_0001>
#map = affine_map<(d0, d1) -> (0, 0, 0)>
#map1 = affine_map<(d0, d1) -> (0, 0)>
module attributes {stable_mosaic.version = 14 : i64} {
  func.func @_sc_body(%arg0: i32, %arg1: i32, %arg2: memref<32x1025x1025xf32, #tpu.memory_space<hbm>>, %arg3: memref<32x1024x1024xf32, #tpu.memory_space<hbm>>, %arg4: memref<16x16xf32, #tpu.memory_space<hbm>>, %arg5: memref<16x1024xf32, #tpu.memory_space<vmem>>, %arg6: memref<16x1024xf32, #tpu.memory_space<vmem>>, %arg7: memref<16x1025xf32, #tpu.memory_space<vmem>>, %arg8: memref<16x1025xf32, #tpu.memory_space<vmem>>, %arg9: memref<1x1025xf32, #tpu.memory_space<vmem>>, %arg10: memref<1x1040xf32, #tpu.memory_space<vmem>>, %arg11: memref<1x1040xf32, #tpu.memory_space<vmem>>, %arg12: memref<16x16xf32, #tpu.memory_space<vmem>>, %arg13: memref<16xf32, #tpu.memory_space<vmem>>, %arg14: memref<16x1x1040xf32, #tpu.memory_space<vmem_shared>>, %arg15: memref<!tpu.dma_semaphore, #tpu.memory_space<semaphore_mem>>, %arg16: memref<!tpu.dma_semaphore, #tpu.memory_space<semaphore_mem>>, %arg17: memref<!tpu.dma_semaphore, #tpu.memory_space<semaphore_mem>>, %arg18: memref<!tpu.dma_semaphore, #tpu.memory_space<semaphore_mem>>) attributes {dimension_semantics = [#tpu.dimension_semantics<core_parallel>, #tpu.dimension_semantics<subcore_parallel>], iteration_bounds = array<i64: 2, 16>, scalar_prefetch = 0 : i64, scratch_operands = 14 : i64, tpu.core_type = #tpu.core_type<sc_vector_subcore>, window_params = [{transform_indices = #map}, {transform_indices = #map}, {transform_indices = #map1}]} {
    %mul3A = arith.constant 8 : i32
    %mul3A_0 = arith.muli %arg0, %mul3A : i32
    %jit3A = arith.constant 2 : i32
    %div3A = arith.divsi %arg1, %jit3A : i32
    %sign3A = arith.constant 0 : i32
    %sign3A_1 = arith.cmpi sgt, %arg1, %sign3A : i32
    %sign3A_2 = arith.extui %sign3A_1 : i1 to i32
    %sign3A_3 = arith.constant 0 : i32
    %sign3A_4 = arith.cmpi slt, %arg1, %sign3A_3 : i32
    %sign3A_5 = arith.extui %sign3A_4 : i1 to i32
    %sign3A_6 = arith.subi %sign3A_2, %sign3A_5 : i32
    %sign3A_7 = arith.constant 0 : i32
    %sign3A_8 = arith.cmpi sgt, %jit3A, %sign3A_7 : i32
    %sign3A_9 = arith.extui %sign3A_8 : i1 to i32
    %sign3A_10 = arith.constant 0 : i32
    %sign3A_11 = arith.cmpi slt, %jit3A, %sign3A_10 : i32
    %sign3A_12 = arith.extui %sign3A_11 : i1 to i32
    %sign3A_13 = arith.subi %sign3A_9, %sign3A_12 : i32
    %ne3A = arith.cmpi ne, %sign3A_6, %sign3A_13 : i32
    %rem3A = arith.remsi %arg1, %jit3A : i32
    %ne3A_14 = arith.constant 0 : i32
    %ne3A_15 = arith.cmpi ne, %rem3A, %ne3A_14 : i32
    %and3A = arith.andi %ne3A, %ne3A_15 : i1
    %sub3A = arith.constant 1 : i32
    %sub3A_16 = arith.subi %div3A, %sub3A : i32
    %select_n3A = arith.select %and3A, %sub3A_16, %div3A : i32
    %add3A = arith.addi %mul3A_0, %select_n3A : i32
    %jit3A_17 = arith.constant 2 : i32
    %eq3A = arith.constant 0 : i32
    %eq3A_18 = arith.cmpi eq, %jit3A_17, %eq3A : i32
    %jit3A_19 = arith.constant 1 : i32
    %select_n3A_20 = arith.select %eq3A_18, %jit3A_19, %jit3A_17 : i32
    %rem3A_21 = arith.remsi %arg1, %select_n3A_20 : i32
    %ne3A_22 = arith.constant 0 : i32
    %ne3A_23 = arith.cmpi ne, %rem3A_21, %ne3A_22 : i32
    %lt3A = arith.constant 0 : i32
    %lt3A_24 = arith.cmpi slt, %rem3A_21, %lt3A : i32
    %lt3A_25 = arith.constant 0 : i32
    %lt3A_26 = arith.cmpi slt, %select_n3A_20, %lt3A_25 : i32
    %ne3A_27 = arith.xori %lt3A_24, %lt3A_26 : i1
    %and3A_28 = arith.andi %ne3A_27, %ne3A_23 : i1
    %add3A_29 = arith.addi %rem3A_21, %select_n3A_20 : i32
    %select_n3A_30 = arith.select %and3A_28, %add3A_29, %rem3A_21 : i32
    %mul3A_31 = arith.constant 512 : i32
    %mul3A_32 = arith.muli %select_n3A_30, %mul3A_31 : i32
    %add3A_33 = arith.constant 0 : i32
    %add3A_34 = arith.addi %mul3A_32, %add3A_33 : i32
    %dma_start3A = arith.constant 0 : i32
    %dma_start3A_35 = tpu.memref_slice %arg3[%add3A, %add3A_34, %dma_start3A] : memref<32x1024x1024xf32, #tpu.memory_space<hbm>> -> memref<1x16x1024xf32, #tpu.memory_space<hbm>>
    %dma_start3A_36 = tpu.memref_squeeze %dma_start3A_35 : memref<1x16x1024xf32, #tpu.memory_space<hbm>> -> memref<16x1024xf32, #tpu.memory_space<hbm>>
    %dma_start3A_37 = arith.constant 0 : i32
    %dma_start3A_38 = tpu.memref_slice %arg3[%add3A, %add3A_34, %dma_start3A_37] : memref<32x1024x1024xf32, #tpu.memory_space<hbm>> -> memref<1x16x1024xf32, #tpu.memory_space<hbm>>
    %dma_start3A_39 = tpu.memref_squeeze %dma_start3A_38 : memref<1x16x1024xf32, #tpu.memory_space<hbm>> -> memref<16x1024xf32, #tpu.memory_space<hbm>>
    tpu.enqueue_dma source(%dma_start3A_39 : memref<16x1024xf32, #tpu.memory_space<hbm>>) target(%arg5 : memref<16x1024xf32, #tpu.memory_space<vmem>>) target_semaphore(%arg15 : memref<!tpu.dma_semaphore, #tpu.memory_space<semaphore_mem>>)
    %add3A_40 = arith.constant 0 : i32
    %add3A_41 = arith.addi %mul3A_32, %add3A_40 : i32
    %dma_start3A_42 = arith.constant 0 : i32
    %dma_start3A_43 = tpu.memref_slice %arg2[%add3A, %add3A_41, %dma_start3A_42] : memref<32x1025x1025xf32, #tpu.memory_space<hbm>> -> memref<1x16x1025xf32, #tpu.memory_space<hbm>>
    %dma_start3A_44 = tpu.memref_squeeze %dma_start3A_43 : memref<1x16x1025xf32, #tpu.memory_space<hbm>> -> memref<16x1025xf32, #tpu.memory_space<hbm>>
    %dma_start3A_45 = arith.constant 0 : i32
    %dma_start3A_46 = tpu.memref_slice %arg2[%add3A, %add3A_41, %dma_start3A_45] : memref<32x1025x1025xf32, #tpu.memory_space<hbm>> -> memref<1x16x1025xf32, #tpu.memory_space<hbm>>
    %dma_start3A_47 = tpu.memref_squeeze %dma_start3A_46 : memref<1x16x1025xf32, #tpu.memory_space<hbm>> -> memref<16x1025xf32, #tpu.memory_space<hbm>>
    tpu.enqueue_dma source(%dma_start3A_47 : memref<16x1025xf32, #tpu.memory_space<hbm>>) target(%arg7 : memref<16x1025xf32, #tpu.memory_space<vmem>>) target_semaphore(%arg17 : memref<!tpu.dma_semaphore, #tpu.memory_space<semaphore_mem>>)
    %add3A_48 = arith.constant 16 : i32
    %add3A_49 = arith.addi %mul3A_32, %add3A_48 : i32
    %dma_start3A_50 = arith.constant 0 : i32
    %dma_start3A_51 = tpu.memref_slice %arg3[%add3A, %add3A_49, %dma_start3A_50] : memref<32x1024x1024xf32, #tpu.memory_space<hbm>> -> memref<1x16x1024xf32, #tpu.memory_space<hbm>>
    %dma_start3A_52 = tpu.memref_squeeze %dma_start3A_51 : memref<1x16x1024xf32, #tpu.memory_space<hbm>> -> memref<16x1024xf32, #tpu.memory_space<hbm>>
    %dma_start3A_53 = arith.constant 0 : i32
    %dma_start3A_54 = tpu.memref_slice %arg3[%add3A, %add3A_49, %dma_start3A_53] : memref<32x1024x1024xf32, #tpu.memory_space<hbm>> -> memref<1x16x1024xf32, #tpu.memory_space<hbm>>
    %dma_start3A_55 = tpu.memref_squeeze %dma_start3A_54 : memref<1x16x1024xf32, #tpu.memory_space<hbm>> -> memref<16x1024xf32, #tpu.memory_space<hbm>>
    tpu.enqueue_dma source(%dma_start3A_55 : memref<16x1024xf32, #tpu.memory_space<hbm>>) target(%arg6 : memref<16x1024xf32, #tpu.memory_space<vmem>>) target_semaphore(%arg16 : memref<!tpu.dma_semaphore, #tpu.memory_space<semaphore_mem>>)
    %add3A_56 = arith.constant 16 : i32
    %add3A_57 = arith.addi %mul3A_32, %add3A_56 : i32
    %dma_start3A_58 = arith.constant 0 : i32
    %dma_start3A_59 = tpu.memref_slice %arg2[%add3A, %add3A_57, %dma_start3A_58] : memref<32x1025x1025xf32, #tpu.memory_space<hbm>> -> memref<1x16x1025xf32, #tpu.memory_space<hbm>>
    %dma_start3A_60 = tpu.memref_squeeze %dma_start3A_59 : memref<1x16x1025xf32, #tpu.memory_space<hbm>> -> memref<16x1025xf32, #tpu.memory_space<hbm>>
    %dma_start3A_61 = arith.constant 0 : i32
    %dma_start3A_62 = tpu.memref_slice %arg2[%add3A, %add3A_57, %dma_start3A_61] : memref<32x1025x1025xf32, #tpu.memory_space<hbm>> -> memref<1x16x1025xf32, #tpu.memory_space<hbm>>
    %dma_start3A_63 = tpu.memref_squeeze %dma_start3A_62 : memref<1x16x1025xf32, #tpu.memory_space<hbm>> -> memref<16x1025xf32, #tpu.memory_space<hbm>>
    tpu.enqueue_dma source(%dma_start3A_63 : memref<16x1025xf32, #tpu.memory_space<hbm>>) target(%arg8 : memref<16x1025xf32, #tpu.memory_space<vmem>>) target_semaphore(%arg18 : memref<!tpu.dma_semaphore, #tpu.memory_space<semaphore_mem>>)
    "tpu.region"() ({
      %run_scoped3A = tpu.sem_alloc : memref<!tpu.dma_semaphore, #tpu.memory_space<semaphore_mem>>
      %dma_start3A_151 = arith.constant 1024 : i32
      %dma_start3A_152 = arith.constant 0 : i32
      %dma_start3A_153 = tpu.memref_slice %arg2[%add3A, %dma_start3A_151, %dma_start3A_152] : memref<32x1025x1025xf32, #tpu.memory_space<hbm>> -> memref<1x1x1025xf32, #tpu.memory_space<hbm>>
      %dma_start3A_154 = tpu.memref_squeeze %dma_start3A_153 : memref<1x1x1025xf32, #tpu.memory_space<hbm>> -> memref<1x1025xf32, #tpu.memory_space<hbm>>
      %dma_start3A_155 = arith.constant 1024 : i32
      %dma_start3A_156 = arith.constant 0 : i32
      %dma_start3A_157 = tpu.memref_slice %arg2[%add3A, %dma_start3A_155, %dma_start3A_156] : memref<32x1025x1025xf32, #tpu.memory_space<hbm>> -> memref<1x1x1025xf32, #tpu.memory_space<hbm>>
      %dma_start3A_158 = tpu.memref_squeeze %dma_start3A_157 : memref<1x1x1025xf32, #tpu.memory_space<hbm>> -> memref<1x1025xf32, #tpu.memory_space<hbm>>
      tpu.enqueue_dma source(%dma_start3A_158 : memref<1x1025xf32, #tpu.memory_space<hbm>>) target(%arg9 : memref<1x1025xf32, #tpu.memory_space<vmem>>) target_semaphore(%run_scoped3A : memref<!tpu.dma_semaphore, #tpu.memory_space<semaphore_mem>>)
      %dma_wait3A_159 = arith.constant 1024 : i32
      %dma_wait3A_160 = arith.constant 0 : i32
      %dma_wait3A_161 = tpu.memref_slice %arg2[%add3A, %dma_wait3A_159, %dma_wait3A_160] : memref<32x1025x1025xf32, #tpu.memory_space<hbm>> -> memref<1x1x1025xf32, #tpu.memory_space<hbm>>
      %dma_wait3A_162 = tpu.memref_squeeze %dma_wait3A_161 : memref<1x1x1025xf32, #tpu.memory_space<hbm>> -> memref<1x1025xf32, #tpu.memory_space<hbm>>
      %dma_wait3A_163 = arith.constant 1024 : i32
      %dma_wait3A_164 = arith.constant 0 : i32
      %dma_wait3A_165 = tpu.memref_slice %arg2[%add3A, %dma_wait3A_163, %dma_wait3A_164] : memref<32x1025x1025xf32, #tpu.memory_space<hbm>> -> memref<1x1x1025xf32, #tpu.memory_space<hbm>>
      %dma_wait3A_166 = tpu.memref_squeeze %dma_wait3A_165 : memref<1x1x1025xf32, #tpu.memory_space<hbm>> -> memref<1x1025xf32, #tpu.memory_space<hbm>>
      tpu.wait_dma2 semaphore(%run_scoped3A : memref<!tpu.dma_semaphore, #tpu.memory_space<semaphore_mem>>) src(%dma_wait3A_166 : memref<1x1025xf32, #tpu.memory_space<hbm>>) dst(%arg9 : memref<1x1025xf32, #tpu.memory_space<vmem>>)
      tpu.yield
    }) : () -> ()
    %scan3A = arith.constant 0 : i32
    %scan3A_64 = arith.constant 0 : i32
    %scan3A_65 = arith.constant 65 : i32
    %scan3A_66 = arith.addi %scan3A_64, %scan3A_65 : i32
    %scan3A_67 = arith.constant 1 : i32
    %scan3A_68 = scf.for %scan3A_151 = %scan3A_64 to %scan3A_66 step %scan3A_67 iter_args(%scan3A_152 = %scan3A) -> (i32)  : i32 {
      %broadcast_in_dim3A_153 = arith.constant 0.000000e+00 : f32
      %broadcast_in_dim3A_154 = vector.broadcast %broadcast_in_dim3A_153 : f32 to vector<16xf32>
      %mul3A_155 = arith.constant 16 : i32
      %mul3A_156 = arith.muli %scan3A_151, %mul3A_155 : i32
      %swap3A_157 = arith.constant 0 : i32
      %swap3A_158 = arith.index_cast %swap3A_157 : i32 to index
      %swap3A_159 = arith.index_cast %mul3A_156 : i32 to index
      %swap3A_160 = tpu.vector_load %arg10[%swap3A_158, %swap3A_159] {strides = array<i32>} : memref<1x1040xf32, #tpu.memory_space<vmem>>, vector<16xf32>,
      tpu.vector_store %arg10[%swap3A_158, %swap3A_159], %broadcast_in_dim3A_154 {strides = array<i32>} : memref<1x1040xf32, #tpu.memory_space<vmem>>, vector<16xf32>,
      %scan3A_161 = arith.constant 0 : i32
      scf.yield %scan3A_161 : i32
    }
    %scan3A_69 = arith.constant 65 : i32
    %broadcast_in_dim3A = arith.constant 0.000000e+00 : f32
    %broadcast_in_dim3A_70 = vector.broadcast %broadcast_in_dim3A : f32 to vector<16xf32>
    %iota3A = tpu.iota {dimensions = array<i32: 0>} : vector<16xi32>
    %scan3A_71 = arith.constant 0 : i32
    %scan3A_72 = arith.constant 16 : i32
    %scan3A_73 = arith.addi %scan3A_71, %scan3A_72 : i32
    %scan3A_74 = arith.constant 1 : i32
    %scan3A_75:4 = scf.for %scan3A_151 = %scan3A_71 to %scan3A_73 step %scan3A_74 iter_args(%scan3A_152 = %broadcast_in_dim3A_70, %scan3A_153 = %broadcast_in_dim3A_70, %scan3A_154 = %broadcast_in_dim3A_70, %scan3A_155 = %broadcast_in_dim3A_70) -> (vector<16xf32>, vector<16xf32>, vector<16xf32>, vector<16xf32>)  : i32 {
      %mul3A_156 = arith.constant 2 : i32
      %mul3A_157 = arith.muli %mul3A_156, %scan3A_151 : i32
      %mul3A_158 = arith.constant 16 : i32
      %mul3A_159 = arith.muli %mul3A_157, %mul3A_158 : i32
      %add3A_160 = arith.addi %mul3A_32, %mul3A_159 : i32
      %dma_wait3A_161 = arith.constant 0 : i32
      %dma_wait3A_162 = tpu.memref_slice %arg3[%add3A, %add3A_160, %dma_wait3A_161] : memref<32x1024x1024xf32, #tpu.memory_space<hbm>> -> memref<1x16x1024xf32, #tpu.memory_space<hbm>>
      %dma_wait3A_163 = tpu.memref_squeeze %dma_wait3A_162 : memref<1x16x1024xf32, #tpu.memory_space<hbm>> -> memref<16x1024xf32, #tpu.memory_space<hbm>>
      %dma_wait3A_164 = arith.constant 0 : i32
      %dma_wait3A_165 = tpu.memref_slice %arg3[%add3A, %add3A_160, %dma_wait3A_164] : memref<32x1024x1024xf32, #tpu.memory_space<hbm>> -> memref<1x16x1024xf32, #tpu.memory_space<hbm>>
      %dma_wait3A_166 = tpu.memref_squeeze %dma_wait3A_165 : memref<1x16x1024xf32, #tpu.memory_space<hbm>> -> memref<16x1024xf32, #tpu.memory_space<hbm>>
      tpu.wait_dma2 semaphore(%arg15 : memref<!tpu.dma_semaphore, #tpu.memory_space<semaphore_mem>>) src(%dma_wait3A_166 : memref<16x1024xf32, #tpu.memory_space<hbm>>) dst(%arg5 : memref<16x1024xf32, #tpu.memory_space<vmem>>)
      %mul3A_167 = arith.constant 16 : i32
      %mul3A_168 = arith.muli %mul3A_157, %mul3A_167 : i32
      %add3A_169 = arith.addi %mul3A_32, %mul3A_168 : i32
      %dma_wait3A_170 = arith.constant 0 : i32
      %dma_wait3A_171 = tpu.memref_slice %arg2[%add3A, %add3A_169, %dma_wait3A_170] : memref<32x1025x1025xf32, #tpu.memory_space<hbm>> -> memref<1x16x1025xf32, #tpu.memory_space<hbm>>
      %dma_wait3A_172 = tpu.memref_squeeze %dma_wait3A_171 : memref<1x16x1025xf32, #tpu.memory_space<hbm>> -> memref<16x1025xf32, #tpu.memory_space<hbm>>
      %dma_wait3A_173 = arith.constant 0 : i32
      %dma_wait3A_174 = tpu.memref_slice %arg2[%add3A, %add3A_169, %dma_wait3A_173] : memref<32x1025x1025xf32, #tpu.memory_space<hbm>> -> memref<1x16x1025xf32, #tpu.memory_space<hbm>>
      %dma_wait3A_175 = tpu.memref_squeeze %dma_wait3A_174 : memref<1x16x1025xf32, #tpu.memory_space<hbm>> -> memref<16x1025xf32, #tpu.memory_space<hbm>>
      tpu.wait_dma2 semaphore(%arg17 : memref<!tpu.dma_semaphore, #tpu.memory_space<semaphore_mem>>) src(%dma_wait3A_175 : memref<16x1025xf32, #tpu.memory_space<hbm>>) dst(%arg7 : memref<16x1025xf32, #tpu.memory_space<vmem>>)
      %scan3A_176 = arith.constant 0 : i32
      %scan3A_177 = arith.constant 64 : i32
      %scan3A_178 = arith.addi %scan3A_176, %scan3A_177 : i32
      %scan3A_179 = arith.constant 1 : i32
      %scan3A_180:10 = scf.for %scan3A_545 = %scan3A_176 to %scan3A_178 step %scan3A_179 iter_args(%scan3A_546 = %scan3A_152, %scan3A_547 = %scan3A_153, %scan3A_548 = %broadcast_in_dim3A_70, %scan3A_549 = %broadcast_in_dim3A_70, %scan3A_550 = %broadcast_in_dim3A_70, %scan3A_551 = %broadcast_in_dim3A_70, %scan3A_552 = %broadcast_in_dim3A_70, %scan3A_553 = %broadcast_in_dim3A_70, %scan3A_554 = %broadcast_in_dim3A_70, %scan3A_555 = %broadcast_in_dim3A_70) -> (vector<16xf32>, vector<16xf32>, vector<16xf32>, vector<16xf32>, vector<16xf32>, vector<16xf32>, vector<16xf32>, vector<16xf32>, vector<16xf32>, vector<16xf32>)  : i32 {
        %mul3A_556 = arith.constant 16 : i32
        %mul3A_557 = arith.muli %scan3A_545, %mul3A_556 : i32
        %get3A = arith.constant 0 : i32
        %get3A_558 = arith.index_cast %get3A : i32 to index
        %get3A_559 = arith.index_cast %mul3A_557 : i32 to index
        %get3A_560 = tpu.vector_load %arg10[%get3A_558, %get3A_559] {strides = array<i32>} : memref<1x1040xf32, #tpu.memory_space<vmem>>, vector<16xf32>,
        %get3A_561 = arith.constant 0 : i32
        %get3A_562 = arith.index_cast %get3A_561 : i32 to index
        %get3A_563 = arith.index_cast %mul3A_557 : i32 to index
        %get3A_564 = tpu.vector_load %arg5[%get3A_562, %get3A_563] {strides = array<i32>} : memref<16x1024xf32, #tpu.memory_space<vmem>>, vector<16xf32>,
        %get3A_565 = arith.constant 0 : i32
        %get3A_566 = arith.index_cast %get3A_565 : i32 to index
        %get3A_567 = arith.index_cast %mul3A_557 : i32 to index
        %get3A_568 = tpu.vector_load %arg7[%get3A_566, %get3A_567] {strides = array<i32>} : memref<16x1025xf32, #tpu.memory_space<vmem>>, vector<16xf32>,
        %ge3A = arith.constant 5.000000e-02 : f32
        %ge3A_569 = vector.broadcast %ge3A : f32 to vector<16xf32>
        %ge3A_570 = arith.cmpf oge, %get3A_564, %ge3A_569 : vector<16xf32>
        %min3A_571 = arith.constant 1.000000e+00 : f32
        %min3A_572 = vector.broadcast %min3A_571 : f32 to vector<16xf32>
        %min3A_573 = arith.minimumf %get3A_564, %min3A_572 : vector<16xf32>
        %jit3A_574 = arith.constant 0.000000e+00 : f32
        %broadcast_in_dim3A_575 = vector.broadcast %jit3A_574 : f32 to vector<16xf32>
        %select_n3A_576 = arith.select %ge3A_570, %min3A_573, %broadcast_in_dim3A_575 : vector<16xi1>, vector<16xf32>
        %mul3A_577 = arith.mulf %get3A_568, %select_n3A_576 : vector<16xf32>
        %add3A_578 = arith.addf %scan3A_546, %mul3A_577 : vector<16xf32>
        %jit3A_579 = arith.constant 1.000000e+00 : f32
        %jit3A_580 = arith.constant 0.000000e+00 : f32
        %broadcast_in_dim3A_581 = vector.broadcast %jit3A_579 : f32 to vector<16xf32>
        %broadcast_in_dim3A_582 = vector.broadcast %jit3A_580 : f32 to vector<16xf32>
        %select_n3A_583 = arith.select %ge3A_570, %broadcast_in_dim3A_581, %broadcast_in_dim3A_582 : vector<16xi1>, vector<16xf32>
        %add3A_584 = arith.addf %scan3A_547, %select_n3A_583 : vector<16xf32>
        %add3A_585 = arith.addf %get3A_560, %select_n3A_576 : vector<16xf32>
        %add3A_586 = arith.addf %scan3A_548, %select_n3A_576 : vector<16xf32>
        %get3A_587 = arith.constant 1 : i32
        %get3A_588 = arith.index_cast %get3A_587 : i32 to index
        %get3A_589 = arith.index_cast %mul3A_557 : i32 to index
        %get3A_590 = tpu.vector_load %arg5[%get3A_588, %get3A_589] {strides = array<i32>} : memref<16x1024xf32, #tpu.memory_space<vmem>>, vector<16xf32>,
        %get3A_591 = arith.constant 1 : i32
        %get3A_592 = arith.index_cast %get3A_591 : i32 to index
        %get3A_593 = arith.index_cast %mul3A_557 : i32 to index
        %get3A_594 = tpu.vector_load %arg7[%get3A_592, %get3A_593] {strides = array<i32>} : memref<16x1025xf32, #tpu.memory_space<vmem>>, vector<16xf32>,
        %ge3A_595 = arith.constant 5.000000e-02 : f32
        %ge3A_596 = vector.broadcast %ge3A_595 : f32 to vector<16xf32>
        %ge3A_597 = arith.cmpf oge, %get3A_590, %ge3A_596 : vector<16xf32>
        %min3A_598 = arith.constant 1.000000e+00 : f32
        %min3A_599 = vector.broadcast %min3A_598 : f32 to vector<16xf32>
        %min3A_600 = arith.minimumf %get3A_590, %min3A_599 : vector<16xf32>
        %jit3A_601 = arith.constant 0.000000e+00 : f32
        %broadcast_in_dim3A_602 = vector.broadcast %jit3A_601 : f32 to vector<16xf32>
        %select_n3A_603 = arith.select %ge3A_597, %min3A_600, %broadcast_in_dim3A_602 : vector<16xi1>, vector<16xf32>
        %mul3A_604 = arith.mulf %get3A_594, %select_n3A_603 : vector<16xf32>
        %add3A_605 = arith.addf %add3A_578, %mul3A_604 : vector<16xf32>
        %jit3A_606 = arith.constant 1.000000e+00 : f32
        %jit3A_607 = arith.constant 0.000000e+00 : f32
        %broadcast_in_dim3A_608 = vector.broadcast %jit3A_606 : f32 to vector<16xf32>
        %broadcast_in_dim3A_609 = vector.broadcast %jit3A_607 : f32 to vector<16xf32>
        %select_n3A_610 = arith.select %ge3A_597, %broadcast_in_dim3A_608, %broadcast_in_dim3A_609 : vector<16xi1>, vector<16xf32>
        %add3A_611 = arith.addf %add3A_584, %select_n3A_610 : vector<16xf32>
        %add3A_612 = arith.addf %add3A_585, %select_n3A_603 : vector<16xf32>
        %add3A_613 = arith.addf %scan3A_549, %select_n3A_603 : vector<16xf32>
        %get3A_614 = arith.constant 2 : i32
        %get3A_615 = arith.index_cast %get3A_614 : i32 to index
        %get3A_616 = arith.index_cast %mul3A_557 : i32 to index
        %get3A_617 = tpu.vector_load %arg5[%get3A_615, %get3A_616] {strides = array<i32>} : memref<16x1024xf32, #tpu.memory_space<vmem>>, vector<16xf32>,
        %get3A_618 = arith.constant 2 : i32
        %get3A_619 = arith.index_cast %get3A_618 : i32 to index
        %get3A_620 = arith.index_cast %mul3A_557 : i32 to index
        %get3A_621 = tpu.vector_load %arg7[%get3A_619, %get3A_620] {strides = array<i32>} : memref<16x1025xf32, #tpu.memory_space<vmem>>, vector<16xf32>,
        %ge3A_622 = arith.constant 5.000000e-02 : f32
        %ge3A_623 = vector.broadcast %ge3A_622 : f32 to vector<16xf32>
        %ge3A_624 = arith.cmpf oge, %get3A_617, %ge3A_623 : vector<16xf32>
        %min3A_625 = arith.constant 1.000000e+00 : f32
        %min3A_626 = vector.broadcast %min3A_625 : f32 to vector<16xf32>
        %min3A_627 = arith.minimumf %get3A_617, %min3A_626 : vector<16xf32>
        %jit3A_628 = arith.constant 0.000000e+00 : f32
        %broadcast_in_dim3A_629 = vector.broadcast %jit3A_628 : f32 to vector<16xf32>
        %select_n3A_630 = arith.select %ge3A_624, %min3A_627, %broadcast_in_dim3A_629 : vector<16xi1>, vector<16xf32>
        %mul3A_631 = arith.mulf %get3A_621, %select_n3A_630 : vector<16xf32>
        %add3A_632 = arith.addf %add3A_605, %mul3A_631 : vector<16xf32>
        %jit3A_633 = arith.constant 1.000000e+00 : f32
        %jit3A_634 = arith.constant 0.000000e+00 : f32
        %broadcast_in_dim3A_635 = vector.broadcast %jit3A_633 : f32 to vector<16xf32>
        %broadcast_in_dim3A_636 = vector.broadcast %jit3A_634 : f32 to vector<16xf32>
        %select_n3A_637 = arith.select %ge3A_624, %broadcast_in_dim3A_635, %broadcast_in_dim3A_636 : vector<16xi1>, vector<16xf32>
        %add3A_638 = arith.addf %add3A_611, %select_n3A_637 : vector<16xf32>
        %add3A_639 = arith.addf %add3A_612, %select_n3A_630 : vector<16xf32>
        %add3A_640 = arith.addf %scan3A_550, %select_n3A_630 : vector<16xf32>
        %get3A_641 = arith.constant 3 : i32
        %get3A_642 = arith.index_cast %get3A_641 : i32 to index
        %get3A_643 = arith.index_cast %mul3A_557 : i32 to index
        %get3A_644 = tpu.vector_load %arg5[%get3A_642, %get3A_643] {strides = array<i32>} : memref<16x1024xf32, #tpu.memory_space<vmem>>, vector<16xf32>,
        %get3A_645 = arith.constant 3 : i32
        %get3A_646 = arith.index_cast %get3A_645 : i32 to index
        %get3A_647 = arith.index_cast %mul3A_557 : i32 to index
        %get3A_648 = tpu.vector_load %arg7[%get3A_646, %get3A_647] {strides = array<i32>} : memref<16x1025xf32, #tpu.memory_space<vmem>>, vector<16xf32>,
        %ge3A_649 = arith.constant 5.000000e-02 : f32
        %ge3A_650 = vector.broadcast %ge3A_649 : f32 to vector<16xf32>
        %ge3A_651 = arith.cmpf oge, %get3A_644, %ge3A_650 : vector<16xf32>
        %min3A_652 = arith.constant 1.000000e+00 : f32
        %min3A_653 = vector.broadcast %min3A_652 : f32 to vector<16xf32>
        %min3A_654 = arith.minimumf %get3A_644, %min3A_653 : vector<16xf32>
        %jit3A_655 = arith.constant 0.000000e+00 : f32
        %broadcast_in_dim3A_656 = vector.broadcast %jit3A_655 : f32 to vector<16xf32>
        %select_n3A_657 = arith.select %ge3A_651, %min3A_654, %broadcast_in_dim3A_656 : vector<16xi1>, vector<16xf32>
        %mul3A_658 = arith.mulf %get3A_648, %select_n3A_657 : vector<16xf32>
        %add3A_659 = arith.addf %add3A_632, %mul3A_658 : vector<16xf32>
        %jit3A_660 = arith.constant 1.000000e+00 : f32
        %jit3A_661 = arith.constant 0.000000e+00 : f32
        %broadcast_in_dim3A_662 = vector.broadcast %jit3A_660 : f32 to vector<16xf32>
        %broadcast_in_dim3A_663 = vector.broadcast %jit3A_661 : f32 to vector<16xf32>
        %select_n3A_664 = arith.select %ge3A_651, %broadcast_in_dim3A_662, %broadcast_in_dim3A_663 : vector<16xi1>, vector<16xf32>
        %add3A_665 = arith.addf %add3A_638, %select_n3A_664 : vector<16xf32>
        %add3A_666 = arith.addf %add3A_639, %select_n3A_657 : vector<16xf32>
        %add3A_667 = arith.addf %scan3A_551, %select_n3A_657 : vector<16xf32>
        %get3A_668 = arith.constant 4 : i32
        %get3A_669 = arith.index_cast %get3A_668 : i32 to index
        %get3A_670 = arith.index_cast %mul3A_557 : i32 to index
        %get3A_671 = tpu.vector_load %arg5[%get3A_669, %get3A_670] {strides = array<i32>} : memref<16x1024xf32, #tpu.memory_space<vmem>>, vector<16xf32>,
        %get3A_672 = arith.constant 4 : i32
        %get3A_673 = arith.index_cast %get3A_672 : i32 to index
        %get3A_674 = arith.index_cast %mul3A_557 : i32 to index
        %get3A_675 = tpu.vector_load %arg7[%get3A_673, %get3A_674] {strides = array<i32>} : memref<16x1025xf32, #tpu.memory_space<vmem>>, vector<16xf32>,
        %ge3A_676 = arith.constant 5.000000e-02 : f32
        %ge3A_677 = vector.broadcast %ge3A_676 : f32 to vector<16xf32>
        %ge3A_678 = arith.cmpf oge, %get3A_671, %ge3A_677 : vector<16xf32>
        %min3A_679 = arith.constant 1.000000e+00 : f32
        %min3A_680 = vector.broadcast %min3A_679 : f32 to vector<16xf32>
        %min3A_681 = arith.minimumf %get3A_671, %min3A_680 : vector<16xf32>
        %jit3A_682 = arith.constant 0.000000e+00 : f32
        %broadcast_in_dim3A_683 = vector.broadcast %jit3A_682 : f32 to vector<16xf32>
        %select_n3A_684 = arith.select %ge3A_678, %min3A_681, %broadcast_in_dim3A_683 : vector<16xi1>, vector<16xf32>
        %mul3A_685 = arith.mulf %get3A_675, %select_n3A_684 : vector<16xf32>
        %add3A_686 = arith.addf %add3A_659, %mul3A_685 : vector<16xf32>
        %jit3A_687 = arith.constant 1.000000e+00 : f32
        %jit3A_688 = arith.constant 0.000000e+00 : f32
        %broadcast_in_dim3A_689 = vector.broadcast %jit3A_687 : f32 to vector<16xf32>
        %broadcast_in_dim3A_690 = vector.broadcast %jit3A_688 : f32 to vector<16xf32>
        %select_n3A_691 = arith.select %ge3A_678, %broadcast_in_dim3A_689, %broadcast_in_dim3A_690 : vector<16xi1>, vector<16xf32>
        %add3A_692 = arith.addf %add3A_665, %select_n3A_691 : vector<16xf32>
        %add3A_693 = arith.addf %add3A_666, %select_n3A_684 : vector<16xf32>
        %add3A_694 = arith.addf %scan3A_552, %select_n3A_684 : vector<16xf32>
        %get3A_695 = arith.constant 5 : i32
        %get3A_696 = arith.index_cast %get3A_695 : i32 to index
        %get3A_697 = arith.index_cast %mul3A_557 : i32 to index
        %get3A_698 = tpu.vector_load %arg5[%get3A_696, %get3A_697] {strides = array<i32>} : memref<16x1024xf32, #tpu.memory_space<vmem>>, vector<16xf32>,
        %get3A_699 = arith.constant 5 : i32
        %get3A_700 = arith.index_cast %get3A_699 : i32 to index
        %get3A_701 = arith.index_cast %mul3A_557 : i32 to index
        %get3A_702 = tpu.vector_load %arg7[%get3A_700, %get3A_701] {strides = array<i32>} : memref<16x1025xf32, #tpu.memory_space<vmem>>, vector<16xf32>,
        %ge3A_703 = arith.constant 5.000000e-02 : f32
        %ge3A_704 = vector.broadcast %ge3A_703 : f32 to vector<16xf32>
        %ge3A_705 = arith.cmpf oge, %get3A_698, %ge3A_704 : vector<16xf32>
        %min3A_706 = arith.constant 1.000000e+00 : f32
        %min3A_707 = vector.broadcast %min3A_706 : f32 to vector<16xf32>
        %min3A_708 = arith.minimumf %get3A_698, %min3A_707 : vector<16xf32>
        %jit3A_709 = arith.constant 0.000000e+00 : f32
        %broadcast_in_dim3A_710 = vector.broadcast %jit3A_709 : f32 to vector<16xf32>
        %select_n3A_711 = arith.select %ge3A_705, %min3A_708, %broadcast_in_dim3A_710 : vector<16xi1>, vector<16xf32>
        %mul3A_712 = arith.mulf %get3A_702, %select_n3A_711 : vector<16xf32>
        %add3A_713 = arith.addf %add3A_686, %mul3A_712 : vector<16xf32>
        %jit3A_714 = arith.constant 1.000000e+00 : f32
        %jit3A_715 = arith.constant 0.000000e+00 : f32
        %broadcast_in_dim3A_716 = vector.broadcast %jit3A_714 : f32 to vector<16xf32>
        %broadcast_in_dim3A_717 = vector.broadcast %jit3A_715 : f32 to vector<16xf32>
        %select_n3A_718 = arith.select %ge3A_705, %broadcast_in_dim3A_716, %broadcast_in_dim3A_717 : vector<16xi1>, vector<16xf32>
        %add3A_719 = arith.addf %add3A_692, %select_n3A_718 : vector<16xf32>
        %add3A_720 = arith.addf %add3A_693, %select_n3A_711 : vector<16xf32>
        %add3A_721 = arith.addf %scan3A_553, %select_n3A_711 : vector<16xf32>
        %get3A_722 = arith.constant 6 : i32
        %get3A_723 = arith.index_cast %get3A_722 : i32 to index
        %get3A_724 = arith.index_cast %mul3A_557 : i32 to index
        %get3A_725 = tpu.vector_load %arg5[%get3A_723, %get3A_724] {strides = array<i32>} : memref<16x1024xf32, #tpu.memory_space<vmem>>, vector<16xf32>,
        %get3A_726 = arith.constant 6 : i32
        %get3A_727 = arith.index_cast %get3A_726 : i32 to index
        %get3A_728 = arith.index_cast %mul3A_557 : i32 to index
        %get3A_729 = tpu.vector_load %arg7[%get3A_727, %get3A_728] {strides = array<i32>} : memref<16x1025xf32, #tpu.memory_space<vmem>>, vector<16xf32>,
        %ge3A_730 = arith.constant 5.000000e-02 : f32
        %ge3A_731 = vector.broadcast %ge3A_730 : f32 to vector<16xf32>
        %ge3A_732 = arith.cmpf oge, %get3A_725, %ge3A_731 : vector<16xf32>
        %min3A_733 = arith.constant 1.000000e+00 : f32
        %min3A_734 = vector.broadcast %min3A_733 : f32 to vector<16xf32>
        %min3A_735 = arith.minimumf %get3A_725, %min3A_734 : vector<16xf32>
        %jit3A_736 = arith.constant 0.000000e+00 : f32
        %broadcast_in_dim3A_737 = vector.broadcast %jit3A_736 : f32 to vector<16xf32>
        %select_n3A_738 = arith.select %ge3A_732, %min3A_735, %broadcast_in_dim3A_737 : vector<16xi1>, vector<16xf32>
        %mul3A_739 = arith.mulf %get3A_729, %select_n3A_738 : vector<16xf32>
        %add3A_740 = arith.addf %add3A_713, %mul3A_739 : vector<16xf32>
        %jit3A_741 = arith.constant 1.000000e+00 : f32
        %jit3A_742 = arith.constant 0.000000e+00 : f32
        %broadcast_in_dim3A_743 = vector.broadcast %jit3A_741 : f32 to vector<16xf32>
        %broadcast_in_dim3A_744 = vector.broadcast %jit3A_742 : f32 to vector<16xf32>
        %select_n3A_745 = arith.select %ge3A_732, %broadcast_in_dim3A_743, %broadcast_in_dim3A_744 : vector<16xi1>, vector<16xf32>
        %add3A_746 = arith.addf %add3A_719, %select_n3A_745 : vector<16xf32>
        %add3A_747 = arith.addf %add3A_720, %select_n3A_738 : vector<16xf32>
        %add3A_748 = arith.addf %scan3A_554, %select_n3A_738 : vector<16xf32>
        %get3A_749 = arith.constant 7 : i32
        %get3A_750 = arith.index_cast %get3A_749 : i32 to index
        %get3A_751 = arith.index_cast %mul3A_557 : i32 to index
        %get3A_752 = tpu.vector_load %arg5[%get3A_750, %get3A_751] {strides = array<i32>} : memref<16x1024xf32, #tpu.memory_space<vmem>>, vector<16xf32>,
        %get3A_753 = arith.constant 7 : i32
        %get3A_754 = arith.index_cast %get3A_753 : i32 to index
        %get3A_755 = arith.index_cast %mul3A_557 : i32 to index
        %get3A_756 = tpu.vector_load %arg7[%get3A_754, %get3A_755] {strides = array<i32>} : memref<16x1025xf32, #tpu.memory_space<vmem>>, vector<16xf32>,
        %ge3A_757 = arith.constant 5.000000e-02 : f32
        %ge3A_758 = vector.broadcast %ge3A_757 : f32 to vector<16xf32>
        %ge3A_759 = arith.cmpf oge, %get3A_752, %ge3A_758 : vector<16xf32>
        %min3A_760 = arith.constant 1.000000e+00 : f32
        %min3A_761 = vector.broadcast %min3A_760 : f32 to vector<16xf32>
        %min3A_762 = arith.minimumf %get3A_752, %min3A_761 : vector<16xf32>
        %jit3A_763 = arith.constant 0.000000e+00 : f32
        %broadcast_in_dim3A_764 = vector.broadcast %jit3A_763 : f32 to vector<16xf32>
        %select_n3A_765 = arith.select %ge3A_759, %min3A_762, %broadcast_in_dim3A_764 : vector<16xi1>, vector<16xf32>
        %mul3A_766 = arith.mulf %get3A_756, %select_n3A_765 : vector<16xf32>
        %add3A_767 = arith.addf %add3A_740, %mul3A_766 : vector<16xf32>
        %jit3A_768 = arith.constant 1.000000e+00 : f32
        %jit3A_769 = arith.constant 0.000000e+00 : f32
        %broadcast_in_dim3A_770 = vector.broadcast %jit3A_768 : f32 to vector<16xf32>
        %broadcast_in_dim3A_771 = vector.broadcast %jit3A_769 : f32 to vector<16xf32>
        %select_n3A_772 = arith.select %ge3A_759, %broadcast_in_dim3A_770, %broadcast_in_dim3A_771 : vector<16xi1>, vector<16xf32>
        %add3A_773 = arith.addf %add3A_746, %select_n3A_772 : vector<16xf32>
        %add3A_774 = arith.addf %add3A_747, %select_n3A_765 : vector<16xf32>
        %add3A_775 = arith.addf %scan3A_555, %select_n3A_765 : vector<16xf32>
        %swap3A_776 = arith.constant 0 : i32
        %swap3A_777 = arith.index_cast %swap3A_776 : i32 to index
        %swap3A_778 = arith.index_cast %mul3A_557 : i32 to index
        %swap3A_779 = tpu.vector_load %arg10[%swap3A_777, %swap3A_778] {strides = array<i32>} : memref<1x1040xf32, #tpu.memory_space<vmem>>, vector<16xf32>,
        tpu.vector_store %arg10[%swap3A_777, %swap3A_778], %add3A_774 {strides = array<i32>} : memref<1x1040xf32, #tpu.memory_space<vmem>>, vector<16xf32>,
        scf.yield %add3A_767, %add3A_773, %add3A_586, %add3A_613, %add3A_640, %add3A_667, %add3A_694, %add3A_721, %add3A_748, %add3A_775 : vector<16xf32>, vector<16xf32>, vector<16xf32>, vector<16xf32>, vector<16xf32>, vector<16xf32>, vector<16xf32>, vector<16xf32>, vector<16xf32>, vector<16xf32>
      }
      %scan3A_181 = arith.constant 64 : i32
      %swap3A_182 = arith.constant 0 : i32
      %swap3A_183 = arith.index_cast %swap3A_182 : i32 to index
      %swap3A_184 = arith.constant 0 : index
      %swap3A_185 = tpu.vector_load %arg12[%swap3A_183, %swap3A_184] {strides = array<i32>} : memref<16x16xf32, #tpu.memory_space<vmem>>, vector<16xf32>,
      tpu.vector_store %arg12[%swap3A_183, %swap3A_184], %scan3A_180#2 {strides = array<i32>} : memref<16x16xf32, #tpu.memory_space<vmem>>, vector<16xf32>,
      %swap3A_186 = arith.constant 1 : i32
      %swap3A_187 = arith.index_cast %swap3A_186 : i32 to index
      %swap3A_188 = arith.constant 0 : index
      %swap3A_189 = tpu.vector_load %arg12[%swap3A_187, %swap3A_188] {strides = array<i32>} : memref<16x16xf32, #tpu.memory_space<vmem>>, vector<16xf32>,
      tpu.vector_store %arg12[%swap3A_187, %swap3A_188], %scan3A_180#3 {strides = array<i32>} : memref<16x16xf32, #tpu.memory_space<vmem>>, vector<16xf32>,
      %swap3A_190 = arith.constant 2 : i32
      %swap3A_191 = arith.index_cast %swap3A_190 : i32 to index
      %swap3A_192 = arith.constant 0 : index
      %swap3A_193 = tpu.vector_load %arg12[%swap3A_191, %swap3A_192] {strides = array<i32>} : memref<16x16xf32, #tpu.memory_space<vmem>>, vector<16xf32>,
      tpu.vector_store %arg12[%swap3A_191, %swap3A_192], %scan3A_180#4 {strides = array<i32>} : memref<16x16xf32, #tpu.memory_space<vmem>>, vector<16xf32>,
      %swap3A_194 = arith.constant 3 : i32
      %swap3A_195 = arith.index_cast %swap3A_194 : i32 to index
      %swap3A_196 = arith.constant 0 : index
      %swap3A_197 = tpu.vector_load %arg12[%swap3A_195, %swap3A_196] {strides = array<i32>} : memref<16x16xf32, #tpu.memory_space<vmem>>, vector<16xf32>,
      tpu.vector_store %arg12[%swap3A_195, %swap3A_196], %scan3A_180#5 {strides = array<i32>} : memref<16x16xf32, #tpu.memory_space<vmem>>, vector<16xf32>,
      %swap3A_198 = arith.constant 4 : i32
      %swap3A_199 = arith.index_cast %swap3A_198 : i32 to index
      %swap3A_200 = arith.constant 0 : index
      %swap3A_201 = tpu.vector_load %arg12[%swap3A_199, %swap3A_200] {strides = array<i32>} : memref<16x16xf32, #tpu.memory_space<vmem>>, vector<16xf32>,
      tpu.vector_store %arg12[%swap3A_199, %swap3A_200], %scan3A_180#6 {strides = array<i32>} : memref<16x16xf32, #tpu.memory_space<vmem>>, vector<16xf32>,
      %swap3A_202 = arith.constant 5 : i32
      %swap3A_203 = arith.index_cast %swap3A_202 : i32 to index
      %swap3A_204 = arith.constant 0 : index
      %swap3A_205 = tpu.vector_load %arg12[%swap3A_203, %swap3A_204] {strides = array<i32>} : memref<16x16xf32, #tpu.memory_space<vmem>>, vector<16xf32>,
      tpu.vector_store %arg12[%swap3A_203, %swap3A_204], %scan3A_180#7 {strides = array<i32>} : memref<16x16xf32, #tpu.memory_space<vmem>>, vector<16xf32>,
      %swap3A_206 = arith.constant 6 : i32
      %swap3A_207 = arith.index_cast %swap3A_206 : i32 to index
      %swap3A_208 = arith.constant 0 : index
      %swap3A_209 = tpu.vector_load %arg12[%swap3A_207, %swap3A_208] {strides = array<i32>} : memref<16x16xf32, #tpu.memory_space<vmem>>, vector<16xf32>,
      tpu.vector_store %arg12[%swap3A_207, %swap3A_208], %scan3A_180#8 {strides = array<i32>} : memref<16x16xf32, #tpu.memory_space<vmem>>, vector<16xf32>,
      %swap3A_210 = arith.constant 7 : i32
      %swap3A_211 = arith.index_cast %swap3A_210 : i32 to index
      %swap3A_212 = arith.constant 0 : index
      %swap3A_213 = tpu.vector_load %arg12[%swap3A_211, %swap3A_212] {strides = array<i32>} : memref<16x16xf32, #tpu.memory_space<vmem>>, vector<16xf32>,
      tpu.vector_store %arg12[%swap3A_211, %swap3A_212], %scan3A_180#9 {strides = array<i32>} : memref<16x16xf32, #tpu.memory_space<vmem>>, vector<16xf32>,
      %scan3A_214 = arith.constant 0 : i32
      %scan3A_215 = arith.constant 64 : i32
      %scan3A_216 = arith.addi %scan3A_214, %scan3A_215 : i32
      %scan3A_217 = arith.constant 1 : i32
      %scan3A_218:10 = scf.for %scan3A_545 = %scan3A_214 to %scan3A_216 step %scan3A_217 iter_args(%scan3A_546 = %scan3A_180#0, %scan3A_547 = %scan3A_180#1, %scan3A_548 = %broadcast_in_dim3A_70, %scan3A_549 = %broadcast_in_dim3A_70, %scan3A_550 = %broadcast_in_dim3A_70, %scan3A_551 = %broadcast_in_dim3A_70, %scan3A_552 = %broadcast_in_dim3A_70, %scan3A_553 = %broadcast_in_dim3A_70, %scan3A_554 = %broadcast_in_dim3A_70, %scan3A_555 = %broadcast_in_dim3A_70) -> (vector<16xf32>, vector<16xf32>, vector<16xf32>, vector<16xf32>, vector<16xf32>, vector<16xf32>, vector<16xf32>, vector<16xf32>, vector<16xf32>, vector<16xf32>)  : i32 {
        %mul3A_556 = arith.constant 16 : i32
        %mul3A_557 = arith.muli %scan3A_545, %mul3A_556 : i32
        %get3A = arith.constant 0 : i32
        %get3A_558 = arith.index_cast %get3A : i32 to index
        %get3A_559 = arith.index_cast %mul3A_557 : i32 to index
        %get3A_560 = tpu.vector_load %arg10[%get3A_558, %get3A_559] {strides = array<i32>} : memref<1x1040xf32, #tpu.memory_space<vmem>>, vector<16xf32>,
        %get3A_561 = arith.constant 8 : i32
        %get3A_562 = arith.index_cast %get3A_561 : i32 to index
        %get3A_563 = arith.index_cast %mul3A_557 : i32 to index
        %get3A_564 = tpu.vector_load %arg5[%get3A_562, %get3A_563] {strides = array<i32>} : memref<16x1024xf32, #tpu.memory_space<vmem>>, vector<16xf32>,
        %get3A_565 = arith.constant 8 : i32
        %get3A_566 = arith.index_cast %get3A_565 : i32 to index
        %get3A_567 = arith.index_cast %mul3A_557 : i32 to index
        %get3A_568 = tpu.vector_load %arg7[%get3A_566, %get3A_567] {strides = array<i32>} : memref<16x1025xf32, #tpu.memory_space<vmem>>, vector<16xf32>,
        %ge3A = arith.constant 5.000000e-02 : f32
        %ge3A_569 = vector.broadcast %ge3A : f32 to vector<16xf32>
        %ge3A_570 = arith.cmpf oge, %get3A_564, %ge3A_569 : vector<16xf32>
        %min3A_571 = arith.constant 1.000000e+00 : f32
        %min3A_572 = vector.broadcast %min3A_571 : f32 to vector<16xf32>
        %min3A_573 = arith.minimumf %get3A_564, %min3A_572 : vector<16xf32>
        %jit3A_574 = arith.constant 0.000000e+00 : f32
        %broadcast_in_dim3A_575 = vector.broadcast %jit3A_574 : f32 to vector<16xf32>
        %select_n3A_576 = arith.select %ge3A_570, %min3A_573, %broadcast_in_dim3A_575 : vector<16xi1>, vector<16xf32>
        %mul3A_577 = arith.mulf %get3A_568, %select_n3A_576 : vector<16xf32>
        %add3A_578 = arith.addf %scan3A_546, %mul3A_577 : vector<16xf32>
        %jit3A_579 = arith.constant 1.000000e+00 : f32
        %jit3A_580 = arith.constant 0.000000e+00 : f32
        %broadcast_in_dim3A_581 = vector.broadcast %jit3A_579 : f32 to vector<16xf32>
        %broadcast_in_dim3A_582 = vector.broadcast %jit3A_580 : f32 to vector<16xf32>
        %select_n3A_583 = arith.select %ge3A_570, %broadcast_in_dim3A_581, %broadcast_in_dim3A_582 : vector<16xi1>, vector<16xf32>
        %add3A_584 = arith.addf %scan3A_547, %select_n3A_583 : vector<16xf32>
        %add3A_585 = arith.addf %get3A_560, %select_n3A_576 : vector<16xf32>
        %add3A_586 = arith.addf %scan3A_548, %select_n3A_576 : vector<16xf32>
        %get3A_587 = arith.constant 9 : i32
        %get3A_588 = arith.index_cast %get3A_587 : i32 to index
        %get3A_589 = arith.index_cast %mul3A_557 : i32 to index
        %get3A_590 = tpu.vector_load %arg5[%get3A_588, %get3A_589] {strides = array<i32>} : memref<16x1024xf32, #tpu.memory_space<vmem>>, vector<16xf32>,
        %get3A_591 = arith.constant 9 : i32
        %get3A_592 = arith.index_cast %get3A_591 : i32 to index
        %get3A_593 = arith.index_cast %mul3A_557 : i32 to index
        %get3A_594 = tpu.vector_load %arg7[%get3A_592, %get3A_593] {strides = array<i32>} : memref<16x1025xf32, #tpu.memory_space<vmem>>, vector<16xf32>,
        %ge3A_595 = arith.constant 5.000000e-02 : f32
        %ge3A_596 = vector.broadcast %ge3A_595 : f32 to vector<16xf32>
        %ge3A_597 = arith.cmpf oge, %get3A_590, %ge3A_596 : vector<16xf32>
        %min3A_598 = arith.constant 1.000000e+00 : f32
        %min3A_599 = vector.broadcast %min3A_598 : f32 to vector<16xf32>
        %min3A_600 = arith.minimumf %get3A_590, %min3A_599 : vector<16xf32>
        %jit3A_601 = arith.constant 0.000000e+00 : f32
        %broadcast_in_dim3A_602 = vector.broadcast %jit3A_601 : f32 to vector<16xf32>
        %select_n3A_603 = arith.select %ge3A_597, %min3A_600, %broadcast_in_dim3A_602 : vector<16xi1>, vector<16xf32>
        %mul3A_604 = arith.mulf %get3A_594, %select_n3A_603 : vector<16xf32>
        %add3A_605 = arith.addf %add3A_578, %mul3A_604 : vector<16xf32>
        %jit3A_606 = arith.constant 1.000000e+00 : f32
        %jit3A_607 = arith.constant 0.000000e+00 : f32
        %broadcast_in_dim3A_608 = vector.broadcast %jit3A_606 : f32 to vector<16xf32>
        %broadcast_in_dim3A_609 = vector.broadcast %jit3A_607 : f32 to vector<16xf32>
        %select_n3A_610 = arith.select %ge3A_597, %broadcast_in_dim3A_608, %broadcast_in_dim3A_609 : vector<16xi1>, vector<16xf32>
        %add3A_611 = arith.addf %add3A_584, %select_n3A_610 : vector<16xf32>
        %add3A_612 = arith.addf %add3A_585, %select_n3A_603 : vector<16xf32>
        %add3A_613 = arith.addf %scan3A_549, %select_n3A_603 : vector<16xf32>
        %get3A_614 = arith.constant 10 : i32
        %get3A_615 = arith.index_cast %get3A_614 : i32 to index
        %get3A_616 = arith.index_cast %mul3A_557 : i32 to index
        %get3A_617 = tpu.vector_load %arg5[%get3A_615, %get3A_616] {strides = array<i32>} : memref<16x1024xf32, #tpu.memory_space<vmem>>, vector<16xf32>,
        %get3A_618 = arith.constant 10 : i32
        %get3A_619 = arith.index_cast %get3A_618 : i32 to index
        %get3A_620 = arith.index_cast %mul3A_557 : i32 to index
        %get3A_621 = tpu.vector_load %arg7[%get3A_619, %get3A_620] {strides = array<i32>} : memref<16x1025xf32, #tpu.memory_space<vmem>>, vector<16xf32>,
        %ge3A_622 = arith.constant 5.000000e-02 : f32
        %ge3A_623 = vector.broadcast %ge3A_622 : f32 to vector<16xf32>
        %ge3A_624 = arith.cmpf oge, %get3A_617, %ge3A_623 : vector<16xf32>
        %min3A_625 = arith.constant 1.000000e+00 : f32
        %min3A_626 = vector.broadcast %min3A_625 : f32 to vector<16xf32>
        %min3A_627 = arith.minimumf %get3A_617, %min3A_626 : vector<16xf32>
        %jit3A_628 = arith.constant 0.000000e+00 : f32
        %broadcast_in_dim3A_629 = vector.broadcast %jit3A_628 : f32 to vector<16xf32>
        %select_n3A_630 = arith.select %ge3A_624, %min3A_627, %broadcast_in_dim3A_629 : vector<16xi1>, vector<16xf32>
        %mul3A_631 = arith.mulf %get3A_621, %select_n3A_630 : vector<16xf32>
        %add3A_632 = arith.addf %add3A_605, %mul3A_631 : vector<16xf32>
        %jit3A_633 = arith.constant 1.000000e+00 : f32
        %jit3A_634 = arith.constant 0.000000e+00 : f32
        %broadcast_in_dim3A_635 = vector.broadcast %jit3A_633 : f32 to vector<16xf32>
        %broadcast_in_dim3A_636 = vector.broadcast %jit3A_634 : f32 to vector<16xf32>
        %select_n3A_637 = arith.select %ge3A_624, %broadcast_in_dim3A_635, %broadcast_in_dim3A_636 : vector<16xi1>, vector<16xf32>
        %add3A_638 = arith.addf %add3A_611, %select_n3A_637 : vector<16xf32>
        %add3A_639 = arith.addf %add3A_612, %select_n3A_630 : vector<16xf32>
        %add3A_640 = arith.addf %scan3A_550, %select_n3A_630 : vector<16xf32>
        %get3A_641 = arith.constant 11 : i32
        %get3A_642 = arith.index_cast %get3A_641 : i32 to index
        %get3A_643 = arith.index_cast %mul3A_557 : i32 to index
        %get3A_644 = tpu.vector_load %arg5[%get3A_642, %get3A_643] {strides = array<i32>} : memref<16x1024xf32, #tpu.memory_space<vmem>>, vector<16xf32>,
        %get3A_645 = arith.constant 11 : i32
        %get3A_646 = arith.index_cast %get3A_645 : i32 to index
        %get3A_647 = arith.index_cast %mul3A_557 : i32 to index
        %get3A_648 = tpu.vector_load %arg7[%get3A_646, %get3A_647] {strides = array<i32>} : memref<16x1025xf32, #tpu.memory_space<vmem>>, vector<16xf32>,
        %ge3A_649 = arith.constant 5.000000e-02 : f32
        %ge3A_650 = vector.broadcast %ge3A_649 : f32 to vector<16xf32>
        %ge3A_651 = arith.cmpf oge, %get3A_644, %ge3A_650 : vector<16xf32>
        %min3A_652 = arith.constant 1.000000e+00 : f32
        %min3A_653 = vector.broadcast %min3A_652 : f32 to vector<16xf32>
        %min3A_654 = arith.minimumf %get3A_644, %min3A_653 : vector<16xf32>
        %jit3A_655 = arith.constant 0.000000e+00 : f32
        %broadcast_in_dim3A_656 = vector.broadcast %jit3A_655 : f32 to vector<16xf32>
        %select_n3A_657 = arith.select %ge3A_651, %min3A_654, %broadcast_in_dim3A_656 : vector<16xi1>, vector<16xf32>
        %mul3A_658 = arith.mulf %get3A_648, %select_n3A_657 : vector<16xf32>
        %add3A_659 = arith.addf %add3A_632, %mul3A_658 : vector<16xf32>
        %jit3A_660 = arith.constant 1.000000e+00 : f32
        %jit3A_661 = arith.constant 0.000000e+00 : f32
        %broadcast_in_dim3A_662 = vector.broadcast %jit3A_660 : f32 to vector<16xf32>
        %broadcast_in_dim3A_663 = vector.broadcast %jit3A_661 : f32 to vector<16xf32>
        %select_n3A_664 = arith.select %ge3A_651, %broadcast_in_dim3A_662, %broadcast_in_dim3A_663 : vector<16xi1>, vector<16xf32>
        %add3A_665 = arith.addf %add3A_638, %select_n3A_664 : vector<16xf32>
        %add3A_666 = arith.addf %add3A_639, %select_n3A_657 : vector<16xf32>
        %add3A_667 = arith.addf %scan3A_551, %select_n3A_657 : vector<16xf32>
        %get3A_668 = arith.constant 12 : i32
        %get3A_669 = arith.index_cast %get3A_668 : i32 to index
        %get3A_670 = arith.index_cast %mul3A_557 : i32 to index
        %get3A_671 = tpu.vector_load %arg5[%get3A_669, %get3A_670] {strides = array<i32>} : memref<16x1024xf32, #tpu.memory_space<vmem>>, vector<16xf32>,
        %get3A_672 = arith.constant 12 : i32
        %get3A_673 = arith.index_cast %get3A_672 : i32 to index
        %get3A_674 = arith.index_cast %mul3A_557 : i32 to index
        %get3A_675 = tpu.vector_load %arg7[%get3A_673, %get3A_674] {strides = array<i32>} : memref<16x1025xf32, #tpu.memory_space<vmem>>, vector<16xf32>,
        %ge3A_676 = arith.constant 5.000000e-02 : f32
        %ge3A_677 = vector.broadcast %ge3A_676 : f32 to vector<16xf32>
        %ge3A_678 = arith.cmpf oge, %get3A_671, %ge3A_677 : vector<16xf32>
        %min3A_679 = arith.constant 1.000000e+00 : f32
        %min3A_680 = vector.broadcast %min3A_679 : f32 to vector<16xf32>
        %min3A_681 = arith.minimumf %get3A_671, %min3A_680 : vector<16xf32>
        %jit3A_682 = arith.constant 0.000000e+00 : f32
        %broadcast_in_dim3A_683 = vector.broadcast %jit3A_682 : f32 to vector<16xf32>
        %select_n3A_684 = arith.select %ge3A_678, %min3A_681, %broadcast_in_dim3A_683 : vector<16xi1>, vector<16xf32>
        %mul3A_685 = arith.mulf %get3A_675, %select_n3A_684 : vector<16xf32>
        %add3A_686 = arith.addf %add3A_659, %mul3A_685 : vector<16xf32>
        %jit3A_687 = arith.constant 1.000000e+00 : f32
        %jit3A_688 = arith.constant 0.000000e+00 : f32
        %broadcast_in_dim3A_689 = vector.broadcast %jit3A_687 : f32 to vector<16xf32>
        %broadcast_in_dim3A_690 = vector.broadcast %jit3A_688 : f32 to vector<16xf32>
        %select_n3A_691 = arith.select %ge3A_678, %broadcast_in_dim3A_689, %broadcast_in_dim3A_690 : vector<16xi1>, vector<16xf32>
        %add3A_692 = arith.addf %add3A_665, %select_n3A_691 : vector<16xf32>
        %add3A_693 = arith.addf %add3A_666, %select_n3A_684 : vector<16xf32>
        %add3A_694 = arith.addf %scan3A_552, %select_n3A_684 : vector<16xf32>
        %get3A_695 = arith.constant 13 : i32
        %get3A_696 = arith.index_cast %get3A_695 : i32 to index
        %get3A_697 = arith.index_cast %mul3A_557 : i32 to index
        %get3A_698 = tpu.vector_load %arg5[%get3A_696, %get3A_697] {strides = array<i32>} : memref<16x1024xf32, #tpu.memory_space<vmem>>, vector<16xf32>,
        %get3A_699 = arith.constant 13 : i32
        %get3A_700 = arith.index_cast %get3A_699 : i32 to index
        %get3A_701 = arith.index_cast %mul3A_557 : i32 to index
        %get3A_702 = tpu.vector_load %arg7[%get3A_700, %get3A_701] {strides = array<i32>} : memref<16x1025xf32, #tpu.memory_space<vmem>>, vector<16xf32>,
        %ge3A_703 = arith.constant 5.000000e-02 : f32
        %ge3A_704 = vector.broadcast %ge3A_703 : f32 to vector<16xf32>
        %ge3A_705 = arith.cmpf oge, %get3A_698, %ge3A_704 : vector<16xf32>
        %min3A_706 = arith.constant 1.000000e+00 : f32
        %min3A_707 = vector.broadcast %min3A_706 : f32 to vector<16xf32>
        %min3A_708 = arith.minimumf %get3A_698, %min3A_707 : vector<16xf32>
        %jit3A_709 = arith.constant 0.000000e+00 : f32
        %broadcast_in_dim3A_710 = vector.broadcast %jit3A_709 : f32 to vector<16xf32>
        %select_n3A_711 = arith.select %ge3A_705, %min3A_708, %broadcast_in_dim3A_710 : vector<16xi1>, vector<16xf32>
        %mul3A_712 = arith.mulf %get3A_702, %select_n3A_711 : vector<16xf32>
        %add3A_713 = arith.addf %add3A_686, %mul3A_712 : vector<16xf32>
        %jit3A_714 = arith.constant 1.000000e+00 : f32
        %jit3A_715 = arith.constant 0.000000e+00 : f32
        %broadcast_in_dim3A_716 = vector.broadcast %jit3A_714 : f32 to vector<16xf32>
        %broadcast_in_dim3A_717 = vector.broadcast %jit3A_715 : f32 to vector<16xf32>
        %select_n3A_718 = arith.select %ge3A_705, %broadcast_in_dim3A_716, %broadcast_in_dim3A_717 : vector<16xi1>, vector<16xf32>
        %add3A_719 = arith.addf %add3A_692, %select_n3A_718 : vector<16xf32>
        %add3A_720 = arith.addf %add3A_693, %select_n3A_711 : vector<16xf32>
        %add3A_721 = arith.addf %scan3A_553, %select_n3A_711 : vector<16xf32>
        %get3A_722 = arith.constant 14 : i32
        %get3A_723 = arith.index_cast %get3A_722 : i32 to index
        %get3A_724 = arith.index_cast %mul3A_557 : i32 to index
        %get3A_725 = tpu.vector_load %arg5[%get3A_723, %get3A_724] {strides = array<i32>} : memref<16x1024xf32, #tpu.memory_space<vmem>>, vector<16xf32>,
        %get3A_726 = arith.constant 14 : i32
        %get3A_727 = arith.index_cast %get3A_726 : i32 to index
        %get3A_728 = arith.index_cast %mul3A_557 : i32 to index
        %get3A_729 = tpu.vector_load %arg7[%get3A_727, %get3A_728] {strides = array<i32>} : memref<16x1025xf32, #tpu.memory_space<vmem>>, vector<16xf32>,
        %ge3A_730 = arith.constant 5.000000e-02 : f32
        %ge3A_731 = vector.broadcast %ge3A_730 : f32 to vector<16xf32>
        %ge3A_732 = arith.cmpf oge, %get3A_725, %ge3A_731 : vector<16xf32>
        %min3A_733 = arith.constant 1.000000e+00 : f32
        %min3A_734 = vector.broadcast %min3A_733 : f32 to vector<16xf32>
        %min3A_735 = arith.minimumf %get3A_725, %min3A_734 : vector<16xf32>
        %jit3A_736 = arith.constant 0.000000e+00 : f32
        %broadcast_in_dim3A_737 = vector.broadcast %jit3A_736 : f32 to vector<16xf32>
        %select_n3A_738 = arith.select %ge3A_732, %min3A_735, %broadcast_in_dim3A_737 : vector<16xi1>, vector<16xf32>
        %mul3A_739 = arith.mulf %get3A_729, %select_n3A_738 : vector<16xf32>
        %add3A_740 = arith.addf %add3A_713, %mul3A_739 : vector<16xf32>
        %jit3A_741 = arith.constant 1.000000e+00 : f32
        %jit3A_742 = arith.constant 0.000000e+00 : f32
        %broadcast_in_dim3A_743 = vector.broadcast %jit3A_741 : f32 to vector<16xf32>
        %broadcast_in_dim3A_744 = vector.broadcast %jit3A_742 : f32 to vector<16xf32>
        %select_n3A_745 = arith.select %ge3A_732, %broadcast_in_dim3A_743, %broadcast_in_dim3A_744 : vector<16xi1>, vector<16xf32>
        %add3A_746 = arith.addf %add3A_719, %select_n3A_745 : vector<16xf32>
        %add3A_747 = arith.addf %add3A_720, %select_n3A_738 : vector<16xf32>
        %add3A_748 = arith.addf %scan3A_554, %select_n3A_738 : vector<16xf32>
        %get3A_749 = arith.constant 15 : i32
        %get3A_750 = arith.index_cast %get3A_749 : i32 to index
        %get3A_751 = arith.index_cast %mul3A_557 : i32 to index
        %get3A_752 = tpu.vector_load %arg5[%get3A_750, %get3A_751] {strides = array<i32>} : memref<16x1024xf32, #tpu.memory_space<vmem>>, vector<16xf32>,
        %get3A_753 = arith.constant 15 : i32
        %get3A_754 = arith.index_cast %get3A_753 : i32 to index
        %get3A_755 = arith.index_cast %mul3A_557 : i32 to index
        %get3A_756 = tpu.vector_load %arg7[%get3A_754, %get3A_755] {strides = array<i32>} : memref<16x1025xf32, #tpu.memory_space<vmem>>, vector<16xf32>,
        %ge3A_757 = arith.constant 5.000000e-02 : f32
        %ge3A_758 = vector.broadcast %ge3A_757 : f32 to vector<16xf32>
        %ge3A_759 = arith.cmpf oge, %get3A_752, %ge3A_758 : vector<16xf32>
        %min3A_760 = arith.constant 1.000000e+00 : f32
        %min3A_761 = vector.broadcast %min3A_760 : f32 to vector<16xf32>
        %min3A_762 = arith.minimumf %get3A_752, %min3A_761 : vector<16xf32>
        %jit3A_763 = arith.constant 0.000000e+00 : f32
        %broadcast_in_dim3A_764 = vector.broadcast %jit3A_763 : f32 to vector<16xf32>
        %select_n3A_765 = arith.select %ge3A_759, %min3A_762, %broadcast_in_dim3A_764 : vector<16xi1>, vector<16xf32>
        %mul3A_766 = arith.mulf %get3A_756, %select_n3A_765 : vector<16xf32>
        %add3A_767 = arith.addf %add3A_740, %mul3A_766 : vector<16xf32>
        %jit3A_768 = arith.constant 1.000000e+00 : f32
        %jit3A_769 = arith.constant 0.000000e+00 : f32
        %broadcast_in_dim3A_770 = vector.broadcast %jit3A_768 : f32 to vector<16xf32>
        %broadcast_in_dim3A_771 = vector.broadcast %jit3A_769 : f32 to vector<16xf32>
        %select_n3A_772 = arith.select %ge3A_759, %broadcast_in_dim3A_770, %broadcast_in_dim3A_771 : vector<16xi1>, vector<16xf32>
        %add3A_773 = arith.addf %add3A_746, %select_n3A_772 : vector<16xf32>
        %add3A_774 = arith.addf %add3A_747, %select_n3A_765 : vector<16xf32>
        %add3A_775 = arith.addf %scan3A_555, %select_n3A_765 : vector<16xf32>
        %swap3A_776 = arith.constant 0 : i32
        %swap3A_777 = arith.index_cast %swap3A_776 : i32 to index
        %swap3A_778 = arith.index_cast %mul3A_557 : i32 to index
        %swap3A_779 = tpu.vector_load %arg10[%swap3A_777, %swap3A_778] {strides = array<i32>} : memref<1x1040xf32, #tpu.memory_space<vmem>>, vector<16xf32>,
        tpu.vector_store %arg10[%swap3A_777, %swap3A_778], %add3A_774 {strides = array<i32>} : memref<1x1040xf32, #tpu.memory_space<vmem>>, vector<16xf32>,
        scf.yield %add3A_767, %add3A_773, %add3A_586, %add3A_613, %add3A_640, %add3A_667, %add3A_694, %add3A_721, %add3A_748, %add3A_775 : vector<16xf32>, vector<16xf32>, vector<16xf32>, vector<16xf32>, vector<16xf32>, vector<16xf32>, vector<16xf32>, vector<16xf32>, vector<16xf32>, vector<16xf32>
      }
      %scan3A_219 = arith.constant 64 : i32
      %swap3A_220 = arith.constant 8 : i32
      %swap3A_221 = arith.index_cast %swap3A_220 : i32 to index
      %swap3A_222 = arith.constant 0 : index
      %swap3A_223 = tpu.vector_load %arg12[%swap3A_221, %swap3A_222] {strides = array<i32>} : memref<16x16xf32, #tpu.memory_space<vmem>>, vector<16xf32>,
      tpu.vector_store %arg12[%swap3A_221, %swap3A_222], %scan3A_218#2 {strides = array<i32>} : memref<16x16xf32, #tpu.memory_space<vmem>>, vector<16xf32>,
      %swap3A_224 = arith.constant 9 : i32
      %swap3A_225 = arith.index_cast %swap3A_224 : i32 to index
      %swap3A_226 = arith.constant 0 : index
      %swap3A_227 = tpu.vector_load %arg12[%swap3A_225, %swap3A_226] {strides = array<i32>} : memref<16x16xf32, #tpu.memory_space<vmem>>, vector<16xf32>,
      tpu.vector_store %arg12[%swap3A_225, %swap3A_226], %scan3A_218#3 {strides = array<i32>} : memref<16x16xf32, #tpu.memory_space<vmem>>, vector<16xf32>,
      %swap3A_228 = arith.constant 10 : i32
      %swap3A_229 = arith.index_cast %swap3A_228 : i32 to index
      %swap3A_230 = arith.constant 0 : index
      %swap3A_231 = tpu.vector_load %arg12[%swap3A_229, %swap3A_230] {strides = array<i32>} : memref<16x16xf32, #tpu.memory_space<vmem>>, vector<16xf32>,
      tpu.vector_store %arg12[%swap3A_229, %swap3A_230], %scan3A_218#4 {strides = array<i32>} : memref<16x16xf32, #tpu.memory_space<vmem>>, vector<16xf32>,
      %swap3A_232 = arith.constant 11 : i32
      %swap3A_233 = arith.index_cast %swap3A_232 : i32 to index
      %swap3A_234 = arith.constant 0 : index
      %swap3A_235 = tpu.vector_load %arg12[%swap3A_233, %swap3A_234] {strides = array<i32>} : memref<16x16xf32, #tpu.memory_space<vmem>>, vector<16xf32>,
      tpu.vector_store %arg12[%swap3A_233, %swap3A_234], %scan3A_218#5 {strides = array<i32>} : memref<16x16xf32, #tpu.memory_space<vmem>>, vector<16xf32>,
      %swap3A_236 = arith.constant 12 : i32
      %swap3A_237 = arith.index_cast %swap3A_236 : i32 to index
      %swap3A_238 = arith.constant 0 : index
      %swap3A_239 = tpu.vector_load %arg12[%swap3A_237, %swap3A_238] {strides = array<i32>} : memref<16x16xf32, #tpu.memory_space<vmem>>, vector<16xf32>,
      tpu.vector_store %arg12[%swap3A_237, %swap3A_238], %scan3A_218#6 {strides = array<i32>} : memref<16x16xf32, #tpu.memory_space<vmem>>, vector<16xf32>,
      %swap3A_240 = arith.constant 13 : i32
      %swap3A_241 = arith.index_cast %swap3A_240 : i32 to index
      %swap3A_242 = arith.constant 0 : index
      %swap3A_243 = tpu.vector_load %arg12[%swap3A_241, %swap3A_242] {strides = array<i32>} : memref<16x16xf32, #tpu.memory_space<vmem>>, vector<16xf32>,
      tpu.vector_store %arg12[%swap3A_241, %swap3A_242], %scan3A_218#7 {strides = array<i32>} : memref<16x16xf32, #tpu.memory_space<vmem>>, vector<16xf32>,
      %swap3A_244 = arith.constant 14 : i32
      %swap3A_245 = arith.index_cast %swap3A_244 : i32 to index
      %swap3A_246 = arith.constant 0 : index
      %swap3A_247 = tpu.vector_load %arg12[%swap3A_245, %swap3A_246] {strides = array<i32>} : memref<16x16xf32, #tpu.memory_space<vmem>>, vector<16xf32>,
      tpu.vector_store %arg12[%swap3A_245, %swap3A_246], %scan3A_218#8 {strides = array<i32>} : memref<16x16xf32, #tpu.memory_space<vmem>>, vector<16xf32>,
      %swap3A_248 = arith.constant 15 : i32
      %swap3A_249 = arith.index_cast %swap3A_248 : i32 to index
      %swap3A_250 = arith.constant 0 : index
      %swap3A_251 = tpu.vector_load %arg12[%swap3A_249, %swap3A_250] {strides = array<i32>} : memref<16x16xf32, #tpu.memory_space<vmem>>, vector<16xf32>,
      tpu.vector_store %arg12[%swap3A_249, %swap3A_250], %scan3A_218#9 {strides = array<i32>} : memref<16x16xf32, #tpu.memory_space<vmem>>, vector<16xf32>,
      %broadcast_in_dim3A_252 = arith.constant 0 : i32
      %broadcast_in_dim3A_253 = vector.broadcast %broadcast_in_dim3A_252 : i32 to vector<16xi32>
      %gather3A = tpu.vector_load_idx %arg12[%iota3A, %broadcast_in_dim3A_253] : memref<16x16xf32, #tpu.memory_space<vmem>>[vector<16xi32>, vector<16xi32>], vector<16xf32>,
      %broadcast_in_dim3A_254 = arith.constant 1 : i32
      %broadcast_in_dim3A_255 = vector.broadcast %broadcast_in_dim3A_254 : i32 to vector<16xi32>
      %gather3A_256 = tpu.vector_load_idx %arg12[%iota3A, %broadcast_in_dim3A_255] : memref<16x16xf32, #tpu.memory_space<vmem>>[vector<16xi32>, vector<16xi32>], vector<16xf32>,
      %add3A_257 = arith.addf %gather3A, %gather3A_256 : vector<16xf32>
      %broadcast_in_dim3A_258 = arith.constant 2 : i32
      %broadcast_in_dim3A_259 = vector.broadcast %broadcast_in_dim3A_258 : i32 to vector<16xi32>
      %gather3A_260 = tpu.vector_load_idx %arg12[%iota3A, %broadcast_in_dim3A_259] : memref<16x16xf32, #tpu.memory_space<vmem>>[vector<16xi32>, vector<16xi32>], vector<16xf32>,
      %add3A_261 = arith.addf %add3A_257, %gather3A_260 : vector<16xf32>
      %broadcast_in_dim3A_262 = arith.constant 3 : i32
      %broadcast_in_dim3A_263 = vector.broadcast %broadcast_in_dim3A_262 : i32 to vector<16xi32>
      %gather3A_264 = tpu.vector_load_idx %arg12[%iota3A, %broadcast_in_dim3A_263] : memref<16x16xf32, #tpu.memory_space<vmem>>[vector<16xi32>, vector<16xi32>], vector<16xf32>,
      %add3A_265 = arith.addf %add3A_261, %gather3A_264 : vector<16xf32>
      %broadcast_in_dim3A_266 = arith.constant 4 : i32
      %broadcast_in_dim3A_267 = vector.broadcast %broadcast_in_dim3A_266 : i32 to vector<16xi32>
      %gather3A_268 = tpu.vector_load_idx %arg12[%iota3A, %broadcast_in_dim3A_267] : memref<16x16xf32, #tpu.memory_space<vmem>>[vector<16xi32>, vector<16xi32>], vector<16xf32>,
      %add3A_269 = arith.addf %add3A_265, %gather3A_268 : vector<16xf32>
      %broadcast_in_dim3A_270 = arith.constant 5 : i32
      %broadcast_in_dim3A_271 = vector.broadcast %broadcast_in_dim3A_270 : i32 to vector<16xi32>
      %gather3A_272 = tpu.vector_load_idx %arg12[%iota3A, %broadcast_in_dim3A_271] : memref<16x16xf32, #tpu.memory_space<vmem>>[vector<16xi32>, vector<16xi32>], vector<16xf32>,
      %add3A_273 = arith.addf %add3A_269, %gather3A_272 : vector<16xf32>
      %broadcast_in_dim3A_274 = arith.constant 6 : i32
      %broadcast_in_dim3A_275 = vector.broadcast %broadcast_in_dim3A_274 : i32 to vector<16xi32>
      %gather3A_276 = tpu.vector_load_idx %arg12[%iota3A, %broadcast_in_dim3A_275] : memref<16x16xf32, #tpu.memory_space<vmem>>[vector<16xi32>, vector<16xi32>], vector<16xf32>,
      %add3A_277 = arith.addf %add3A_273, %gather3A_276 : vector<16xf32>
      %broadcast_in_dim3A_278 = arith.constant 7 : i32
      %broadcast_in_dim3A_279 = vector.broadcast %broadcast_in_dim3A_278 : i32 to vector<16xi32>
      %gather3A_280 = tpu.vector_load_idx %arg12[%iota3A, %broadcast_in_dim3A_279] : memref<16x16xf32, #tpu.memory_space<vmem>>[vector<16xi32>, vector<16xi32>], vector<16xf32>,
      %add3A_281 = arith.addf %add3A_277, %gather3A_280 : vector<16xf32>
      %broadcast_in_dim3A_282 = arith.constant 8 : i32
      %broadcast_in_dim3A_283 = vector.broadcast %broadcast_in_dim3A_282 : i32 to vector<16xi32>
      %gather3A_284 = tpu.vector_load_idx %arg12[%iota3A, %broadcast_in_dim3A_283] : memref<16x16xf32, #tpu.memory_space<vmem>>[vector<16xi32>, vector<16xi32>], vector<16xf32>,
      %add3A_285 = arith.addf %add3A_281, %gather3A_284 : vector<16xf32>
      %broadcast_in_dim3A_286 = arith.constant 9 : i32
      %broadcast_in_dim3A_287 = vector.broadcast %broadcast_in_dim3A_286 : i32 to vector<16xi32>
      %gather3A_288 = tpu.vector_load_idx %arg12[%iota3A, %broadcast_in_dim3A_287] : memref<16x16xf32, #tpu.memory_space<vmem>>[vector<16xi32>, vector<16xi32>], vector<16xf32>,
      %add3A_289 = arith.addf %add3A_285, %gather3A_288 : vector<16xf32>
      %broadcast_in_dim3A_290 = arith.constant 10 : i32
      %broadcast_in_dim3A_291 = vector.broadcast %broadcast_in_dim3A_290 : i32 to vector<16xi32>
      %gather3A_292 = tpu.vector_load_idx %arg12[%iota3A, %broadcast_in_dim3A_291] : memref<16x16xf32, #tpu.memory_space<vmem>>[vector<16xi32>, vector<16xi32>], vector<16xf32>,
      %add3A_293 = arith.addf %add3A_289, %gather3A_292 : vector<16xf32>
      %broadcast_in_dim3A_294 = arith.constant 11 : i32
      %broadcast_in_dim3A_295 = vector.broadcast %broadcast_in_dim3A_294 : i32 to vector<16xi32>
      %gather3A_296 = tpu.vector_load_idx %arg12[%iota3A, %broadcast_in_dim3A_295] : memref<16x16xf32, #tpu.memory_space<vmem>>[vector<16xi32>, vector<16xi32>], vector<16xf32>,
      %add3A_297 = arith.addf %add3A_293, %gather3A_296 : vector<16xf32>
      %broadcast_in_dim3A_298 = arith.constant 12 : i32
      %broadcast_in_dim3A_299 = vector.broadcast %broadcast_in_dim3A_298 : i32 to vector<16xi32>
      %gather3A_300 = tpu.vector_load_idx %arg12[%iota3A, %broadcast_in_dim3A_299] : memref<16x16xf32, #tpu.memory_space<vmem>>[vector<16xi32>, vector<16xi32>], vector<16xf32>,
      %add3A_301 = arith.addf %add3A_297, %gather3A_300 : vector<16xf32>
      %broadcast_in_dim3A_302 = arith.constant 13 : i32
      %broadcast_in_dim3A_303 = vector.broadcast %broadcast_in_dim3A_302 : i32 to vector<16xi32>
      %gather3A_304 = tpu.vector_load_idx %arg12[%iota3A, %broadcast_in_dim3A_303] : memref<16x16xf32, #tpu.memory_space<vmem>>[vector<16xi32>, vector<16xi32>], vector<16xf32>,
      %add3A_305 = arith.addf %add3A_301, %gather3A_304 : vector<16xf32>
      %broadcast_in_dim3A_306 = arith.constant 14 : i32
      %broadcast_in_dim3A_307 = vector.broadcast %broadcast_in_dim3A_306 : i32 to vector<16xi32>
      %gather3A_308 = tpu.vector_load_idx %arg12[%iota3A, %broadcast_in_dim3A_307] : memref<16x16xf32, #tpu.memory_space<vmem>>[vector<16xi32>, vector<16xi32>], vector<16xf32>,
      %add3A_309 = arith.addf %add3A_305, %gather3A_308 : vector<16xf32>
      %broadcast_in_dim3A_310 = arith.constant 15 : i32
      %broadcast_in_dim3A_311 = vector.broadcast %broadcast_in_dim3A_310 : i32 to vector<16xi32>
      %gather3A_312 = tpu.vector_load_idx %arg12[%iota3A, %broadcast_in_dim3A_311] : memref<16x16xf32, #tpu.memory_space<vmem>>[vector<16xi32>, vector<16xi32>], vector<16xf32>,
      %add3A_313 = arith.addf %add3A_309, %gather3A_312 : vector<16xf32>
      %le3A = arith.constant 1.000000e-03 : f32
      %le3A_314 = vector.broadcast %le3A : f32 to vector<16xf32>
      %le3A_315 = arith.cmpf ole, %add3A_313, %le3A_314 : vector<16xf32>
      %jit3A_316 = arith.constant 1.000000e+00 : f32
      %jit3A_317 = arith.constant 0.000000e+00 : f32
      %broadcast_in_dim3A_318 = vector.broadcast %jit3A_316 : f32 to vector<16xf32>
      %broadcast_in_dim3A_319 = vector.broadcast %jit3A_317 : f32 to vector<16xf32>
      %select_n3A_320 = arith.select %le3A_315, %broadcast_in_dim3A_318, %broadcast_in_dim3A_319 : vector<16xi1>, vector<16xf32>
      %broadcast_in_dim3A_321 = arith.constant 1024 : i32
      %broadcast_in_dim3A_322 = vector.broadcast %broadcast_in_dim3A_321 : i32 to vector<16xi32>
      %gather3A_323 = tpu.vector_load_idx %arg7[%iota3A, %broadcast_in_dim3A_322] : memref<16x1025xf32, #tpu.memory_space<vmem>>[vector<16xi32>, vector<16xi32>], vector<16xf32>,
      %add3A_324 = arith.addf %scan3A_154, %select_n3A_320 : vector<16xf32>
      %mul3A_325 = arith.mulf %select_n3A_320, %gather3A_323 : vector<16xf32>
      %add3A_326 = arith.addf %scan3A_155, %mul3A_325 : vector<16xf32>
      %add3A_327 = arith.constant 2 : i32
      %add3A_328 = arith.addi %mul3A_157, %add3A_327 : i32
      %min3A = arith.constant 31 : i32
      %min3A_329 = arith.minsi %add3A_328, %min3A : i32
      %mul3A_330 = arith.constant 16 : i32
      %mul3A_331 = arith.muli %min3A_329, %mul3A_330 : i32
      %add3A_332 = arith.addi %mul3A_32, %mul3A_331 : i32
      %dma_start3A_333 = arith.constant 0 : i32
      %dma_start3A_334 = tpu.memref_slice %arg3[%add3A, %add3A_332, %dma_start3A_333] : memref<32x1024x1024xf32, #tpu.memory_space<hbm>> -> memref<1x16x1024xf32, #tpu.memory_space<hbm>>
      %dma_start3A_335 = tpu.memref_squeeze %dma_start3A_334 : memref<1x16x1024xf32, #tpu.memory_space<hbm>> -> memref<16x1024xf32, #tpu.memory_space<hbm>>
      %dma_start3A_336 = arith.constant 0 : i32
      %dma_start3A_337 = tpu.memref_slice %arg3[%add3A, %add3A_332, %dma_start3A_336] : memref<32x1024x1024xf32, #tpu.memory_space<hbm>> -> memref<1x16x1024xf32, #tpu.memory_space<hbm>>
      %dma_start3A_338 = tpu.memref_squeeze %dma_start3A_337 : memref<1x16x1024xf32, #tpu.memory_space<hbm>> -> memref<16x1024xf32, #tpu.memory_space<hbm>>
      tpu.enqueue_dma source(%dma_start3A_338 : memref<16x1024xf32, #tpu.memory_space<hbm>>) target(%arg5 : memref<16x1024xf32, #tpu.memory_space<vmem>>) target_semaphore(%arg15 : memref<!tpu.dma_semaphore, #tpu.memory_space<semaphore_mem>>)
      %mul3A_339 = arith.constant 16 : i32
      %mul3A_340 = arith.muli %min3A_329, %mul3A_339 : i32
      %add3A_341 = arith.addi %mul3A_32, %mul3A_340 : i32
      %dma_start3A_342 = arith.constant 0 : i32
      %dma_start3A_343 = tpu.memref_slice %arg2[%add3A, %add3A_341, %dma_start3A_342] : memref<32x1025x1025xf32, #tpu.memory_space<hbm>> -> memref<1x16x1025xf32, #tpu.memory_space<hbm>>
      %dma_start3A_344 = tpu.memref_squeeze %dma_start3A_343 : memref<1x16x1025xf32, #tpu.memory_space<hbm>> -> memref<16x1025xf32, #tpu.memory_space<hbm>>
      %dma_start3A_345 = arith.constant 0 : i32
      %dma_start3A_346 = tpu.memref_slice %arg2[%add3A, %add3A_341, %dma_start3A_345] : memref<32x1025x1025xf32, #tpu.memory_space<hbm>> -> memref<1x16x1025xf32, #tpu.memory_space<hbm>>
      %dma_start3A_347 = tpu.memref_squeeze %dma_start3A_346 : memref<1x16x1025xf32, #tpu.memory_space<hbm>> -> memref<16x1025xf32, #tpu.memory_space<hbm>>
      tpu.enqueue_dma source(%dma_start3A_347 : memref<16x1025xf32, #tpu.memory_space<hbm>>) target(%arg7 : memref<16x1025xf32, #tpu.memory_space<vmem>>) target_semaphore(%arg17 : memref<!tpu.dma_semaphore, #tpu.memory_space<semaphore_mem>>)
      %mul3A_348 = arith.constant 2 : i32
      %mul3A_349 = arith.muli %mul3A_348, %scan3A_151 : i32
      %add3A_350 = arith.constant 1 : i32
      %add3A_351 = arith.addi %mul3A_349, %add3A_350 : i32
      %mul3A_352 = arith.constant 16 : i32
      %mul3A_353 = arith.muli %add3A_351, %mul3A_352 : i32
      %add3A_354 = arith.addi %mul3A_32, %mul3A_353 : i32
      %dma_wait3A_355 = arith.constant 0 : i32
      %dma_wait3A_356 = tpu.memref_slice %arg3[%add3A, %add3A_354, %dma_wait3A_355] : memref<32x1024x1024xf32, #tpu.memory_space<hbm>> -> memref<1x16x1024xf32, #tpu.memory_space<hbm>>
      %dma_wait3A_357 = tpu.memref_squeeze %dma_wait3A_356 : memref<1x16x1024xf32, #tpu.memory_space<hbm>> -> memref<16x1024xf32, #tpu.memory_space<hbm>>
      %dma_wait3A_358 = arith.constant 0 : i32
      %dma_wait3A_359 = tpu.memref_slice %arg3[%add3A, %add3A_354, %dma_wait3A_358] : memref<32x1024x1024xf32, #tpu.memory_space<hbm>> -> memref<1x16x1024xf32, #tpu.memory_space<hbm>>
      %dma_wait3A_360 = tpu.memref_squeeze %dma_wait3A_359 : memref<1x16x1024xf32, #tpu.memory_space<hbm>> -> memref<16x1024xf32, #tpu.memory_space<hbm>>
      tpu.wait_dma2 semaphore(%arg16 : memref<!tpu.dma_semaphore, #tpu.memory_space<semaphore_mem>>) src(%dma_wait3A_360 : memref<16x1024xf32, #tpu.memory_space<hbm>>) dst(%arg6 : memref<16x1024xf32, #tpu.memory_space<vmem>>)
      %mul3A_361 = arith.constant 16 : i32
      %mul3A_362 = arith.muli %add3A_351, %mul3A_361 : i32
      %add3A_363 = arith.addi %mul3A_32, %mul3A_362 : i32
      %dma_wait3A_364 = arith.constant 0 : i32
      %dma_wait3A_365 = tpu.memref_slice %arg2[%add3A, %add3A_363, %dma_wait3A_364] : memref<32x1025x1025xf32, #tpu.memory_space<hbm>> -> memref<1x16x1025xf32, #tpu.memory_space<hbm>>
      %dma_wait3A_366 = tpu.memref_squeeze %dma_wait3A_365 : memref<1x16x1025xf32, #tpu.memory_space<hbm>> -> memref<16x1025xf32, #tpu.memory_space<hbm>>
      %dma_wait3A_367 = arith.constant 0 : i32
      %dma_wait3A_368 = tpu.memref_slice %arg2[%add3A, %add3A_363, %dma_wait3A_367] : memref<32x1025x1025xf32, #tpu.memory_space<hbm>> -> memref<1x16x1025xf32, #tpu.memory_space<hbm>>
      %dma_wait3A_369 = tpu.memref_squeeze %dma_wait3A_368 : memref<1x16x1025xf32, #tpu.memory_space<hbm>> -> memref<16x1025xf32, #tpu.memory_space<hbm>>
      tpu.wait_dma2 semaphore(%arg18 : memref<!tpu.dma_semaphore, #tpu.memory_space<semaphore_mem>>) src(%dma_wait3A_369 : memref<16x1025xf32, #tpu.memory_space<hbm>>) dst(%arg8 : memref<16x1025xf32, #tpu.memory_space<vmem>>)
      %scan3A_370 = arith.constant 0 : i32
      %scan3A_371 = arith.constant 64 : i32
      %scan3A_372 = arith.addi %scan3A_370, %scan3A_371 : i32
      %scan3A_373 = arith.constant 1 : i32
      %scan3A_374:10 = scf.for %scan3A_545 = %scan3A_370 to %scan3A_372 step %scan3A_373 iter_args(%scan3A_546 = %scan3A_218#0, %scan3A_547 = %scan3A_218#1, %scan3A_548 = %broadcast_in_dim3A_70, %scan3A_549 = %broadcast_in_dim3A_70, %scan3A_550 = %broadcast_in_dim3A_70, %scan3A_551 = %broadcast_in_dim3A_70, %scan3A_552 = %broadcast_in_dim3A_70, %scan3A_553 = %broadcast_in_dim3A_70, %scan3A_554 = %broadcast_in_dim3A_70, %scan3A_555 = %broadcast_in_dim3A_70) -> (vector<16xf32>, vector<16xf32>, vector<16xf32>, vector<16xf32>, vector<16xf32>, vector<16xf32>, vector<16xf32>, vector<16xf32>, vector<16xf32>, vector<16xf32>)  : i32 {
        %mul3A_556 = arith.constant 16 : i32
        %mul3A_557 = arith.muli %scan3A_545, %mul3A_556 : i32
        %get3A = arith.constant 0 : i32
        %get3A_558 = arith.index_cast %get3A : i32 to index
        %get3A_559 = arith.index_cast %mul3A_557 : i32 to index
        %get3A_560 = tpu.vector_load %arg10[%get3A_558, %get3A_559] {strides = array<i32>} : memref<1x1040xf32, #tpu.memory_space<vmem>>, vector<16xf32>,
        %get3A_561 = arith.constant 0 : i32
        %get3A_562 = arith.index_cast %get3A_561 : i32 to index
        %get3A_563 = arith.index_cast %mul3A_557 : i32 to index
        %get3A_564 = tpu.vector_load %arg6[%get3A_562, %get3A_563] {strides = array<i32>} : memref<16x1024xf32, #tpu.memory_space<vmem>>, vector<16xf32>,
        %get3A_565 = arith.constant 0 : i32
        %get3A_566 = arith.index_cast %get3A_565 : i32 to index
        %get3A_567 = arith.index_cast %mul3A_557 : i32 to index
        %get3A_568 = tpu.vector_load %arg8[%get3A_566, %get3A_567] {strides = array<i32>} : memref<16x1025xf32, #tpu.memory_space<vmem>>, vector<16xf32>,
        %ge3A = arith.constant 5.000000e-02 : f32
        %ge3A_569 = vector.broadcast %ge3A : f32 to vector<16xf32>
        %ge3A_570 = arith.cmpf oge, %get3A_564, %ge3A_569 : vector<16xf32>
        %min3A_571 = arith.constant 1.000000e+00 : f32
        %min3A_572 = vector.broadcast %min3A_571 : f32 to vector<16xf32>
        %min3A_573 = arith.minimumf %get3A_564, %min3A_572 : vector<16xf32>
        %jit3A_574 = arith.constant 0.000000e+00 : f32
        %broadcast_in_dim3A_575 = vector.broadcast %jit3A_574 : f32 to vector<16xf32>
        %select_n3A_576 = arith.select %ge3A_570, %min3A_573, %broadcast_in_dim3A_575 : vector<16xi1>, vector<16xf32>
        %mul3A_577 = arith.mulf %get3A_568, %select_n3A_576 : vector<16xf32>
        %add3A_578 = arith.addf %scan3A_546, %mul3A_577 : vector<16xf32>
        %jit3A_579 = arith.constant 1.000000e+00 : f32
        %jit3A_580 = arith.constant 0.000000e+00 : f32
        %broadcast_in_dim3A_581 = vector.broadcast %jit3A_579 : f32 to vector<16xf32>
        %broadcast_in_dim3A_582 = vector.broadcast %jit3A_580 : f32 to vector<16xf32>
        %select_n3A_583 = arith.select %ge3A_570, %broadcast_in_dim3A_581, %broadcast_in_dim3A_582 : vector<16xi1>, vector<16xf32>
        %add3A_584 = arith.addf %scan3A_547, %select_n3A_583 : vector<16xf32>
        %add3A_585 = arith.addf %get3A_560, %select_n3A_576 : vector<16xf32>
        %add3A_586 = arith.addf %scan3A_548, %select_n3A_576 : vector<16xf32>
        %get3A_587 = arith.constant 1 : i32
        %get3A_588 = arith.index_cast %get3A_587 : i32 to index
        %get3A_589 = arith.index_cast %mul3A_557 : i32 to index
        %get3A_590 = tpu.vector_load %arg6[%get3A_588, %get3A_589] {strides = array<i32>} : memref<16x1024xf32, #tpu.memory_space<vmem>>, vector<16xf32>,
        %get3A_591 = arith.constant 1 : i32
        %get3A_592 = arith.index_cast %get3A_591 : i32 to index
        %get3A_593 = arith.index_cast %mul3A_557 : i32 to index
        %get3A_594 = tpu.vector_load %arg8[%get3A_592, %get3A_593] {strides = array<i32>} : memref<16x1025xf32, #tpu.memory_space<vmem>>, vector<16xf32>,
        %ge3A_595 = arith.constant 5.000000e-02 : f32
        %ge3A_596 = vector.broadcast %ge3A_595 : f32 to vector<16xf32>
        %ge3A_597 = arith.cmpf oge, %get3A_590, %ge3A_596 : vector<16xf32>
        %min3A_598 = arith.constant 1.000000e+00 : f32
        %min3A_599 = vector.broadcast %min3A_598 : f32 to vector<16xf32>
        %min3A_600 = arith.minimumf %get3A_590, %min3A_599 : vector<16xf32>
        %jit3A_601 = arith.constant 0.000000e+00 : f32
        %broadcast_in_dim3A_602 = vector.broadcast %jit3A_601 : f32 to vector<16xf32>
        %select_n3A_603 = arith.select %ge3A_597, %min3A_600, %broadcast_in_dim3A_602 : vector<16xi1>, vector<16xf32>
        %mul3A_604 = arith.mulf %get3A_594, %select_n3A_603 : vector<16xf32>
        %add3A_605 = arith.addf %add3A_578, %mul3A_604 : vector<16xf32>
        %jit3A_606 = arith.constant 1.000000e+00 : f32
        %jit3A_607 = arith.constant 0.000000e+00 : f32
        %broadcast_in_dim3A_608 = vector.broadcast %jit3A_606 : f32 to vector<16xf32>
        %broadcast_in_dim3A_609 = vector.broadcast %jit3A_607 : f32 to vector<16xf32>
        %select_n3A_610 = arith.select %ge3A_597, %broadcast_in_dim3A_608, %broadcast_in_dim3A_609 : vector<16xi1>, vector<16xf32>
        %add3A_611 = arith.addf %add3A_584, %select_n3A_610 : vector<16xf32>
        %add3A_612 = arith.addf %add3A_585, %select_n3A_603 : vector<16xf32>
        %add3A_613 = arith.addf %scan3A_549, %select_n3A_603 : vector<16xf32>
        %get3A_614 = arith.constant 2 : i32
        %get3A_615 = arith.index_cast %get3A_614 : i32 to index
        %get3A_616 = arith.index_cast %mul3A_557 : i32 to index
        %get3A_617 = tpu.vector_load %arg6[%get3A_615, %get3A_616] {strides = array<i32>} : memref<16x1024xf32, #tpu.memory_space<vmem>>, vector<16xf32>,
        %get3A_618 = arith.constant 2 : i32
        %get3A_619 = arith.index_cast %get3A_618 : i32 to index
        %get3A_620 = arith.index_cast %mul3A_557 : i32 to index
        %get3A_621 = tpu.vector_load %arg8[%get3A_619, %get3A_620] {strides = array<i32>} : memref<16x1025xf32, #tpu.memory_space<vmem>>, vector<16xf32>,
        %ge3A_622 = arith.constant 5.000000e-02 : f32
        %ge3A_623 = vector.broadcast %ge3A_622 : f32 to vector<16xf32>
        %ge3A_624 = arith.cmpf oge, %get3A_617, %ge3A_623 : vector<16xf32>
        %min3A_625 = arith.constant 1.000000e+00 : f32
        %min3A_626 = vector.broadcast %min3A_625 : f32 to vector<16xf32>
        %min3A_627 = arith.minimumf %get3A_617, %min3A_626 : vector<16xf32>
        %jit3A_628 = arith.constant 0.000000e+00 : f32
        %broadcast_in_dim3A_629 = vector.broadcast %jit3A_628 : f32 to vector<16xf32>
        %select_n3A_630 = arith.select %ge3A_624, %min3A_627, %broadcast_in_dim3A_629 : vector<16xi1>, vector<16xf32>
        %mul3A_631 = arith.mulf %get3A_621, %select_n3A_630 : vector<16xf32>
        %add3A_632 = arith.addf %add3A_605, %mul3A_631 : vector<16xf32>
        %jit3A_633 = arith.constant 1.000000e+00 : f32
        %jit3A_634 = arith.constant 0.000000e+00 : f32
        %broadcast_in_dim3A_635 = vector.broadcast %jit3A_633 : f32 to vector<16xf32>
        %broadcast_in_dim3A_636 = vector.broadcast %jit3A_634 : f32 to vector<16xf32>
        %select_n3A_637 = arith.select %ge3A_624, %broadcast_in_dim3A_635, %broadcast_in_dim3A_636 : vector<16xi1>, vector<16xf32>
        %add3A_638 = arith.addf %add3A_611, %select_n3A_637 : vector<16xf32>
        %add3A_639 = arith.addf %add3A_612, %select_n3A_630 : vector<16xf32>
        %add3A_640 = arith.addf %scan3A_550, %select_n3A_630 : vector<16xf32>
        %get3A_641 = arith.constant 3 : i32
        %get3A_642 = arith.index_cast %get3A_641 : i32 to index
        %get3A_643 = arith.index_cast %mul3A_557 : i32 to index
        %get3A_644 = tpu.vector_load %arg6[%get3A_642, %get3A_643] {strides = array<i32>} : memref<16x1024xf32, #tpu.memory_space<vmem>>, vector<16xf32>,
        %get3A_645 = arith.constant 3 : i32
        %get3A_646 = arith.index_cast %get3A_645 : i32 to index
        %get3A_647 = arith.index_cast %mul3A_557 : i32 to index
        %get3A_648 = tpu.vector_load %arg8[%get3A_646, %get3A_647] {strides = array<i32>} : memref<16x1025xf32, #tpu.memory_space<vmem>>, vector<16xf32>,
        %ge3A_649 = arith.constant 5.000000e-02 : f32
        %ge3A_650 = vector.broadcast %ge3A_649 : f32 to vector<16xf32>
        %ge3A_651 = arith.cmpf oge, %get3A_644, %ge3A_650 : vector<16xf32>
        %min3A_652 = arith.constant 1.000000e+00 : f32
        %min3A_653 = vector.broadcast %min3A_652 : f32 to vector<16xf32>
        %min3A_654 = arith.minimumf %get3A_644, %min3A_653 : vector<16xf32>
        %jit3A_655 = arith.constant 0.000000e+00 : f32
        %broadcast_in_dim3A_656 = vector.broadcast %jit3A_655 : f32 to vector<16xf32>
        %select_n3A_657 = arith.select %ge3A_651, %min3A_654, %broadcast_in_dim3A_656 : vector<16xi1>, vector<16xf32>
        %mul3A_658 = arith.mulf %get3A_648, %select_n3A_657 : vector<16xf32>
        %add3A_659 = arith.addf %add3A_632, %mul3A_658 : vector<16xf32>
        %jit3A_660 = arith.constant 1.000000e+00 : f32
        %jit3A_661 = arith.constant 0.000000e+00 : f32
        %broadcast_in_dim3A_662 = vector.broadcast %jit3A_660 : f32 to vector<16xf32>
        %broadcast_in_dim3A_663 = vector.broadcast %jit3A_661 : f32 to vector<16xf32>
        %select_n3A_664 = arith.select %ge3A_651, %broadcast_in_dim3A_662, %broadcast_in_dim3A_663 : vector<16xi1>, vector<16xf32>
        %add3A_665 = arith.addf %add3A_638, %select_n3A_664 : vector<16xf32>
        %add3A_666 = arith.addf %add3A_639, %select_n3A_657 : vector<16xf32>
        %add3A_667 = arith.addf %scan3A_551, %select_n3A_657 : vector<16xf32>
        %get3A_668 = arith.constant 4 : i32
        %get3A_669 = arith.index_cast %get3A_668 : i32 to index
        %get3A_670 = arith.index_cast %mul3A_557 : i32 to index
        %get3A_671 = tpu.vector_load %arg6[%get3A_669, %get3A_670] {strides = array<i32>} : memref<16x1024xf32, #tpu.memory_space<vmem>>, vector<16xf32>,
        %get3A_672 = arith.constant 4 : i32
        %get3A_673 = arith.index_cast %get3A_672 : i32 to index
        %get3A_674 = arith.index_cast %mul3A_557 : i32 to index
        %get3A_675 = tpu.vector_load %arg8[%get3A_673, %get3A_674] {strides = array<i32>} : memref<16x1025xf32, #tpu.memory_space<vmem>>, vector<16xf32>,
        %ge3A_676 = arith.constant 5.000000e-02 : f32
        %ge3A_677 = vector.broadcast %ge3A_676 : f32 to vector<16xf32>
        %ge3A_678 = arith.cmpf oge, %get3A_671, %ge3A_677 : vector<16xf32>
        %min3A_679 = arith.constant 1.000000e+00 : f32
        %min3A_680 = vector.broadcast %min3A_679 : f32 to vector<16xf32>
        %min3A_681 = arith.minimumf %get3A_671, %min3A_680 : vector<16xf32>
        %jit3A_682 = arith.constant 0.000000e+00 : f32
        %broadcast_in_dim3A_683 = vector.broadcast %jit3A_682 : f32 to vector<16xf32>
        %select_n3A_684 = arith.select %ge3A_678, %min3A_681, %broadcast_in_dim3A_683 : vector<16xi1>, vector<16xf32>
        %mul3A_685 = arith.mulf %get3A_675, %select_n3A_684 : vector<16xf32>
        %add3A_686 = arith.addf %add3A_659, %mul3A_685 : vector<16xf32>
        %jit3A_687 = arith.constant 1.000000e+00 : f32
        %jit3A_688 = arith.constant 0.000000e+00 : f32
        %broadcast_in_dim3A_689 = vector.broadcast %jit3A_687 : f32 to vector<16xf32>
        %broadcast_in_dim3A_690 = vector.broadcast %jit3A_688 : f32 to vector<16xf32>
        %select_n3A_691 = arith.select %ge3A_678, %broadcast_in_dim3A_689, %broadcast_in_dim3A_690 : vector<16xi1>, vector<16xf32>
        %add3A_692 = arith.addf %add3A_665, %select_n3A_691 : vector<16xf32>
        %add3A_693 = arith.addf %add3A_666, %select_n3A_684 : vector<16xf32>
        %add3A_694 = arith.addf %scan3A_552, %select_n3A_684 : vector<16xf32>
        %get3A_695 = arith.constant 5 : i32
        %get3A_696 = arith.index_cast %get3A_695 : i32 to index
        %get3A_697 = arith.index_cast %mul3A_557 : i32 to index
        %get3A_698 = tpu.vector_load %arg6[%get3A_696, %get3A_697] {strides = array<i32>} : memref<16x1024xf32, #tpu.memory_space<vmem>>, vector<16xf32>,
        %get3A_699 = arith.constant 5 : i32
        %get3A_700 = arith.index_cast %get3A_699 : i32 to index
        %get3A_701 = arith.index_cast %mul3A_557 : i32 to index
        %get3A_702 = tpu.vector_load %arg8[%get3A_700, %get3A_701] {strides = array<i32>} : memref<16x1025xf32, #tpu.memory_space<vmem>>, vector<16xf32>,
        %ge3A_703 = arith.constant 5.000000e-02 : f32
        %ge3A_704 = vector.broadcast %ge3A_703 : f32 to vector<16xf32>
        %ge3A_705 = arith.cmpf oge, %get3A_698, %ge3A_704 : vector<16xf32>
        %min3A_706 = arith.constant 1.000000e+00 : f32
        %min3A_707 = vector.broadcast %min3A_706 : f32 to vector<16xf32>
        %min3A_708 = arith.minimumf %get3A_698, %min3A_707 : vector<16xf32>
        %jit3A_709 = arith.constant 0.000000e+00 : f32
        %broadcast_in_dim3A_710 = vector.broadcast %jit3A_709 : f32 to vector<16xf32>
        %select_n3A_711 = arith.select %ge3A_705, %min3A_708, %broadcast_in_dim3A_710 : vector<16xi1>, vector<16xf32>
        %mul3A_712 = arith.mulf %get3A_702, %select_n3A_711 : vector<16xf32>
        %add3A_713 = arith.addf %add3A_686, %mul3A_712 : vector<16xf32>
        %jit3A_714 = arith.constant 1.000000e+00 : f32
        %jit3A_715 = arith.constant 0.000000e+00 : f32
        %broadcast_in_dim3A_716 = vector.broadcast %jit3A_714 : f32 to vector<16xf32>
        %broadcast_in_dim3A_717 = vector.broadcast %jit3A_715 : f32 to vector<16xf32>
        %select_n3A_718 = arith.select %ge3A_705, %broadcast_in_dim3A_716, %broadcast_in_dim3A_717 : vector<16xi1>, vector<16xf32>
        %add3A_719 = arith.addf %add3A_692, %select_n3A_718 : vector<16xf32>
        %add3A_720 = arith.addf %add3A_693, %select_n3A_711 : vector<16xf32>
        %add3A_721 = arith.addf %scan3A_553, %select_n3A_711 : vector<16xf32>
        %get3A_722 = arith.constant 6 : i32
        %get3A_723 = arith.index_cast %get3A_722 : i32 to index
        %get3A_724 = arith.index_cast %mul3A_557 : i32 to index
        %get3A_725 = tpu.vector_load %arg6[%get3A_723, %get3A_724] {strides = array<i32>} : memref<16x1024xf32, #tpu.memory_space<vmem>>, vector<16xf32>,
        %get3A_726 = arith.constant 6 : i32
        %get3A_727 = arith.index_cast %get3A_726 : i32 to index
        %get3A_728 = arith.index_cast %mul3A_557 : i32 to index
        %get3A_729 = tpu.vector_load %arg8[%get3A_727, %get3A_728] {strides = array<i32>} : memref<16x1025xf32, #tpu.memory_space<vmem>>, vector<16xf32>,
        %ge3A_730 = arith.constant 5.000000e-02 : f32
        %ge3A_731 = vector.broadcast %ge3A_730 : f32 to vector<16xf32>
        %ge3A_732 = arith.cmpf oge, %get3A_725, %ge3A_731 : vector<16xf32>
        %min3A_733 = arith.constant 1.000000e+00 : f32
        %min3A_734 = vector.broadcast %min3A_733 : f32 to vector<16xf32>
        %min3A_735 = arith.minimumf %get3A_725, %min3A_734 : vector<16xf32>
        %jit3A_736 = arith.constant 0.000000e+00 : f32
        %broadcast_in_dim3A_737 = vector.broadcast %jit3A_736 : f32 to vector<16xf32>
        %select_n3A_738 = arith.select %ge3A_732, %min3A_735, %broadcast_in_dim3A_737 : vector<16xi1>, vector<16xf32>
        %mul3A_739 = arith.mulf %get3A_729, %select_n3A_738 : vector<16xf32>
        %add3A_740 = arith.addf %add3A_713, %mul3A_739 : vector<16xf32>
        %jit3A_741 = arith.constant 1.000000e+00 : f32
        %jit3A_742 = arith.constant 0.000000e+00 : f32
        %broadcast_in_dim3A_743 = vector.broadcast %jit3A_741 : f32 to vector<16xf32>
        %broadcast_in_dim3A_744 = vector.broadcast %jit3A_742 : f32 to vector<16xf32>
        %select_n3A_745 = arith.select %ge3A_732, %broadcast_in_dim3A_743, %broadcast_in_dim3A_744 : vector<16xi1>, vector<16xf32>
        %add3A_746 = arith.addf %add3A_719, %select_n3A_745 : vector<16xf32>
        %add3A_747 = arith.addf %add3A_720, %select_n3A_738 : vector<16xf32>
        %add3A_748 = arith.addf %scan3A_554, %select_n3A_738 : vector<16xf32>
        %get3A_749 = arith.constant 7 : i32
        %get3A_750 = arith.index_cast %get3A_749 : i32 to index
        %get3A_751 = arith.index_cast %mul3A_557 : i32 to index
        %get3A_752 = tpu.vector_load %arg6[%get3A_750, %get3A_751] {strides = array<i32>} : memref<16x1024xf32, #tpu.memory_space<vmem>>, vector<16xf32>,
        %get3A_753 = arith.constant 7 : i32
        %get3A_754 = arith.index_cast %get3A_753 : i32 to index
        %get3A_755 = arith.index_cast %mul3A_557 : i32 to index
        %get3A_756 = tpu.vector_load %arg8[%get3A_754, %get3A_755] {strides = array<i32>} : memref<16x1025xf32, #tpu.memory_space<vmem>>, vector<16xf32>,
        %ge3A_757 = arith.constant 5.000000e-02 : f32
        %ge3A_758 = vector.broadcast %ge3A_757 : f32 to vector<16xf32>
        %ge3A_759 = arith.cmpf oge, %get3A_752, %ge3A_758 : vector<16xf32>
        %min3A_760 = arith.constant 1.000000e+00 : f32
        %min3A_761 = vector.broadcast %min3A_760 : f32 to vector<16xf32>
        %min3A_762 = arith.minimumf %get3A_752, %min3A_761 : vector<16xf32>
        %jit3A_763 = arith.constant 0.000000e+00 : f32
        %broadcast_in_dim3A_764 = vector.broadcast %jit3A_763 : f32 to vector<16xf32>
        %select_n3A_765 = arith.select %ge3A_759, %min3A_762, %broadcast_in_dim3A_764 : vector<16xi1>, vector<16xf32>
        %mul3A_766 = arith.mulf %get3A_756, %select_n3A_765 : vector<16xf32>
        %add3A_767 = arith.addf %add3A_740, %mul3A_766 : vector<16xf32>
        %jit3A_768 = arith.constant 1.000000e+00 : f32
        %jit3A_769 = arith.constant 0.000000e+00 : f32
        %broadcast_in_dim3A_770 = vector.broadcast %jit3A_768 : f32 to vector<16xf32>
        %broadcast_in_dim3A_771 = vector.broadcast %jit3A_769 : f32 to vector<16xf32>
        %select_n3A_772 = arith.select %ge3A_759, %broadcast_in_dim3A_770, %broadcast_in_dim3A_771 : vector<16xi1>, vector<16xf32>
        %add3A_773 = arith.addf %add3A_746, %select_n3A_772 : vector<16xf32>
        %add3A_774 = arith.addf %add3A_747, %select_n3A_765 : vector<16xf32>
        %add3A_775 = arith.addf %scan3A_555, %select_n3A_765 : vector<16xf32>
        %swap3A_776 = arith.constant 0 : i32
        %swap3A_777 = arith.index_cast %swap3A_776 : i32 to index
        %swap3A_778 = arith.index_cast %mul3A_557 : i32 to index
        %swap3A_779 = tpu.vector_load %arg10[%swap3A_777, %swap3A_778] {strides = array<i32>} : memref<1x1040xf32, #tpu.memory_space<vmem>>, vector<16xf32>,
        tpu.vector_store %arg10[%swap3A_777, %swap3A_778], %add3A_774 {strides = array<i32>} : memref<1x1040xf32, #tpu.memory_space<vmem>>, vector<16xf32>,
        scf.yield %add3A_767, %add3A_773, %add3A_586, %add3A_613, %add3A_640, %add3A_667, %add3A_694, %add3A_721, %add3A_748, %add3A_775 : vector<16xf32>, vector<16xf32>, vector<16xf32>, vector<16xf32>, vector<16xf32>, vector<16xf32>, vector<16xf32>, vector<16xf32>, vector<16xf32>, vector<16xf32>
      }
      %scan3A_375 = arith.constant 64 : i32
      %swap3A_376 = arith.constant 0 : i32
      %swap3A_377 = arith.index_cast %swap3A_376 : i32 to index
      %swap3A_378 = arith.constant 0 : index
      %swap3A_379 = tpu.vector_load %arg12[%swap3A_377, %swap3A_378] {strides = array<i32>} : memref<16x16xf32, #tpu.memory_space<vmem>>, vector<16xf32>,
      tpu.vector_store %arg12[%swap3A_377, %swap3A_378], %scan3A_374#2 {strides = array<i32>} : memref<16x16xf32, #tpu.memory_space<vmem>>, vector<16xf32>,
      %swap3A_380 = arith.constant 1 : i32
      %swap3A_381 = arith.index_cast %swap3A_380 : i32 to index
      %swap3A_382 = arith.constant 0 : index
      %swap3A_383 = tpu.vector_load %arg12[%swap3A_381, %swap3A_382] {strides = array<i32>} : memref<16x16xf32, #tpu.memory_space<vmem>>, vector<16xf32>,
      tpu.vector_store %arg12[%swap3A_381, %swap3A_382], %scan3A_374#3 {strides = array<i32>} : memref<16x16xf32, #tpu.memory_space<vmem>>, vector<16xf32>,
      %swap3A_384 = arith.constant 2 : i32
      %swap3A_385 = arith.index_cast %swap3A_384 : i32 to index
      %swap3A_386 = arith.constant 0 : index
      %swap3A_387 = tpu.vector_load %arg12[%swap3A_385, %swap3A_386] {strides = array<i32>} : memref<16x16xf32, #tpu.memory_space<vmem>>, vector<16xf32>,
      tpu.vector_store %arg12[%swap3A_385, %swap3A_386], %scan3A_374#4 {strides = array<i32>} : memref<16x16xf32, #tpu.memory_space<vmem>>, vector<16xf32>,
      %swap3A_388 = arith.constant 3 : i32
      %swap3A_389 = arith.index_cast %swap3A_388 : i32 to index
      %swap3A_390 = arith.constant 0 : index
      %swap3A_391 = tpu.vector_load %arg12[%swap3A_389, %swap3A_390] {strides = array<i32>} : memref<16x16xf32, #tpu.memory_space<vmem>>, vector<16xf32>,
      tpu.vector_store %arg12[%swap3A_389, %swap3A_390], %scan3A_374#5 {strides = array<i32>} : memref<16x16xf32, #tpu.memory_space<vmem>>, vector<16xf32>,
      %swap3A_392 = arith.constant 4 : i32
      %swap3A_393 = arith.index_cast %swap3A_392 : i32 to index
      %swap3A_394 = arith.constant 0 : index
      %swap3A_395 = tpu.vector_load %arg12[%swap3A_393, %swap3A_394] {strides = array<i32>} : memref<16x16xf32, #tpu.memory_space<vmem>>, vector<16xf32>,
      tpu.vector_store %arg12[%swap3A_393, %swap3A_394], %scan3A_374#6 {strides = array<i32>} : memref<16x16xf32, #tpu.memory_space<vmem>>, vector<16xf32>,
      %swap3A_396 = arith.constant 5 : i32
      %swap3A_397 = arith.index_cast %swap3A_396 : i32 to index
      %swap3A_398 = arith.constant 0 : index
      %swap3A_399 = tpu.vector_load %arg12[%swap3A_397, %swap3A_398] {strides = array<i32>} : memref<16x16xf32, #tpu.memory_space<vmem>>, vector<16xf32>,
      tpu.vector_store %arg12[%swap3A_397, %swap3A_398], %scan3A_374#7 {strides = array<i32>} : memref<16x16xf32, #tpu.memory_space<vmem>>, vector<16xf32>,
      %swap3A_400 = arith.constant 6 : i32
      %swap3A_401 = arith.index_cast %swap3A_400 : i32 to index
      %swap3A_402 = arith.constant 0 : index
      %swap3A_403 = tpu.vector_load %arg12[%swap3A_401, %swap3A_402] {strides = array<i32>} : memref<16x16xf32, #tpu.memory_space<vmem>>, vector<16xf32>,
      tpu.vector_store %arg12[%swap3A_401, %swap3A_402], %scan3A_374#8 {strides = array<i32>} : memref<16x16xf32, #tpu.memory_space<vmem>>, vector<16xf32>,
      %swap3A_404 = arith.constant 7 : i32
      %swap3A_405 = arith.index_cast %swap3A_404 : i32 to index
      %swap3A_406 = arith.constant 0 : index
      %swap3A_407 = tpu.vector_load %arg12[%swap3A_405, %swap3A_406] {strides = array<i32>} : memref<16x16xf32, #tpu.memory_space<vmem>>, vector<16xf32>,
      tpu.vector_store %arg12[%swap3A_405, %swap3A_406], %scan3A_374#9 {strides = array<i32>} : memref<16x16xf32, #tpu.memory_space<vmem>>, vector<16xf32>,
      %scan3A_408 = arith.constant 0 : i32
      %scan3A_409 = arith.constant 64 : i32
      %scan3A_410 = arith.addi %scan3A_408, %scan3A_409 : i32
      %scan3A_411 = arith.constant 1 : i32
      %scan3A_412:10 = scf.for %scan3A_545 = %scan3A_408 to %scan3A_410 step %scan3A_411 iter_args(%scan3A_546 = %scan3A_374#0, %scan3A_547 = %scan3A_374#1, %scan3A_548 = %broadcast_in_dim3A_70, %scan3A_549 = %broadcast_in_dim3A_70, %scan3A_550 = %broadcast_in_dim3A_70, %scan3A_551 = %broadcast_in_dim3A_70, %scan3A_552 = %broadcast_in_dim3A_70, %scan3A_553 = %broadcast_in_dim3A_70, %scan3A_554 = %broadcast_in_dim3A_70, %scan3A_555 = %broadcast_in_dim3A_70) -> (vector<16xf32>, vector<16xf32>, vector<16xf32>, vector<16xf32>, vector<16xf32>, vector<16xf32>, vector<16xf32>, vector<16xf32>, vector<16xf32>, vector<16xf32>)  : i32 {
        %mul3A_556 = arith.constant 16 : i32
        %mul3A_557 = arith.muli %scan3A_545, %mul3A_556 : i32
        %get3A = arith.constant 0 : i32
        %get3A_558 = arith.index_cast %get3A : i32 to index
        %get3A_559 = arith.index_cast %mul3A_557 : i32 to index
        %get3A_560 = tpu.vector_load %arg10[%get3A_558, %get3A_559] {strides = array<i32>} : memref<1x1040xf32, #tpu.memory_space<vmem>>, vector<16xf32>,
        %get3A_561 = arith.constant 8 : i32
        %get3A_562 = arith.index_cast %get3A_561 : i32 to index
        %get3A_563 = arith.index_cast %mul3A_557 : i32 to index
        %get3A_564 = tpu.vector_load %arg6[%get3A_562, %get3A_563] {strides = array<i32>} : memref<16x1024xf32, #tpu.memory_space<vmem>>, vector<16xf32>,
        %get3A_565 = arith.constant 8 : i32
        %get3A_566 = arith.index_cast %get3A_565 : i32 to index
        %get3A_567 = arith.index_cast %mul3A_557 : i32 to index
        %get3A_568 = tpu.vector_load %arg8[%get3A_566, %get3A_567] {strides = array<i32>} : memref<16x1025xf32, #tpu.memory_space<vmem>>, vector<16xf32>,
        %ge3A = arith.constant 5.000000e-02 : f32
        %ge3A_569 = vector.broadcast %ge3A : f32 to vector<16xf32>
        %ge3A_570 = arith.cmpf oge, %get3A_564, %ge3A_569 : vector<16xf32>
        %min3A_571 = arith.constant 1.000000e+00 : f32
        %min3A_572 = vector.broadcast %min3A_571 : f32 to vector<16xf32>
        %min3A_573 = arith.minimumf %get3A_564, %min3A_572 : vector<16xf32>
        %jit3A_574 = arith.constant 0.000000e+00 : f32
        %broadcast_in_dim3A_575 = vector.broadcast %jit3A_574 : f32 to vector<16xf32>
        %select_n3A_576 = arith.select %ge3A_570, %min3A_573, %broadcast_in_dim3A_575 : vector<16xi1>, vector<16xf32>
        %mul3A_577 = arith.mulf %get3A_568, %select_n3A_576 : vector<16xf32>
        %add3A_578 = arith.addf %scan3A_546, %mul3A_577 : vector<16xf32>
        %jit3A_579 = arith.constant 1.000000e+00 : f32
        %jit3A_580 = arith.constant 0.000000e+00 : f32
        %broadcast_in_dim3A_581 = vector.broadcast %jit3A_579 : f32 to vector<16xf32>
        %broadcast_in_dim3A_582 = vector.broadcast %jit3A_580 : f32 to vector<16xf32>
        %select_n3A_583 = arith.select %ge3A_570, %broadcast_in_dim3A_581, %broadcast_in_dim3A_582 : vector<16xi1>, vector<16xf32>
        %add3A_584 = arith.addf %scan3A_547, %select_n3A_583 : vector<16xf32>
        %add3A_585 = arith.addf %get3A_560, %select_n3A_576 : vector<16xf32>
        %add3A_586 = arith.addf %scan3A_548, %select_n3A_576 : vector<16xf32>
        %get3A_587 = arith.constant 9 : i32
        %get3A_588 = arith.index_cast %get3A_587 : i32 to index
        %get3A_589 = arith.index_cast %mul3A_557 : i32 to index
        %get3A_590 = tpu.vector_load %arg6[%get3A_588, %get3A_589] {strides = array<i32>} : memref<16x1024xf32, #tpu.memory_space<vmem>>, vector<16xf32>,
        %get3A_591 = arith.constant 9 : i32
        %get3A_592 = arith.index_cast %get3A_591 : i32 to index
        %get3A_593 = arith.index_cast %mul3A_557 : i32 to index
        %get3A_594 = tpu.vector_load %arg8[%get3A_592, %get3A_593] {strides = array<i32>} : memref<16x1025xf32, #tpu.memory_space<vmem>>, vector<16xf32>,
        %ge3A_595 = arith.constant 5.000000e-02 : f32
        %ge3A_596 = vector.broadcast %ge3A_595 : f32 to vector<16xf32>
        %ge3A_597 = arith.cmpf oge, %get3A_590, %ge3A_596 : vector<16xf32>
        %min3A_598 = arith.constant 1.000000e+00 : f32
        %min3A_599 = vector.broadcast %min3A_598 : f32 to vector<16xf32>
        %min3A_600 = arith.minimumf %get3A_590, %min3A_599 : vector<16xf32>
        %jit3A_601 = arith.constant 0.000000e+00 : f32
        %broadcast_in_dim3A_602 = vector.broadcast %jit3A_601 : f32 to vector<16xf32>
        %select_n3A_603 = arith.select %ge3A_597, %min3A_600, %broadcast_in_dim3A_602 : vector<16xi1>, vector<16xf32>
        %mul3A_604 = arith.mulf %get3A_594, %select_n3A_603 : vector<16xf32>
        %add3A_605 = arith.addf %add3A_578, %mul3A_604 : vector<16xf32>
        %jit3A_606 = arith.constant 1.000000e+00 : f32
        %jit3A_607 = arith.constant 0.000000e+00 : f32
        %broadcast_in_dim3A_608 = vector.broadcast %jit3A_606 : f32 to vector<16xf32>
        %broadcast_in_dim3A_609 = vector.broadcast %jit3A_607 : f32 to vector<16xf32>
        %select_n3A_610 = arith.select %ge3A_597, %broadcast_in_dim3A_608, %broadcast_in_dim3A_609 : vector<16xi1>, vector<16xf32>
        %add3A_611 = arith.addf %add3A_584, %select_n3A_610 : vector<16xf32>
        %add3A_612 = arith.addf %add3A_585, %select_n3A_603 : vector<16xf32>
        %add3A_613 = arith.addf %scan3A_549, %select_n3A_603 : vector<16xf32>
        %get3A_614 = arith.constant 10 : i32
        %get3A_615 = arith.index_cast %get3A_614 : i32 to index
        %get3A_616 = arith.index_cast %mul3A_557 : i32 to index
        %get3A_617 = tpu.vector_load %arg6[%get3A_615, %get3A_616] {strides = array<i32>} : memref<16x1024xf32, #tpu.memory_space<vmem>>, vector<16xf32>,
        %get3A_618 = arith.constant 10 : i32
        %get3A_619 = arith.index_cast %get3A_618 : i32 to index
        %get3A_620 = arith.index_cast %mul3A_557 : i32 to index
        %get3A_621 = tpu.vector_load %arg8[%get3A_619, %get3A_620] {strides = array<i32>} : memref<16x1025xf32, #tpu.memory_space<vmem>>, vector<16xf32>,
        %ge3A_622 = arith.constant 5.000000e-02 : f32
        %ge3A_623 = vector.broadcast %ge3A_622 : f32 to vector<16xf32>
        %ge3A_624 = arith.cmpf oge, %get3A_617, %ge3A_623 : vector<16xf32>
        %min3A_625 = arith.constant 1.000000e+00 : f32
        %min3A_626 = vector.broadcast %min3A_625 : f32 to vector<16xf32>
        %min3A_627 = arith.minimumf %get3A_617, %min3A_626 : vector<16xf32>
        %jit3A_628 = arith.constant 0.000000e+00 : f32
        %broadcast_in_dim3A_629 = vector.broadcast %jit3A_628 : f32 to vector<16xf32>
        %select_n3A_630 = arith.select %ge3A_624, %min3A_627, %broadcast_in_dim3A_629 : vector<16xi1>, vector<16xf32>
        %mul3A_631 = arith.mulf %get3A_621, %select_n3A_630 : vector<16xf32>
        %add3A_632 = arith.addf %add3A_605, %mul3A_631 : vector<16xf32>
        %jit3A_633 = arith.constant 1.000000e+00 : f32
        %jit3A_634 = arith.constant 0.000000e+00 : f32
        %broadcast_in_dim3A_635 = vector.broadcast %jit3A_633 : f32 to vector<16xf32>
        %broadcast_in_dim3A_636 = vector.broadcast %jit3A_634 : f32 to vector<16xf32>
        %select_n3A_637 = arith.select %ge3A_624, %broadcast_in_dim3A_635, %broadcast_in_dim3A_636 : vector<16xi1>, vector<16xf32>
        %add3A_638 = arith.addf %add3A_611, %select_n3A_637 : vector<16xf32>
        %add3A_639 = arith.addf %add3A_612, %select_n3A_630 : vector<16xf32>
        %add3A_640 = arith.addf %scan3A_550, %select_n3A_630 : vector<16xf32>
        %get3A_641 = arith.constant 11 : i32
        %get3A_642 = arith.index_cast %get3A_641 : i32 to index
        %get3A_643 = arith.index_cast %mul3A_557 : i32 to index
        %get3A_644 = tpu.vector_load %arg6[%get3A_642, %get3A_643] {strides = array<i32>} : memref<16x1024xf32, #tpu.memory_space<vmem>>, vector<16xf32>,
        %get3A_645 = arith.constant 11 : i32
        %get3A_646 = arith.index_cast %get3A_645 : i32 to index
        %get3A_647 = arith.index_cast %mul3A_557 : i32 to index
        %get3A_648 = tpu.vector_load %arg8[%get3A_646, %get3A_647] {strides = array<i32>} : memref<16x1025xf32, #tpu.memory_space<vmem>>, vector<16xf32>,
        %ge3A_649 = arith.constant 5.000000e-02 : f32
        %ge3A_650 = vector.broadcast %ge3A_649 : f32 to vector<16xf32>
        %ge3A_651 = arith.cmpf oge, %get3A_644, %ge3A_650 : vector<16xf32>
        %min3A_652 = arith.constant 1.000000e+00 : f32
        %min3A_653 = vector.broadcast %min3A_652 : f32 to vector<16xf32>
        %min3A_654 = arith.minimumf %get3A_644, %min3A_653 : vector<16xf32>
        %jit3A_655 = arith.constant 0.000000e+00 : f32
        %broadcast_in_dim3A_656 = vector.broadcast %jit3A_655 : f32 to vector<16xf32>
        %select_n3A_657 = arith.select %ge3A_651, %min3A_654, %broadcast_in_dim3A_656 : vector<16xi1>, vector<16xf32>
        %mul3A_658 = arith.mulf %get3A_648, %select_n3A_657 : vector<16xf32>
        %add3A_659 = arith.addf %add3A_632, %mul3A_658 : vector<16xf32>
        %jit3A_660 = arith.constant 1.000000e+00 : f32
        %jit3A_661 = arith.constant 0.000000e+00 : f32
        %broadcast_in_dim3A_662 = vector.broadcast %jit3A_660 : f32 to vector<16xf32>
        %broadcast_in_dim3A_663 = vector.broadcast %jit3A_661 : f32 to vector<16xf32>
        %select_n3A_664 = arith.select %ge3A_651, %broadcast_in_dim3A_662, %broadcast_in_dim3A_663 : vector<16xi1>, vector<16xf32>
        %add3A_665 = arith.addf %add3A_638, %select_n3A_664 : vector<16xf32>
        %add3A_666 = arith.addf %add3A_639, %select_n3A_657 : vector<16xf32>
        %add3A_667 = arith.addf %scan3A_551, %select_n3A_657 : vector<16xf32>
        %get3A_668 = arith.constant 12 : i32
        %get3A_669 = arith.index_cast %get3A_668 : i32 to index
        %get3A_670 = arith.index_cast %mul3A_557 : i32 to index
        %get3A_671 = tpu.vector_load %arg6[%get3A_669, %get3A_670] {strides = array<i32>} : memref<16x1024xf32, #tpu.memory_space<vmem>>, vector<16xf32>,
        %get3A_672 = arith.constant 12 : i32
        %get3A_673 = arith.index_cast %get3A_672 : i32 to index
        %get3A_674 = arith.index_cast %mul3A_557 : i32 to index
        %get3A_675 = tpu.vector_load %arg8[%get3A_673, %get3A_674] {strides = array<i32>} : memref<16x1025xf32, #tpu.memory_space<vmem>>, vector<16xf32>,
        %ge3A_676 = arith.constant 5.000000e-02 : f32
        %ge3A_677 = vector.broadcast %ge3A_676 : f32 to vector<16xf32>
        %ge3A_678 = arith.cmpf oge, %get3A_671, %ge3A_677 : vector<16xf32>
        %min3A_679 = arith.constant 1.000000e+00 : f32
        %min3A_680 = vector.broadcast %min3A_679 : f32 to vector<16xf32>
        %min3A_681 = arith.minimumf %get3A_671, %min3A_680 : vector<16xf32>
        %jit3A_682 = arith.constant 0.000000e+00 : f32
        %broadcast_in_dim3A_683 = vector.broadcast %jit3A_682 : f32 to vector<16xf32>
        %select_n3A_684 = arith.select %ge3A_678, %min3A_681, %broadcast_in_dim3A_683 : vector<16xi1>, vector<16xf32>
        %mul3A_685 = arith.mulf %get3A_675, %select_n3A_684 : vector<16xf32>
        %add3A_686 = arith.addf %add3A_659, %mul3A_685 : vector<16xf32>
        %jit3A_687 = arith.constant 1.000000e+00 : f32
        %jit3A_688 = arith.constant 0.000000e+00 : f32
        %broadcast_in_dim3A_689 = vector.broadcast %jit3A_687 : f32 to vector<16xf32>
        %broadcast_in_dim3A_690 = vector.broadcast %jit3A_688 : f32 to vector<16xf32>
        %select_n3A_691 = arith.select %ge3A_678, %broadcast_in_dim3A_689, %broadcast_in_dim3A_690 : vector<16xi1>, vector<16xf32>
        %add3A_692 = arith.addf %add3A_665, %select_n3A_691 : vector<16xf32>
        %add3A_693 = arith.addf %add3A_666, %select_n3A_684 : vector<16xf32>
        %add3A_694 = arith.addf %scan3A_552, %select_n3A_684 : vector<16xf32>
        %get3A_695 = arith.constant 13 : i32
        %get3A_696 = arith.index_cast %get3A_695 : i32 to index
        %get3A_697 = arith.index_cast %mul3A_557 : i32 to index
        %get3A_698 = tpu.vector_load %arg6[%get3A_696, %get3A_697] {strides = array<i32>} : memref<16x1024xf32, #tpu.memory_space<vmem>>, vector<16xf32>,
        %get3A_699 = arith.constant 13 : i32
        %get3A_700 = arith.index_cast %get3A_699 : i32 to index
        %get3A_701 = arith.index_cast %mul3A_557 : i32 to index
        %get3A_702 = tpu.vector_load %arg8[%get3A_700, %get3A_701] {strides = array<i32>} : memref<16x1025xf32, #tpu.memory_space<vmem>>, vector<16xf32>,
        %ge3A_703 = arith.constant 5.000000e-02 : f32
        %ge3A_704 = vector.broadcast %ge3A_703 : f32 to vector<16xf32>
        %ge3A_705 = arith.cmpf oge, %get3A_698, %ge3A_704 : vector<16xf32>
        %min3A_706 = arith.constant 1.000000e+00 : f32
        %min3A_707 = vector.broadcast %min3A_706 : f32 to vector<16xf32>
        %min3A_708 = arith.minimumf %get3A_698, %min3A_707 : vector<16xf32>
        %jit3A_709 = arith.constant 0.000000e+00 : f32
        %broadcast_in_dim3A_710 = vector.broadcast %jit3A_709 : f32 to vector<16xf32>
        %select_n3A_711 = arith.select %ge3A_705, %min3A_708, %broadcast_in_dim3A_710 : vector<16xi1>, vector<16xf32>
        %mul3A_712 = arith.mulf %get3A_702, %select_n3A_711 : vector<16xf32>
        %add3A_713 = arith.addf %add3A_686, %mul3A_712 : vector<16xf32>
        %jit3A_714 = arith.constant 1.000000e+00 : f32
        %jit3A_715 = arith.constant 0.000000e+00 : f32
        %broadcast_in_dim3A_716 = vector.broadcast %jit3A_714 : f32 to vector<16xf32>
        %broadcast_in_dim3A_717 = vector.broadcast %jit3A_715 : f32 to vector<16xf32>
        %select_n3A_718 = arith.select %ge3A_705, %broadcast_in_dim3A_716, %broadcast_in_dim3A_717 : vector<16xi1>, vector<16xf32>
        %add3A_719 = arith.addf %add3A_692, %select_n3A_718 : vector<16xf32>
        %add3A_720 = arith.addf %add3A_693, %select_n3A_711 : vector<16xf32>
        %add3A_721 = arith.addf %scan3A_553, %select_n3A_711 : vector<16xf32>
        %get3A_722 = arith.constant 14 : i32
        %get3A_723 = arith.index_cast %get3A_722 : i32 to index
        %get3A_724 = arith.index_cast %mul3A_557 : i32 to index
        %get3A_725 = tpu.vector_load %arg6[%get3A_723, %get3A_724] {strides = array<i32>} : memref<16x1024xf32, #tpu.memory_space<vmem>>, vector<16xf32>,
        %get3A_726 = arith.constant 14 : i32
        %get3A_727 = arith.index_cast %get3A_726 : i32 to index
        %get3A_728 = arith.index_cast %mul3A_557 : i32 to index
        %get3A_729 = tpu.vector_load %arg8[%get3A_727, %get3A_728] {strides = array<i32>} : memref<16x1025xf32, #tpu.memory_space<vmem>>, vector<16xf32>,
        %ge3A_730 = arith.constant 5.000000e-02 : f32
        %ge3A_731 = vector.broadcast %ge3A_730 : f32 to vector<16xf32>
        %ge3A_732 = arith.cmpf oge, %get3A_725, %ge3A_731 : vector<16xf32>
        %min3A_733 = arith.constant 1.000000e+00 : f32
        %min3A_734 = vector.broadcast %min3A_733 : f32 to vector<16xf32>
        %min3A_735 = arith.minimumf %get3A_725, %min3A_734 : vector<16xf32>
        %jit3A_736 = arith.constant 0.000000e+00 : f32
        %broadcast_in_dim3A_737 = vector.broadcast %jit3A_736 : f32 to vector<16xf32>
        %select_n3A_738 = arith.select %ge3A_732, %min3A_735, %broadcast_in_dim3A_737 : vector<16xi1>, vector<16xf32>
        %mul3A_739 = arith.mulf %get3A_729, %select_n3A_738 : vector<16xf32>
        %add3A_740 = arith.addf %add3A_713, %mul3A_739 : vector<16xf32>
        %jit3A_741 = arith.constant 1.000000e+00 : f32
        %jit3A_742 = arith.constant 0.000000e+00 : f32
        %broadcast_in_dim3A_743 = vector.broadcast %jit3A_741 : f32 to vector<16xf32>
        %broadcast_in_dim3A_744 = vector.broadcast %jit3A_742 : f32 to vector<16xf32>
        %select_n3A_745 = arith.select %ge3A_732, %broadcast_in_dim3A_743, %broadcast_in_dim3A_744 : vector<16xi1>, vector<16xf32>
        %add3A_746 = arith.addf %add3A_719, %select_n3A_745 : vector<16xf32>
        %add3A_747 = arith.addf %add3A_720, %select_n3A_738 : vector<16xf32>
        %add3A_748 = arith.addf %scan3A_554, %select_n3A_738 : vector<16xf32>
        %get3A_749 = arith.constant 15 : i32
        %get3A_750 = arith.index_cast %get3A_749 : i32 to index
        %get3A_751 = arith.index_cast %mul3A_557 : i32 to index
        %get3A_752 = tpu.vector_load %arg6[%get3A_750, %get3A_751] {strides = array<i32>} : memref<16x1024xf32, #tpu.memory_space<vmem>>, vector<16xf32>,
        %get3A_753 = arith.constant 15 : i32
        %get3A_754 = arith.index_cast %get3A_753 : i32 to index
        %get3A_755 = arith.index_cast %mul3A_557 : i32 to index
        %get3A_756 = tpu.vector_load %arg8[%get3A_754, %get3A_755] {strides = array<i32>} : memref<16x1025xf32, #tpu.memory_space<vmem>>, vector<16xf32>,
        %ge3A_757 = arith.constant 5.000000e-02 : f32
        %ge3A_758 = vector.broadcast %ge3A_757 : f32 to vector<16xf32>
        %ge3A_759 = arith.cmpf oge, %get3A_752, %ge3A_758 : vector<16xf32>
        %min3A_760 = arith.constant 1.000000e+00 : f32
        %min3A_761 = vector.broadcast %min3A_760 : f32 to vector<16xf32>
        %min3A_762 = arith.minimumf %get3A_752, %min3A_761 : vector<16xf32>
        %jit3A_763 = arith.constant 0.000000e+00 : f32
        %broadcast_in_dim3A_764 = vector.broadcast %jit3A_763 : f32 to vector<16xf32>
        %select_n3A_765 = arith.select %ge3A_759, %min3A_762, %broadcast_in_dim3A_764 : vector<16xi1>, vector<16xf32>
        %mul3A_766 = arith.mulf %get3A_756, %select_n3A_765 : vector<16xf32>
        %add3A_767 = arith.addf %add3A_740, %mul3A_766 : vector<16xf32>
        %jit3A_768 = arith.constant 1.000000e+00 : f32
        %jit3A_769 = arith.constant 0.000000e+00 : f32
        %broadcast_in_dim3A_770 = vector.broadcast %jit3A_768 : f32 to vector<16xf32>
        %broadcast_in_dim3A_771 = vector.broadcast %jit3A_769 : f32 to vector<16xf32>
        %select_n3A_772 = arith.select %ge3A_759, %broadcast_in_dim3A_770, %broadcast_in_dim3A_771 : vector<16xi1>, vector<16xf32>
        %add3A_773 = arith.addf %add3A_746, %select_n3A_772 : vector<16xf32>
        %add3A_774 = arith.addf %add3A_747, %select_n3A_765 : vector<16xf32>
        %add3A_775 = arith.addf %scan3A_555, %select_n3A_765 : vector<16xf32>
        %swap3A_776 = arith.constant 0 : i32
        %swap3A_777 = arith.index_cast %swap3A_776 : i32 to index
        %swap3A_778 = arith.index_cast %mul3A_557 : i32 to index
        %swap3A_779 = tpu.vector_load %arg10[%swap3A_777, %swap3A_778] {strides = array<i32>} : memref<1x1040xf32, #tpu.memory_space<vmem>>, vector<16xf32>,
        tpu.vector_store %arg10[%swap3A_777, %swap3A_778], %add3A_774 {strides = array<i32>} : memref<1x1040xf32, #tpu.memory_space<vmem>>, vector<16xf32>,
        scf.yield %add3A_767, %add3A_773, %add3A_586, %add3A_613, %add3A_640, %add3A_667, %add3A_694, %add3A_721, %add3A_748, %add3A_775 : vector<16xf32>, vector<16xf32>, vector<16xf32>, vector<16xf32>, vector<16xf32>, vector<16xf32>, vector<16xf32>, vector<16xf32>, vector<16xf32>, vector<16xf32>
      }
      %scan3A_413 = arith.constant 64 : i32
      %swap3A_414 = arith.constant 8 : i32
      %swap3A_415 = arith.index_cast %swap3A_414 : i32 to index
      %swap3A_416 = arith.constant 0 : index
      %swap3A_417 = tpu.vector_load %arg12[%swap3A_415, %swap3A_416] {strides = array<i32>} : memref<16x16xf32, #tpu.memory_space<vmem>>, vector<16xf32>,
      tpu.vector_store %arg12[%swap3A_415, %swap3A_416], %scan3A_412#2 {strides = array<i32>} : memref<16x16xf32, #tpu.memory_space<vmem>>, vector<16xf32>,
      %swap3A_418 = arith.constant 9 : i32
      %swap3A_419 = arith.index_cast %swap3A_418 : i32 to index
      %swap3A_420 = arith.constant 0 : index
      %swap3A_421 = tpu.vector_load %arg12[%swap3A_419, %swap3A_420] {strides = array<i32>} : memref<16x16xf32, #tpu.memory_space<vmem>>, vector<16xf32>,
      tpu.vector_store %arg12[%swap3A_419, %swap3A_420], %scan3A_412#3 {strides = array<i32>} : memref<16x16xf32, #tpu.memory_space<vmem>>, vector<16xf32>,
      %swap3A_422 = arith.constant 10 : i32
      %swap3A_423 = arith.index_cast %swap3A_422 : i32 to index
      %swap3A_424 = arith.constant 0 : index
      %swap3A_425 = tpu.vector_load %arg12[%swap3A_423, %swap3A_424] {strides = array<i32>} : memref<16x16xf32, #tpu.memory_space<vmem>>, vector<16xf32>,
      tpu.vector_store %arg12[%swap3A_423, %swap3A_424], %scan3A_412#4 {strides = array<i32>} : memref<16x16xf32, #tpu.memory_space<vmem>>, vector<16xf32>,
      %swap3A_426 = arith.constant 11 : i32
      %swap3A_427 = arith.index_cast %swap3A_426 : i32 to index
      %swap3A_428 = arith.constant 0 : index
      %swap3A_429 = tpu.vector_load %arg12[%swap3A_427, %swap3A_428] {strides = array<i32>} : memref<16x16xf32, #tpu.memory_space<vmem>>, vector<16xf32>,
      tpu.vector_store %arg12[%swap3A_427, %swap3A_428], %scan3A_412#5 {strides = array<i32>} : memref<16x16xf32, #tpu.memory_space<vmem>>, vector<16xf32>,
      %swap3A_430 = arith.constant 12 : i32
      %swap3A_431 = arith.index_cast %swap3A_430 : i32 to index
      %swap3A_432 = arith.constant 0 : index
      %swap3A_433 = tpu.vector_load %arg12[%swap3A_431, %swap3A_432] {strides = array<i32>} : memref<16x16xf32, #tpu.memory_space<vmem>>, vector<16xf32>,
      tpu.vector_store %arg12[%swap3A_431, %swap3A_432], %scan3A_412#6 {strides = array<i32>} : memref<16x16xf32, #tpu.memory_space<vmem>>, vector<16xf32>,
      %swap3A_434 = arith.constant 13 : i32
      %swap3A_435 = arith.index_cast %swap3A_434 : i32 to index
      %swap3A_436 = arith.constant 0 : index
      %swap3A_437 = tpu.vector_load %arg12[%swap3A_435, %swap3A_436] {strides = array<i32>} : memref<16x16xf32, #tpu.memory_space<vmem>>, vector<16xf32>,
      tpu.vector_store %arg12[%swap3A_435, %swap3A_436], %scan3A_412#7 {strides = array<i32>} : memref<16x16xf32, #tpu.memory_space<vmem>>, vector<16xf32>,
      %swap3A_438 = arith.constant 14 : i32
      %swap3A_439 = arith.index_cast %swap3A_438 : i32 to index
      %swap3A_440 = arith.constant 0 : index
      %swap3A_441 = tpu.vector_load %arg12[%swap3A_439, %swap3A_440] {strides = array<i32>} : memref<16x16xf32, #tpu.memory_space<vmem>>, vector<16xf32>,
      tpu.vector_store %arg12[%swap3A_439, %swap3A_440], %scan3A_412#8 {strides = array<i32>} : memref<16x16xf32, #tpu.memory_space<vmem>>, vector<16xf32>,
      %swap3A_442 = arith.constant 15 : i32
      %swap3A_443 = arith.index_cast %swap3A_442 : i32 to index
      %swap3A_444 = arith.constant 0 : index
      %swap3A_445 = tpu.vector_load %arg12[%swap3A_443, %swap3A_444] {strides = array<i32>} : memref<16x16xf32, #tpu.memory_space<vmem>>, vector<16xf32>,
      tpu.vector_store %arg12[%swap3A_443, %swap3A_444], %scan3A_412#9 {strides = array<i32>} : memref<16x16xf32, #tpu.memory_space<vmem>>, vector<16xf32>,
      %broadcast_in_dim3A_446 = arith.constant 0 : i32
      %broadcast_in_dim3A_447 = vector.broadcast %broadcast_in_dim3A_446 : i32 to vector<16xi32>
      %gather3A_448 = tpu.vector_load_idx %arg12[%iota3A, %broadcast_in_dim3A_447] : memref<16x16xf32, #tpu.memory_space<vmem>>[vector<16xi32>, vector<16xi32>], vector<16xf32>,
      %broadcast_in_dim3A_449 = arith.constant 1 : i32
      %broadcast_in_dim3A_450 = vector.broadcast %broadcast_in_dim3A_449 : i32 to vector<16xi32>
      %gather3A_451 = tpu.vector_load_idx %arg12[%iota3A, %broadcast_in_dim3A_450] : memref<16x16xf32, #tpu.memory_space<vmem>>[vector<16xi32>, vector<16xi32>], vector<16xf32>,
      %add3A_452 = arith.addf %gather3A_448, %gather3A_451 : vector<16xf32>
      %broadcast_in_dim3A_453 = arith.constant 2 : i32
      %broadcast_in_dim3A_454 = vector.broadcast %broadcast_in_dim3A_453 : i32 to vector<16xi32>
      %gather3A_455 = tpu.vector_load_idx %arg12[%iota3A, %broadcast_in_dim3A_454] : memref<16x16xf32, #tpu.memory_space<vmem>>[vector<16xi32>, vector<16xi32>], vector<16xf32>,
      %add3A_456 = arith.addf %add3A_452, %gather3A_455 : vector<16xf32>
      %broadcast_in_dim3A_457 = arith.constant 3 : i32
      %broadcast_in_dim3A_458 = vector.broadcast %broadcast_in_dim3A_457 : i32 to vector<16xi32>
      %gather3A_459 = tpu.vector_load_idx %arg12[%iota3A, %broadcast_in_dim3A_458] : memref<16x16xf32, #tpu.memory_space<vmem>>[vector<16xi32>, vector<16xi32>], vector<16xf32>,
      %add3A_460 = arith.addf %add3A_456, %gather3A_459 : vector<16xf32>
      %broadcast_in_dim3A_461 = arith.constant 4 : i32
      %broadcast_in_dim3A_462 = vector.broadcast %broadcast_in_dim3A_461 : i32 to vector<16xi32>
      %gather3A_463 = tpu.vector_load_idx %arg12[%iota3A, %broadcast_in_dim3A_462] : memref<16x16xf32, #tpu.memory_space<vmem>>[vector<16xi32>, vector<16xi32>], vector<16xf32>,
      %add3A_464 = arith.addf %add3A_460, %gather3A_463 : vector<16xf32>
      %broadcast_in_dim3A_465 = arith.constant 5 : i32
      %broadcast_in_dim3A_466 = vector.broadcast %broadcast_in_dim3A_465 : i32 to vector<16xi32>
      %gather3A_467 = tpu.vector_load_idx %arg12[%iota3A, %broadcast_in_dim3A_466] : memref<16x16xf32, #tpu.memory_space<vmem>>[vector<16xi32>, vector<16xi32>], vector<16xf32>,
      %add3A_468 = arith.addf %add3A_464, %gather3A_467 : vector<16xf32>
      %broadcast_in_dim3A_469 = arith.constant 6 : i32
      %broadcast_in_dim3A_470 = vector.broadcast %broadcast_in_dim3A_469 : i32 to vector<16xi32>
      %gather3A_471 = tpu.vector_load_idx %arg12[%iota3A, %broadcast_in_dim3A_470] : memref<16x16xf32, #tpu.memory_space<vmem>>[vector<16xi32>, vector<16xi32>], vector<16xf32>,
      %add3A_472 = arith.addf %add3A_468, %gather3A_471 : vector<16xf32>
      %broadcast_in_dim3A_473 = arith.constant 7 : i32
      %broadcast_in_dim3A_474 = vector.broadcast %broadcast_in_dim3A_473 : i32 to vector<16xi32>
      %gather3A_475 = tpu.vector_load_idx %arg12[%iota3A, %broadcast_in_dim3A_474] : memref<16x16xf32, #tpu.memory_space<vmem>>[vector<16xi32>, vector<16xi32>], vector<16xf32>,
      %add3A_476 = arith.addf %add3A_472, %gather3A_475 : vector<16xf32>
      %broadcast_in_dim3A_477 = arith.constant 8 : i32
      %broadcast_in_dim3A_478 = vector.broadcast %broadcast_in_dim3A_477 : i32 to vector<16xi32>
      %gather3A_479 = tpu.vector_load_idx %arg12[%iota3A, %broadcast_in_dim3A_478] : memref<16x16xf32, #tpu.memory_space<vmem>>[vector<16xi32>, vector<16xi32>], vector<16xf32>,
      %add3A_480 = arith.addf %add3A_476, %gather3A_479 : vector<16xf32>
      %broadcast_in_dim3A_481 = arith.constant 9 : i32
      %broadcast_in_dim3A_482 = vector.broadcast %broadcast_in_dim3A_481 : i32 to vector<16xi32>
      %gather3A_483 = tpu.vector_load_idx %arg12[%iota3A, %broadcast_in_dim3A_482] : memref<16x16xf32, #tpu.memory_space<vmem>>[vector<16xi32>, vector<16xi32>], vector<16xf32>,
      %add3A_484 = arith.addf %add3A_480, %gather3A_483 : vector<16xf32>
      %broadcast_in_dim3A_485 = arith.constant 10 : i32
      %broadcast_in_dim3A_486 = vector.broadcast %broadcast_in_dim3A_485 : i32 to vector<16xi32>
      %gather3A_487 = tpu.vector_load_idx %arg12[%iota3A, %broadcast_in_dim3A_486] : memref<16x16xf32, #tpu.memory_space<vmem>>[vector<16xi32>, vector<16xi32>], vector<16xf32>,
      %add3A_488 = arith.addf %add3A_484, %gather3A_487 : vector<16xf32>
      %broadcast_in_dim3A_489 = arith.constant 11 : i32
      %broadcast_in_dim3A_490 = vector.broadcast %broadcast_in_dim3A_489 : i32 to vector<16xi32>
      %gather3A_491 = tpu.vector_load_idx %arg12[%iota3A, %broadcast_in_dim3A_490] : memref<16x16xf32, #tpu.memory_space<vmem>>[vector<16xi32>, vector<16xi32>], vector<16xf32>,
      %add3A_492 = arith.addf %add3A_488, %gather3A_491 : vector<16xf32>
      %broadcast_in_dim3A_493 = arith.constant 12 : i32
      %broadcast_in_dim3A_494 = vector.broadcast %broadcast_in_dim3A_493 : i32 to vector<16xi32>
      %gather3A_495 = tpu.vector_load_idx %arg12[%iota3A, %broadcast_in_dim3A_494] : memref<16x16xf32, #tpu.memory_space<vmem>>[vector<16xi32>, vector<16xi32>], vector<16xf32>,
      %add3A_496 = arith.addf %add3A_492, %gather3A_495 : vector<16xf32>
      %broadcast_in_dim3A_497 = arith.constant 13 : i32
      %broadcast_in_dim3A_498 = vector.broadcast %broadcast_in_dim3A_497 : i32 to vector<16xi32>
      %gather3A_499 = tpu.vector_load_idx %arg12[%iota3A, %broadcast_in_dim3A_498] : memref<16x16xf32, #tpu.memory_space<vmem>>[vector<16xi32>, vector<16xi32>], vector<16xf32>,
      %add3A_500 = arith.addf %add3A_496, %gather3A_499 : vector<16xf32>
      %broadcast_in_dim3A_501 = arith.constant 14 : i32
      %broadcast_in_dim3A_502 = vector.broadcast %broadcast_in_dim3A_501 : i32 to vector<16xi32>
      %gather3A_503 = tpu.vector_load_idx %arg12[%iota3A, %broadcast_in_dim3A_502] : memref<16x16xf32, #tpu.memory_space<vmem>>[vector<16xi32>, vector<16xi32>], vector<16xf32>,
      %add3A_504 = arith.addf %add3A_500, %gather3A_503 : vector<16xf32>
      %broadcast_in_dim3A_505 = arith.constant 15 : i32
      %broadcast_in_dim3A_506 = vector.broadcast %broadcast_in_dim3A_505 : i32 to vector<16xi32>
      %gather3A_507 = tpu.vector_load_idx %arg12[%iota3A, %broadcast_in_dim3A_506] : memref<16x16xf32, #tpu.memory_space<vmem>>[vector<16xi32>, vector<16xi32>], vector<16xf32>,
      %add3A_508 = arith.addf %add3A_504, %gather3A_507 : vector<16xf32>
      %le3A_509 = arith.constant 1.000000e-03 : f32
      %le3A_510 = vector.broadcast %le3A_509 : f32 to vector<16xf32>
      %le3A_511 = arith.cmpf ole, %add3A_508, %le3A_510 : vector<16xf32>
      %jit3A_512 = arith.constant 1.000000e+00 : f32
      %jit3A_513 = arith.constant 0.000000e+00 : f32
      %broadcast_in_dim3A_514 = vector.broadcast %jit3A_512 : f32 to vector<16xf32>
      %broadcast_in_dim3A_515 = vector.broadcast %jit3A_513 : f32 to vector<16xf32>
      %select_n3A_516 = arith.select %le3A_511, %broadcast_in_dim3A_514, %broadcast_in_dim3A_515 : vector<16xi1>, vector<16xf32>
      %broadcast_in_dim3A_517 = arith.constant 1024 : i32
      %broadcast_in_dim3A_518 = vector.broadcast %broadcast_in_dim3A_517 : i32 to vector<16xi32>
      %gather3A_519 = tpu.vector_load_idx %arg8[%iota3A, %broadcast_in_dim3A_518] : memref<16x1025xf32, #tpu.memory_space<vmem>>[vector<16xi32>, vector<16xi32>], vector<16xf32>,
      %add3A_520 = arith.addf %add3A_324, %select_n3A_516 : vector<16xf32>
      %mul3A_521 = arith.mulf %select_n3A_516, %gather3A_519 : vector<16xf32>
      %add3A_522 = arith.addf %add3A_326, %mul3A_521 : vector<16xf32>
      %add3A_523 = arith.constant 2 : i32
      %add3A_524 = arith.addi %add3A_351, %add3A_523 : i32
      %min3A_525 = arith.constant 31 : i32
      %min3A_526 = arith.minsi %add3A_524, %min3A_525 : i32
      %mul3A_527 = arith.constant 16 : i32
      %mul3A_528 = arith.muli %min3A_526, %mul3A_527 : i32
      %add3A_529 = arith.addi %mul3A_32, %mul3A_528 : i32
      %dma_start3A_530 = arith.constant 0 : i32
      %dma_start3A_531 = tpu.memref_slice %arg3[%add3A, %add3A_529, %dma_start3A_530] : memref<32x1024x1024xf32, #tpu.memory_space<hbm>> -> memref<1x16x1024xf32, #tpu.memory_space<hbm>>
      %dma_start3A_532 = tpu.memref_squeeze %dma_start3A_531 : memref<1x16x1024xf32, #tpu.memory_space<hbm>> -> memref<16x1024xf32, #tpu.memory_space<hbm>>
      %dma_start3A_533 = arith.constant 0 : i32
      %dma_start3A_534 = tpu.memref_slice %arg3[%add3A, %add3A_529, %dma_start3A_533] : memref<32x1024x1024xf32, #tpu.memory_space<hbm>> -> memref<1x16x1024xf32, #tpu.memory_space<hbm>>
      %dma_start3A_535 = tpu.memref_squeeze %dma_start3A_534 : memref<1x16x1024xf32, #tpu.memory_space<hbm>> -> memref<16x1024xf32, #tpu.memory_space<hbm>>
      tpu.enqueue_dma source(%dma_start3A_535 : memref<16x1024xf32, #tpu.memory_space<hbm>>) target(%arg6 : memref<16x1024xf32, #tpu.memory_space<vmem>>) target_semaphore(%arg16 : memref<!tpu.dma_semaphore, #tpu.memory_space<semaphore_mem>>)
      %mul3A_536 = arith.constant 16 : i32
      %mul3A_537 = arith.muli %min3A_526, %mul3A_536 : i32
      %add3A_538 = arith.addi %mul3A_32, %mul3A_537 : i32
      %dma_start3A_539 = arith.constant 0 : i32
      %dma_start3A_540 = tpu.memref_slice %arg2[%add3A, %add3A_538, %dma_start3A_539] : memref<32x1025x1025xf32, #tpu.memory_space<hbm>> -> memref<1x16x1025xf32, #tpu.memory_space<hbm>>
      %dma_start3A_541 = tpu.memref_squeeze %dma_start3A_540 : memref<1x16x1025xf32, #tpu.memory_space<hbm>> -> memref<16x1025xf32, #tpu.memory_space<hbm>>
      %dma_start3A_542 = arith.constant 0 : i32
      %dma_start3A_543 = tpu.memref_slice %arg2[%add3A, %add3A_538, %dma_start3A_542] : memref<32x1025x1025xf32, #tpu.memory_space<hbm>> -> memref<1x16x1025xf32, #tpu.memory_space<hbm>>
      %dma_start3A_544 = tpu.memref_squeeze %dma_start3A_543 : memref<1x16x1025xf32, #tpu.memory_space<hbm>> -> memref<16x1025xf32, #tpu.memory_space<hbm>>
      tpu.enqueue_dma source(%dma_start3A_544 : memref<16x1025xf32, #tpu.memory_space<hbm>>) target(%arg8 : memref<16x1025xf32, #tpu.memory_space<vmem>>) target_semaphore(%arg18 : memref<!tpu.dma_semaphore, #tpu.memory_space<semaphore_mem>>)
      scf.yield %scan3A_412#0, %scan3A_412#1, %add3A_520, %add3A_522 : vector<16xf32>, vector<16xf32>, vector<16xf32>, vector<16xf32>
    }
    %scan3A_76 = arith.constant 16 : i32
    %add3A_77 = arith.constant 496 : i32
    %add3A_78 = arith.addi %mul3A_32, %add3A_77 : i32
    %dma_wait3A = arith.constant 0 : i32
    %dma_wait3A_79 = tpu.memref_slice %arg3[%add3A, %add3A_78, %dma_wait3A] : memref<32x1024x1024xf32, #tpu.memory_space<hbm>> -> memref<1x16x1024xf32, #tpu.memory_space<hbm>>
    %dma_wait3A_80 = tpu.memref_squeeze %dma_wait3A_79 : memref<1x16x1024xf32, #tpu.memory_space<hbm>> -> memref<16x1024xf32, #tpu.memory_space<hbm>>
    %dma_wait3A_81 = arith.constant 0 : i32
    %dma_wait3A_82 = tpu.memref_slice %arg3[%add3A, %add3A_78, %dma_wait3A_81] : memref<32x1024x1024xf32, #tpu.memory_space<hbm>> -> memref<1x16x1024xf32, #tpu.memory_space<hbm>>
    %dma_wait3A_83 = tpu.memref_squeeze %dma_wait3A_82 : memref<1x16x1024xf32, #tpu.memory_space<hbm>> -> memref<16x1024xf32, #tpu.memory_space<hbm>>
    tpu.wait_dma2 semaphore(%arg15 : memref<!tpu.dma_semaphore, #tpu.memory_space<semaphore_mem>>) src(%dma_wait3A_83 : memref<16x1024xf32, #tpu.memory_space<hbm>>) dst(%arg5 : memref<16x1024xf32, #tpu.memory_space<vmem>>)
    %add3A_84 = arith.constant 496 : i32
    %add3A_85 = arith.addi %mul3A_32, %add3A_84 : i32
    %dma_wait3A_86 = arith.constant 0 : i32
    %dma_wait3A_87 = tpu.memref_slice %arg2[%add3A, %add3A_85, %dma_wait3A_86] : memref<32x1025x1025xf32, #tpu.memory_space<hbm>> -> memref<1x16x1025xf32, #tpu.memory_space<hbm>>
    %dma_wait3A_88 = tpu.memref_squeeze %dma_wait3A_87 : memref<1x16x1025xf32, #tpu.memory_space<hbm>> -> memref<16x1025xf32, #tpu.memory_space<hbm>>
    %dma_wait3A_89 = arith.constant 0 : i32
    %dma_wait3A_90 = tpu.memref_slice %arg2[%add3A, %add3A_85, %dma_wait3A_89] : memref<32x1025x1025xf32, #tpu.memory_space<hbm>> -> memref<1x16x1025xf32, #tpu.memory_space<hbm>>
    %dma_wait3A_91 = tpu.memref_squeeze %dma_wait3A_90 : memref<1x16x1025xf32, #tpu.memory_space<hbm>> -> memref<16x1025xf32, #tpu.memory_space<hbm>>
    tpu.wait_dma2 semaphore(%arg17 : memref<!tpu.dma_semaphore, #tpu.memory_space<semaphore_mem>>) src(%dma_wait3A_91 : memref<16x1025xf32, #tpu.memory_space<hbm>>) dst(%arg7 : memref<16x1025xf32, #tpu.memory_space<vmem>>)
    %add3A_92 = arith.constant 496 : i32
    %add3A_93 = arith.addi %mul3A_32, %add3A_92 : i32
    %dma_wait3A_94 = arith.constant 0 : i32
    %dma_wait3A_95 = tpu.memref_slice %arg3[%add3A, %add3A_93, %dma_wait3A_94] : memref<32x1024x1024xf32, #tpu.memory_space<hbm>> -> memref<1x16x1024xf32, #tpu.memory_space<hbm>>
    %dma_wait3A_96 = tpu.memref_squeeze %dma_wait3A_95 : memref<1x16x1024xf32, #tpu.memory_space<hbm>> -> memref<16x1024xf32, #tpu.memory_space<hbm>>
    %dma_wait3A_97 = arith.constant 0 : i32
    %dma_wait3A_98 = tpu.memref_slice %arg3[%add3A, %add3A_93, %dma_wait3A_97] : memref<32x1024x1024xf32, #tpu.memory_space<hbm>> -> memref<1x16x1024xf32, #tpu.memory_space<hbm>>
    %dma_wait3A_99 = tpu.memref_squeeze %dma_wait3A_98 : memref<1x16x1024xf32, #tpu.memory_space<hbm>> -> memref<16x1024xf32, #tpu.memory_space<hbm>>
    tpu.wait_dma2 semaphore(%arg16 : memref<!tpu.dma_semaphore, #tpu.memory_space<semaphore_mem>>) src(%dma_wait3A_99 : memref<16x1024xf32, #tpu.memory_space<hbm>>) dst(%arg6 : memref<16x1024xf32, #tpu.memory_space<vmem>>)
    %add3A_100 = arith.constant 496 : i32
    %add3A_101 = arith.addi %mul3A_32, %add3A_100 : i32
    %dma_wait3A_102 = arith.constant 0 : i32
    %dma_wait3A_103 = tpu.memref_slice %arg2[%add3A, %add3A_101, %dma_wait3A_102] : memref<32x1025x1025xf32, #tpu.memory_space<hbm>> -> memref<1x16x1025xf32, #tpu.memory_space<hbm>>
    %dma_wait3A_104 = tpu.memref_squeeze %dma_wait3A_103 : memref<1x16x1025xf32, #tpu.memory_space<hbm>> -> memref<16x1025xf32, #tpu.memory_space<hbm>>
    %dma_wait3A_105 = arith.constant 0 : i32
    %dma_wait3A_106 = tpu.memref_slice %arg2[%add3A, %add3A_101, %dma_wait3A_105] : memref<32x1025x1025xf32, #tpu.memory_space<hbm>> -> memref<1x16x1025xf32, #tpu.memory_space<hbm>>
    %dma_wait3A_107 = tpu.memref_squeeze %dma_wait3A_106 : memref<1x16x1025xf32, #tpu.memory_space<hbm>> -> memref<16x1025xf32, #tpu.memory_space<hbm>>
    tpu.wait_dma2 semaphore(%arg18 : memref<!tpu.dma_semaphore, #tpu.memory_space<semaphore_mem>>) src(%dma_wait3A_107 : memref<16x1025xf32, #tpu.memory_space<hbm>>) dst(%arg8 : memref<16x1025xf32, #tpu.memory_space<vmem>>)
    %reduce_sum3A = arith.constant true
    %reduce_sum3A_108 = vector.broadcast %reduce_sum3A : i1 to vector<16xi1>
    %reduce_sum3A_109 = tpu.scan <sum>, %scan3A_75#0 masked %reduce_sum3A_108 : vector<16xf32>, vector<16xi1> -> vector<16xf32>
    %reduce_sum3A_110 = vector.extract %reduce_sum3A_109[15] : f32 from vector<16xf32>
    %broadcast_in_dim3A_111 = vector.broadcast %reduce_sum3A_110 : f32 to vector<16xf32>
    %reduce_sum3A_112 = arith.constant true
    %reduce_sum3A_113 = vector.broadcast %reduce_sum3A_112 : i1 to vector<16xi1>
    %reduce_sum3A_114 = tpu.scan <sum>, %scan3A_75#1 masked %reduce_sum3A_113 : vector<16xf32>, vector<16xi1> -> vector<16xf32>
    %reduce_sum3A_115 = vector.extract %reduce_sum3A_114[15] : f32 from vector<16xf32>
    %broadcast_in_dim3A_116 = vector.broadcast %reduce_sum3A_115 : f32 to vector<16xf32>
    %reduce_sum3A_117 = arith.constant true
    %reduce_sum3A_118 = vector.broadcast %reduce_sum3A_117 : i1 to vector<16xi1>
    %reduce_sum3A_119 = tpu.scan <sum>, %scan3A_75#2 masked %reduce_sum3A_118 : vector<16xf32>, vector<16xi1> -> vector<16xf32>
    %reduce_sum3A_120 = vector.extract %reduce_sum3A_119[15] : f32 from vector<16xf32>
    %broadcast_in_dim3A_121 = vector.broadcast %reduce_sum3A_120 : f32 to vector<16xf32>
    %reduce_sum3A_122 = arith.constant true
    %reduce_sum3A_123 = vector.broadcast %reduce_sum3A_122 : i1 to vector<16xi1>
    %reduce_sum3A_124 = tpu.scan <sum>, %scan3A_75#3 masked %reduce_sum3A_123 : vector<16xf32>, vector<16xi1> -> vector<16xf32>
    %reduce_sum3A_125 = vector.extract %reduce_sum3A_124[15] : f32 from vector<16xf32>
    %broadcast_in_dim3A_126 = vector.broadcast %reduce_sum3A_125 : f32 to vector<16xf32>
    %eq3A_127 = arith.constant 0 : i32
    %eq3A_128 = vector.broadcast %eq3A_127 : i32 to vector<16xi32>
    %eq3A_129 = arith.cmpi eq, %iota3A, %eq3A_128 : vector<16xi32>
    %eq3A_130 = arith.constant 1 : i32
    %eq3A_131 = vector.broadcast %eq3A_130 : i32 to vector<16xi32>
    %eq3A_132 = arith.cmpi eq, %iota3A, %eq3A_131 : vector<16xi32>
    %eq3A_133 = arith.constant 2 : i32
    %eq3A_134 = vector.broadcast %eq3A_133 : i32 to vector<16xi32>
    %eq3A_135 = arith.cmpi eq, %iota3A, %eq3A_134 : vector<16xi32>
    %eq3A_136 = arith.constant 3 : i32
    %eq3A_137 = vector.broadcast %eq3A_136 : i32 to vector<16xi32>
    %eq3A_138 = arith.cmpi eq, %iota3A, %eq3A_137 : vector<16xi32>
    %jit3A_139 = arith.constant 0.000000e+00 : f32
    %broadcast_in_dim3A_140 = vector.broadcast %jit3A_139 : f32 to vector<16xf32>
    %select_n3A_141 = arith.select %eq3A_138, %broadcast_in_dim3A_126, %broadcast_in_dim3A_140 : vector<16xi1>, vector<16xf32>
    %select_n3A_142 = arith.select %eq3A_135, %broadcast_in_dim3A_121, %select_n3A_141 : vector<16xi1>, vector<16xf32>
    %select_n3A_143 = arith.select %eq3A_132, %broadcast_in_dim3A_116, %select_n3A_142 : vector<16xi1>, vector<16xf32>
    %select_n3A_144 = arith.select %eq3A_129, %broadcast_in_dim3A_111, %select_n3A_143 : vector<16xi1>, vector<16xf32>
    %swap3A = arith.constant 0 : i32
    %swap3A_145 = arith.index_cast %swap3A : i32 to index
    %swap3A_146 = arith.constant 1024 : index
    %swap3A_147 = tpu.vector_load %arg10[%swap3A_145, %swap3A_146] {strides = array<i32>} : memref<1x1040xf32, #tpu.memory_space<vmem>>, vector<16xf32>,
    tpu.vector_store %arg10[%swap3A_145, %swap3A_146], %select_n3A_144 {strides = array<i32>} : memref<1x1040xf32, #tpu.memory_space<vmem>>, vector<16xf32>,
    "tpu.region"() ({
      %run_scoped3A = tpu.sem_alloc : memref<!tpu.dma_semaphore, #tpu.memory_space<semaphore_mem>>
      %dma_start3A_151 = arith.constant 0 : i32
      %dma_start3A_152 = arith.constant 0 : i32
      %dma_start3A_153 = tpu.memref_slice %arg14[%arg1, %dma_start3A_151, %dma_start3A_152] : memref<16x1x1040xf32, #tpu.memory_space<vmem_shared>> -> memref<1x1x1040xf32, #tpu.memory_space<vmem_shared>>
      %dma_start3A_154 = tpu.memref_squeeze %dma_start3A_153 : memref<1x1x1040xf32, #tpu.memory_space<vmem_shared>> -> memref<1x1040xf32, #tpu.memory_space<vmem_shared>>
      %dma_start3A_155 = arith.constant 0 : i32
      %dma_start3A_156 = arith.constant 0 : i32
      %dma_start3A_157 = tpu.memref_slice %arg14[%arg1, %dma_start3A_155, %dma_start3A_156] : memref<16x1x1040xf32, #tpu.memory_space<vmem_shared>> -> memref<1x1x1040xf32, #tpu.memory_space<vmem_shared>>
      %dma_start3A_158 = tpu.memref_squeeze %dma_start3A_157 : memref<1x1x1040xf32, #tpu.memory_space<vmem_shared>> -> memref<1x1040xf32, #tpu.memory_space<vmem_shared>>
      tpu.enqueue_dma source(%arg10 : memref<1x1040xf32, #tpu.memory_space<vmem>>) target(%dma_start3A_158 : memref<1x1040xf32, #tpu.memory_space<vmem_shared>>) target_semaphore(%run_scoped3A : memref<!tpu.dma_semaphore, #tpu.memory_space<semaphore_mem>>)
      %dma_wait3A_159 = arith.constant 0 : i32
      %dma_wait3A_160 = arith.constant 0 : i32
      %dma_wait3A_161 = tpu.memref_slice %arg14[%arg1, %dma_wait3A_159, %dma_wait3A_160] : memref<16x1x1040xf32, #tpu.memory_space<vmem_shared>> -> memref<1x1x1040xf32, #tpu.memory_space<vmem_shared>>
      %dma_wait3A_162 = tpu.memref_squeeze %dma_wait3A_161 : memref<1x1x1040xf32, #tpu.memory_space<vmem_shared>> -> memref<1x1040xf32, #tpu.memory_space<vmem_shared>>
      %dma_wait3A_163 = arith.constant 0 : i32
      %dma_wait3A_164 = arith.constant 0 : i32
      %dma_wait3A_165 = tpu.memref_slice %arg14[%arg1, %dma_wait3A_163, %dma_wait3A_164] : memref<16x1x1040xf32, #tpu.memory_space<vmem_shared>> -> memref<1x1x1040xf32, #tpu.memory_space<vmem_shared>>
      %dma_wait3A_166 = tpu.memref_squeeze %dma_wait3A_165 : memref<1x1x1040xf32, #tpu.memory_space<vmem_shared>> -> memref<1x1040xf32, #tpu.memory_space<vmem_shared>>
      tpu.wait_dma2 semaphore(%run_scoped3A : memref<!tpu.dma_semaphore, #tpu.memory_space<semaphore_mem>>) src(%arg10 : memref<1x1040xf32, #tpu.memory_space<vmem>>) dst(%dma_wait3A_166 : memref<1x1040xf32, #tpu.memory_space<vmem_shared>>)
      tpu.yield
    }) : () -> ()
    %barrier3A = arith.constant 0 : index
    tpu.barrier barrier_id(%barrier3A)
    %eq3A_148 = arith.constant 0 : i32
    %eq3A_149 = arith.cmpi eq, %select_n3A_30, %eq3A_148 : i32
    %convert_element_type3A = arith.extui %eq3A_149 : i1 to i32
    %cond3A = arith.constant 0 : i32
    %cond3A_150 = arith.cmpi ne, %convert_element_type3A, %cond3A : i32
    scf.if %cond3A_150 {
      %add3A_151 = arith.constant 1 : i32
      %add3A_152 = arith.addi %arg1, %add3A_151 : i32
      "tpu.region"() ({
        %run_scoped3A = tpu.sem_alloc : memref<!tpu.dma_semaphore, #tpu.memory_space<semaphore_mem>>
        %dma_start3A_215 = arith.constant 0 : i32
        %dma_start3A_216 = arith.constant 0 : i32
        %dma_start3A_217 = tpu.memref_slice %arg14[%add3A_152, %dma_start3A_215, %dma_start3A_216] : memref<16x1x1040xf32, #tpu.memory_space<vmem_shared>> -> memref<1x1x1040xf32, #tpu.memory_space<vmem_shared>>
        %dma_start3A_218 = tpu.memref_squeeze %dma_start3A_217 : memref<1x1x1040xf32, #tpu.memory_space<vmem_shared>> -> memref<1x1040xf32, #tpu.memory_space<vmem_shared>>
        %dma_start3A_219 = arith.constant 0 : i32
        %dma_start3A_220 = arith.constant 0 : i32
        %dma_start3A_221 = tpu.memref_slice %arg14[%add3A_152, %dma_start3A_219, %dma_start3A_220] : memref<16x1x1040xf32, #tpu.memory_space<vmem_shared>> -> memref<1x1x1040xf32, #tpu.memory_space<vmem_shared>>
        %dma_start3A_222 = tpu.memref_squeeze %dma_start3A_221 : memref<1x1x1040xf32, #tpu.memory_space<vmem_shared>> -> memref<1x1040xf32, #tpu.memory_space<vmem_shared>>
        tpu.enqueue_dma source(%dma_start3A_222 : memref<1x1040xf32, #tpu.memory_space<vmem_shared>>) target(%arg11 : memref<1x1040xf32, #tpu.memory_space<vmem>>) target_semaphore(%run_scoped3A : memref<!tpu.dma_semaphore, #tpu.memory_space<semaphore_mem>>)
        %dma_wait3A_223 = arith.constant 0 : i32
        %dma_wait3A_224 = arith.constant 0 : i32
        %dma_wait3A_225 = tpu.memref_slice %arg14[%add3A_152, %dma_wait3A_223, %dma_wait3A_224] : memref<16x1x1040xf32, #tpu.memory_space<vmem_shared>> -> memref<1x1x1040xf32, #tpu.memory_space<vmem_shared>>
        %dma_wait3A_226 = tpu.memref_squeeze %dma_wait3A_225 : memref<1x1x1040xf32, #tpu.memory_space<vmem_shared>> -> memref<1x1040xf32, #tpu.memory_space<vmem_shared>>
        %dma_wait3A_227 = arith.constant 0 : i32
        %dma_wait3A_228 = arith.constant 0 : i32
        %dma_wait3A_229 = tpu.memref_slice %arg14[%add3A_152, %dma_wait3A_227, %dma_wait3A_228] : memref<16x1x1040xf32, #tpu.memory_space<vmem_shared>> -> memref<1x1x1040xf32, #tpu.memory_space<vmem_shared>>
        %dma_wait3A_230 = tpu.memref_squeeze %dma_wait3A_229 : memref<1x1x1040xf32, #tpu.memory_space<vmem_shared>> -> memref<1x1040xf32, #tpu.memory_space<vmem_shared>>
        tpu.wait_dma2 semaphore(%run_scoped3A : memref<!tpu.dma_semaphore, #tpu.memory_space<semaphore_mem>>) src(%dma_wait3A_230 : memref<1x1040xf32, #tpu.memory_space<vmem_shared>>) dst(%arg11 : memref<1x1040xf32, #tpu.memory_space<vmem>>)
        tpu.yield
      }) : () -> ()
      %scan3A_153 = arith.constant 0 : i32
      %scan3A_154 = arith.constant 64 : i32
      %scan3A_155 = arith.addi %scan3A_153, %scan3A_154 : i32
      %scan3A_156 = arith.constant 1 : i32
      %scan3A_157:2 = scf.for %scan3A_215 = %scan3A_153 to %scan3A_155 step %scan3A_156 iter_args(%scan3A_216 = %broadcast_in_dim3A_70, %scan3A_217 = %broadcast_in_dim3A_70) -> (vector<16xf32>, vector<16xf32>)  : i32 {
        %mul3A_218 = arith.constant 16 : i32
        %mul3A_219 = arith.muli %scan3A_215, %mul3A_218 : i32
        %get3A_220 = arith.constant 0 : i32
        %get3A_221 = arith.index_cast %get3A_220 : i32 to index
        %get3A_222 = arith.index_cast %mul3A_219 : i32 to index
        %get3A_223 = tpu.vector_load %arg10[%get3A_221, %get3A_222] {strides = array<i32>} : memref<1x1040xf32, #tpu.memory_space<vmem>>, vector<16xf32>,
        %get3A_224 = arith.constant 0 : i32
        %get3A_225 = arith.index_cast %get3A_224 : i32 to index
        %get3A_226 = arith.index_cast %mul3A_219 : i32 to index
        %get3A_227 = tpu.vector_load %arg11[%get3A_225, %get3A_226] {strides = array<i32>} : memref<1x1040xf32, #tpu.memory_space<vmem>>, vector<16xf32>,
        %add3A_228 = arith.addf %get3A_223, %get3A_227 : vector<16xf32>
        %get3A_229 = arith.constant 0 : i32
        %get3A_230 = arith.index_cast %get3A_229 : i32 to index
        %get3A_231 = arith.index_cast %mul3A_219 : i32 to index
        %get3A_232 = tpu.vector_load %arg9[%get3A_230, %get3A_231] {strides = array<i32>} : memref<1x1025xf32, #tpu.memory_space<vmem>>, vector<16xf32>,
        %le3A = arith.constant 1.000000e-03 : f32
        %le3A_233 = vector.broadcast %le3A : f32 to vector<16xf32>
        %le3A_234 = arith.cmpf ole, %add3A_228, %le3A_233 : vector<16xf32>
        %jit3A_235 = arith.constant 1.000000e+00 : f32
        %jit3A_236 = arith.constant 0.000000e+00 : f32
        %broadcast_in_dim3A_237 = vector.broadcast %jit3A_235 : f32 to vector<16xf32>
        %broadcast_in_dim3A_238 = vector.broadcast %jit3A_236 : f32 to vector<16xf32>
        %select_n3A_239 = arith.select %le3A_234, %broadcast_in_dim3A_237, %broadcast_in_dim3A_238 : vector<16xi1>, vector<16xf32>
        %add3A_240 = arith.addf %scan3A_216, %select_n3A_239 : vector<16xf32>
        %mul3A_241 = arith.mulf %select_n3A_239, %get3A_232 : vector<16xf32>
        %add3A_242 = arith.addf %scan3A_217, %mul3A_241 : vector<16xf32>
        scf.yield %add3A_240, %add3A_242 : vector<16xf32>, vector<16xf32>
      }
      %scan3A_158 = arith.constant 64 : i32
      %get3A = arith.constant 0 : i32
      %get3A_159 = arith.index_cast %get3A : i32 to index
      %get3A_160 = arith.constant 1024 : index
      %get3A_161 = tpu.vector_load %arg11[%get3A_159, %get3A_160] {strides = array<i32>} : memref<1x1040xf32, #tpu.memory_space<vmem>>, vector<16xf32>,
      %slice3A = vector.extract_strided_slice %get3A_161 {offsets = [0], sizes = [1], strides = [1]} : vector<16xf32> to vector<1xf32>
      %squeeze3A = vector.extract %slice3A[0] : f32 from vector<1xf32>
      %add3A_162 = vector.broadcast %squeeze3A : f32 to vector<16xf32>
      %add3A_163 = arith.addf %broadcast_in_dim3A_111, %add3A_162 : vector<16xf32>
      %slice3A_164 = vector.extract_strided_slice %get3A_161 {offsets = [1], sizes = [1], strides = [1]} : vector<16xf32> to vector<1xf32>
      %squeeze3A_165 = vector.extract %slice3A_164[0] : f32 from vector<1xf32>
      %add3A_166 = vector.broadcast %squeeze3A_165 : f32 to vector<16xf32>
      %add3A_167 = arith.addf %broadcast_in_dim3A_116, %add3A_166 : vector<16xf32>
      %slice3A_168 = vector.extract_strided_slice %get3A_161 {offsets = [2], sizes = [1], strides = [1]} : vector<16xf32> to vector<1xf32>
      %squeeze3A_169 = vector.extract %slice3A_168[0] : f32 from vector<1xf32>
      %add3A_170 = vector.broadcast %squeeze3A_169 : f32 to vector<16xf32>
      %add3A_171 = arith.addf %broadcast_in_dim3A_121, %add3A_170 : vector<16xf32>
      %slice3A_172 = vector.extract_strided_slice %get3A_161 {offsets = [3], sizes = [1], strides = [1]} : vector<16xf32> to vector<1xf32>
      %squeeze3A_173 = vector.extract %slice3A_172[0] : f32 from vector<1xf32>
      %add3A_174 = vector.broadcast %squeeze3A_173 : f32 to vector<16xf32>
      %add3A_175 = arith.addf %broadcast_in_dim3A_126, %add3A_174 : vector<16xf32>
      %reduce_sum3A_176 = arith.constant true
      %reduce_sum3A_177 = vector.broadcast %reduce_sum3A_176 : i1 to vector<16xi1>
      %reduce_sum3A_178 = tpu.scan <sum>, %scan3A_157#0 masked %reduce_sum3A_177 : vector<16xf32>, vector<16xi1> -> vector<16xf32>
      %reduce_sum3A_179 = vector.extract %reduce_sum3A_178[15] : f32 from vector<16xf32>
      %broadcast_in_dim3A_180 = vector.broadcast %reduce_sum3A_179 : f32 to vector<16xf32>
      %reduce_sum3A_181 = arith.constant true
      %reduce_sum3A_182 = vector.broadcast %reduce_sum3A_181 : i1 to vector<16xi1>
      %reduce_sum3A_183 = tpu.scan <sum>, %scan3A_157#1 masked %reduce_sum3A_182 : vector<16xf32>, vector<16xi1> -> vector<16xf32>
      %reduce_sum3A_184 = vector.extract %reduce_sum3A_183[15] : f32 from vector<16xf32>
      %broadcast_in_dim3A_185 = vector.broadcast %reduce_sum3A_184 : f32 to vector<16xf32>
      %mul3A_186 = arith.constant 2.000000e+00 : f32
      %mul3A_187 = vector.broadcast %mul3A_186 : f32 to vector<16xf32>
      %mul3A_188 = arith.mulf %mul3A_187, %add3A_163 : vector<16xf32>
      %neg3A = arith.constant 0.000000e+00 : f32
      %neg3A_189 = vector.broadcast %neg3A : f32 to vector<16xf32>
      %neg3A_190 = arith.subf %neg3A_189, %mul3A_188 : vector<16xf32>
      %max3A = arith.constant 1.000000e+00 : f32
      %max3A_191 = vector.broadcast %max3A : f32 to vector<16xf32>
      %max3A_192 = arith.maximumf %add3A_167, %max3A_191 : vector<16xf32>
      %div3A_193 = arith.divf %neg3A_190, %max3A_192 : vector<16xf32>
      %neg3A_194 = arith.constant 0.000000e+00 : f32
      %neg3A_195 = vector.broadcast %neg3A_194 : f32 to vector<16xf32>
      %neg3A_196 = arith.subf %neg3A_195, %add3A_175 : vector<16xf32>
      %sub3A_197 = arith.subf %neg3A_196, %broadcast_in_dim3A_185 : vector<16xf32>
      %max3A_198 = arith.constant 1.000000e+00 : f32
      %max3A_199 = vector.broadcast %max3A_198 : f32 to vector<16xf32>
      %max3A_200 = arith.maximumf %add3A_171, %max3A_199 : vector<16xf32>
      %max3A_201 = arith.constant 1.000000e+00 : f32
      %max3A_202 = vector.broadcast %max3A_201 : f32 to vector<16xf32>
      %max3A_203 = arith.maximumf %broadcast_in_dim3A_180, %max3A_202 : vector<16xf32>
      %add3A_204 = arith.addf %max3A_200, %max3A_203 : vector<16xf32>
      %div3A_205 = arith.divf %sub3A_197, %add3A_204 : vector<16xf32>
      %mul3A_206 = arith.constant 1.000000e+00 : f32
      %mul3A_207 = vector.broadcast %mul3A_206 : f32 to vector<16xf32>
      %mul3A_208 = arith.mulf %mul3A_207, %div3A_205 : vector<16xf32>
      %add3A_209 = arith.addf %div3A_193, %mul3A_208 : vector<16xf32>
      %mul3A_210 = arith.constant 3.125000e-02 : f32
      %mul3A_211 = vector.broadcast %mul3A_210 : f32 to vector<16xf32>
      %mul3A_212 = arith.mulf %add3A_209, %mul3A_211 : vector<16xf32>
      %swap3A_213 = arith.constant 0 : index
      %swap3A_214 = tpu.vector_load %arg13[%swap3A_213] {strides = array<i32>} : memref<16xf32, #tpu.memory_space<vmem>>, vector<16xf32>,
      tpu.vector_store %arg13[%swap3A_213], %mul3A_212 {strides = array<i32>} : memref<16xf32, #tpu.memory_space<vmem>>, vector<16xf32>,
      "tpu.region"() ({
        %run_scoped3A = tpu.sem_alloc : memref<!tpu.dma_semaphore, #tpu.memory_space<semaphore_mem>>
        %dma_start3A_215 = arith.constant 0 : i32
        %dma_start3A_216 = tpu.memref_slice %arg4[%add3A, %dma_start3A_215] : memref<16x16xf32, #tpu.memory_space<hbm>> -> memref<1x16xf32, #tpu.memory_space<hbm>>
        %dma_start3A_217 = tpu.memref_squeeze %dma_start3A_216 : memref<1x16xf32, #tpu.memory_space<hbm>> -> memref<16xf32, #tpu.memory_space<hbm>>
        %dma_start3A_218 = arith.constant 0 : i32
        %dma_start3A_219 = tpu.memref_slice %arg4[%add3A, %dma_start3A_218] : memref<16x16xf32, #tpu.memory_space<hbm>> -> memref<1x16xf32, #tpu.memory_space<hbm>>
        %dma_start3A_220 = tpu.memref_squeeze %dma_start3A_219 : memref<1x16xf32, #tpu.memory_space<hbm>> -> memref<16xf32, #tpu.memory_space<hbm>>
        tpu.enqueue_dma source(%arg13 : memref<16xf32, #tpu.memory_space<vmem>>) target(%dma_start3A_220 : memref<16xf32, #tpu.memory_space<hbm>>) target_semaphore(%run_scoped3A : memref<!tpu.dma_semaphore, #tpu.memory_space<semaphore_mem>>)
        %dma_wait3A_221 = arith.constant 0 : i32
        %dma_wait3A_222 = tpu.memref_slice %arg4[%add3A, %dma_wait3A_221] : memref<16x16xf32, #tpu.memory_space<hbm>> -> memref<1x16xf32, #tpu.memory_space<hbm>>
        %dma_wait3A_223 = tpu.memref_squeeze %dma_wait3A_222 : memref<1x16xf32, #tpu.memory_space<hbm>> -> memref<16xf32, #tpu.memory_space<hbm>>
        %dma_wait3A_224 = arith.constant 0 : i32
        %dma_wait3A_225 = tpu.memref_slice %arg4[%add3A, %dma_wait3A_224] : memref<16x16xf32, #tpu.memory_space<hbm>> -> memref<1x16xf32, #tpu.memory_space<hbm>>
        %dma_wait3A_226 = tpu.memref_squeeze %dma_wait3A_225 : memref<1x16xf32, #tpu.memory_space<hbm>> -> memref<16xf32, #tpu.memory_space<hbm>>
        tpu.wait_dma2 semaphore(%run_scoped3A : memref<!tpu.dma_semaphore, #tpu.memory_space<semaphore_mem>>) src(%arg13 : memref<16xf32, #tpu.memory_space<vmem>>) dst(%dma_wait3A_226 : memref<16xf32, #tpu.memory_space<hbm>>)
        tpu.yield
      }) : () -> ()
    } else {
    }
    return
  }
}

module attributes {stable_mosaic.version = 14 : i64} {
  func.func @_tc_body(%arg0: i32, %arg1: i32, %arg2: memref<1x512x1025xf32, #tpu.memory_space<vmem>>, %arg3: memref<1x512x1024xf32, #tpu.memory_space<vmem>>, %arg4: memref<1x8x1025xf32, #tpu.memory_space<vmem>>, %arg5: memref<1x1x1xf32, #tpu.memory_space<vmem>>, %arg6: memref<1x1024xf32, #tpu.memory_space<vmem>>, %arg7: memref<1x1024xf32, #tpu.memory_space<vmem>>, %arg8: memref<1x1024xf32, #tpu.memory_space<vmem>>, %arg9: memref<2xf32, #tpu.memory_space<smem>>) attributes {dimension_semantics = [#tpu.dimension_semantics<arbitrary>, #tpu.dimension_semantics<arbitrary>], iteration_bounds = array<i64: 16, 2>, scalar_prefetch = 0 : i64, scratch_operands = 4 : i64, tpu.core_type = #tpu.core_type<tc>, window_params = [{transform_indices = @transform_0, window_bounds = array<i64: 1, 512, 1025>}, {transform_indices = @transform_1, window_bounds = array<i64: 1, 512, 1024>}, {transform_indices = @transform_2, window_bounds = array<i64: 1, 8, 1025>}, {transform_indices = @transform_3, window_bounds = array<i64: 1, 1, 1>}]} {
    %eq3A = arith.constant 0 : i32
    %eq3A_0 = arith.cmpi eq, %arg1, %eq3A : i32
    %convert_element_type3A = arith.extui %eq3A_0 : i1 to i32
    %cond3A = arith.constant 0 : i32
    %cond3A_1 = arith.cmpi ne, %convert_element_type3A, %cond3A : i32
    scf.if %cond3A_1 {
      %swap3A_80 = arith.constant 0.000000e+00 : f32
      %swap3A_81 = arith.constant 0 : index
      %swap3A_82 = memref.load %arg9[%swap3A_81] : memref<2xf32, #tpu.memory_space<smem>>
      memref.store %swap3A_80, %arg9[%swap3A_81] : memref<2xf32, #tpu.memory_space<smem>>
      %swap3A_83 = arith.constant 0.000000e+00 : f32
      %swap3A_84 = arith.constant 1 : index
      %swap3A_85 = memref.load %arg9[%swap3A_84] : memref<2xf32, #tpu.memory_space<smem>>
      memref.store %swap3A_83, %arg9[%swap3A_84] : memref<2xf32, #tpu.memory_space<smem>>
      %broadcast_in_dim3A_86 = arith.constant 0.000000e+00 : f32
      %broadcast_in_dim3A_87 = vector.broadcast %broadcast_in_dim3A_86 : f32 to vector<1x1024xf32>
      %swap3A_88 = arith.constant 0 : index
      %swap3A_89 = arith.constant 0 : index
      %swap3A_90 = vector.load %arg6[%swap3A_88, %swap3A_89] : memref<1x1024xf32, #tpu.memory_space<vmem>>, vector<1x1024xf32>
      tpu.vector_store %arg6[%swap3A_88, %swap3A_89], %broadcast_in_dim3A_87 {strides = array<i32>} : memref<1x1024xf32, #tpu.memory_space<vmem>>, vector<1x1024xf32>,
      %broadcast_in_dim3A_91 = arith.constant 0.000000e+00 : f32
      %broadcast_in_dim3A_92 = vector.broadcast %broadcast_in_dim3A_91 : f32 to vector<1x1024xf32>
      %swap3A_93 = arith.constant 0 : index
      %swap3A_94 = arith.constant 0 : index
      %swap3A_95 = vector.load %arg7[%swap3A_93, %swap3A_94] : memref<1x1024xf32, #tpu.memory_space<vmem>>, vector<1x1024xf32>
      tpu.vector_store %arg7[%swap3A_93, %swap3A_94], %broadcast_in_dim3A_92 {strides = array<i32>} : memref<1x1024xf32, #tpu.memory_space<vmem>>, vector<1x1024xf32>,
      %broadcast_in_dim3A_96 = arith.constant 0.000000e+00 : f32
      %broadcast_in_dim3A_97 = vector.broadcast %broadcast_in_dim3A_96 : f32 to vector<1x1024xf32>
      %swap3A_98 = arith.constant 0 : index
      %swap3A_99 = arith.constant 0 : index
      %swap3A_100 = vector.load %arg8[%swap3A_98, %swap3A_99] : memref<1x1024xf32, #tpu.memory_space<vmem>>, vector<1x1024xf32>
      tpu.vector_store %arg8[%swap3A_98, %swap3A_99], %broadcast_in_dim3A_97 {strides = array<i32>} : memref<1x1024xf32, #tpu.memory_space<vmem>>, vector<1x1024xf32>,
    } else {
    }
    %get3A = arith.constant 0 : index
    %get3A_2 = arith.constant 0 : index
    %get3A_3 = arith.constant 0 : index
    %get3A_4 = vector.load %arg2[%get3A, %get3A_2, %get3A_3] : memref<1x512x1025xf32, #tpu.memory_space<vmem>>, vector<1x512x1025xf32>
    %get3A_5 = vector.shape_cast %get3A_4 : vector<1x512x1025xf32> to vector<512x1025xf32>
    %get3A_6 = arith.constant 0 : index
    %get3A_7 = arith.constant 0 : index
    %get3A_8 = arith.constant 0 : index
    %get3A_9 = vector.load %arg3[%get3A_6, %get3A_7, %get3A_8] : memref<1x512x1024xf32, #tpu.memory_space<vmem>>, vector<1x512x1024xf32>
    %get3A_10 = vector.shape_cast %get3A_9 : vector<1x512x1024xf32> to vector<512x1024xf32>
    %ge3A = arith.constant 5.000000e-02 : f32
    %ge3A_11 = vector.broadcast %ge3A : f32 to vector<512x1024xf32>
    %ge3A_12 = arith.cmpf oge, %get3A_10, %ge3A_11 : vector<512x1024xf32>
    %min3A = arith.constant 1.000000e+00 : f32
    %min3A_13 = vector.broadcast %min3A : f32 to vector<512x1024xf32>
    %min3A_14 = arith.minimumf %get3A_10, %min3A_13 : vector<512x1024xf32>
    %jit3A = arith.constant 0.000000e+00 : f32
    %broadcast_in_dim3A = vector.broadcast %jit3A : f32 to vector<512x1024xf32>
    %select_n3A = arith.select %ge3A_12, %min3A_14, %broadcast_in_dim3A : vector<512x1024xi1>, vector<512x1024xf32>
    %slice3A = vector.extract_strided_slice %get3A_5 {offsets = [0, 0], sizes = [512, 1024], strides = [1, 1]} : vector<512x1025xf32> to vector<512x1024xf32>
    %mul3A = arith.mulf %slice3A, %select_n3A : vector<512x1024xf32>
    %broadcast_in_dim3A_15 = arith.constant 1.000000e+00 : f32
    %broadcast_in_dim3A_16 = vector.broadcast %broadcast_in_dim3A_15 : f32 to vector<1x512xf32>
    %get3A_17 = arith.constant 0 : index
    %get3A_18 = arith.constant 0 : index
    %get3A_19 = vector.load %arg6[%get3A_17, %get3A_18] : memref<1x1024xf32, #tpu.memory_space<vmem>>, vector<1x1024xf32>
    %dot_general3A = arith.constant dense<0.000000e+00> : vector<1x1024xf32>
    %dot_general3A_20 = tpu.matmul %broadcast_in_dim3A_16, %select_n3A, %dot_general3A {dimension_numbers = #tpu.dot_dimension_numbers<[1], [0], [0], [1], [0, 0, 1, 1], [], []>, transpose_lhs_hint = false} : vector<1x512xf32>, vector<512x1024xf32>, vector<1x1024xf32> -> vector<1x1024xf32>
    %add3A = arith.addf %get3A_19, %dot_general3A_20 : vector<1x1024xf32>
    %swap3A = arith.constant 0 : index
    %swap3A_21 = arith.constant 0 : index
    %swap3A_22 = vector.load %arg6[%swap3A, %swap3A_21] : memref<1x1024xf32, #tpu.memory_space<vmem>>, vector<1x1024xf32>
    tpu.vector_store %arg6[%swap3A, %swap3A_21], %add3A {strides = array<i32>} : memref<1x1024xf32, #tpu.memory_space<vmem>>, vector<1x1024xf32>,
    %get3A_23 = arith.constant 0 : index
    %get3A_24 = arith.constant 0 : index
    %get3A_25 = vector.load %arg7[%get3A_23, %get3A_24] : memref<1x1024xf32, #tpu.memory_space<vmem>>, vector<1x1024xf32>
    %dot_general3A_26 = arith.constant dense<0.000000e+00> : vector<1x1024xf32>
    %dot_general3A_27 = tpu.matmul %broadcast_in_dim3A_16, %mul3A, %dot_general3A_26 {dimension_numbers = #tpu.dot_dimension_numbers<[1], [0], [0], [1], [0, 0, 1, 1], [], []>, precision = #tpu.contract_precision<fp32>, transpose_lhs_hint = false} : vector<1x512xf32>, vector<512x1024xf32>, vector<1x1024xf32> -> vector<1x1024xf32>
    %add3A_28 = arith.addf %get3A_25, %dot_general3A_27 : vector<1x1024xf32>
    %swap3A_29 = arith.constant 0 : index
    %swap3A_30 = arith.constant 0 : index
    %swap3A_31 = vector.load %arg7[%swap3A_29, %swap3A_30] : memref<1x1024xf32, #tpu.memory_space<vmem>>, vector<1x1024xf32>
    tpu.vector_store %arg7[%swap3A_29, %swap3A_30], %add3A_28 {strides = array<i32>} : memref<1x1024xf32, #tpu.memory_space<vmem>>, vector<1x1024xf32>,
    %get3A_32 = arith.constant 0 : index
    %get3A_33 = arith.constant 0 : index
    %get3A_34 = vector.load %arg8[%get3A_32, %get3A_33] : memref<1x1024xf32, #tpu.memory_space<vmem>>, vector<1x1024xf32>
    %convert_element_type3A_35 = arith.extui %ge3A_12 : vector<512x1024xi1> to vector<512x1024xi32>
    %convert_element_type3A_36 = arith.sitofp %convert_element_type3A_35 : vector<512x1024xi32> to vector<512x1024xf32>
    %dot_general3A_37 = arith.constant dense<0.000000e+00> : vector<1x1024xf32>
    %dot_general3A_38 = tpu.matmul %broadcast_in_dim3A_16, %convert_element_type3A_36, %dot_general3A_37 {dimension_numbers = #tpu.dot_dimension_numbers<[1], [0], [0], [1], [0, 0, 1, 1], [], []>, transpose_lhs_hint = false} : vector<1x512xf32>, vector<512x1024xf32>, vector<1x1024xf32> -> vector<1x1024xf32>
    %add3A_39 = arith.addf %get3A_34, %dot_general3A_38 : vector<1x1024xf32>
    %swap3A_40 = arith.constant 0 : index
    %swap3A_41 = arith.constant 0 : index
    %swap3A_42 = vector.load %arg8[%swap3A_40, %swap3A_41] : memref<1x1024xf32, #tpu.memory_space<vmem>>, vector<1x1024xf32>
    tpu.vector_store %arg8[%swap3A_40, %swap3A_41], %add3A_39 {strides = array<i32>} : memref<1x1024xf32, #tpu.memory_space<vmem>>, vector<1x1024xf32>,
    %broadcast_in_dim3A_43 = arith.constant 1.000000e+00 : f32
    %broadcast_in_dim3A_44 = vector.broadcast %broadcast_in_dim3A_43 : f32 to vector<1024x1xf32>
    %dot_general3A_45 = arith.constant dense<0.000000e+00> : vector<512x1xf32>
    %dot_general3A_46 = tpu.matmul %select_n3A, %broadcast_in_dim3A_44, %dot_general3A_45 {dimension_numbers = #tpu.dot_dimension_numbers<[1], [0], [0], [1], [0, 0, 1, 1], [], []>, transpose_lhs_hint = false} : vector<512x1024xf32>, vector<1024x1xf32>, vector<512x1xf32> -> vector<512x1xf32>
    %le3A = arith.constant 1.000000e-03 : f32
    %le3A_47 = vector.broadcast %le3A : f32 to vector<512x1xf32>
    %le3A_48 = arith.cmpf ole, %dot_general3A_46, %le3A_47 : vector<512x1xf32>
    %jit3A_49 = arith.constant 1.000000e+00 : f32
    %jit3A_50 = arith.constant 0.000000e+00 : f32
    %broadcast_in_dim3A_51 = vector.broadcast %jit3A_49 : f32 to vector<512x1xf32>
    %broadcast_in_dim3A_52 = vector.broadcast %jit3A_50 : f32 to vector<512x1xf32>
    %select_n3A_53 = arith.select %le3A_48, %broadcast_in_dim3A_51, %broadcast_in_dim3A_52 : vector<512x1xi1>, vector<512x1xf32>
    %get3A_54 = arith.constant 0 : index
    %get3A_55 = memref.load %arg9[%get3A_54] : memref<2xf32, #tpu.memory_space<smem>>
    %reduce_sum3A = vector.shape_cast %select_n3A_53 : vector<512x1xf32> to vector<1x512x1xf32>
    %reduce_sum3A_56 = arith.constant dense<0.000000e+00> : vector<1xf32>
    %reduce_sum3A_57 = vector.multi_reduction <add>, %reduce_sum3A, %reduce_sum3A_56 [1, 2] : vector<1x512x1xf32> to vector<1xf32>
    %reduce_sum3A_58 = vector.shape_cast %reduce_sum3A_57 : vector<1xf32> to vector<1x1x1xf32>
    %reduce_sum3A_59 = vector.extract %reduce_sum3A_58[0, 0, 0] : f32 from vector<1x1x1xf32>
    %add3A_60 = arith.addf %get3A_55, %reduce_sum3A_59 : f32
    %swap3A_61 = arith.constant 0 : index
    %swap3A_62 = memref.load %arg9[%swap3A_61] : memref<2xf32, #tpu.memory_space<smem>>
    memref.store %add3A_60, %arg9[%swap3A_61] : memref<2xf32, #tpu.memory_space<smem>>
    %get3A_63 = arith.constant 1 : index
    %get3A_64 = memref.load %arg9[%get3A_63] : memref<2xf32, #tpu.memory_space<smem>>
    %slice3A_65 = vector.extract_strided_slice %get3A_5 {offsets = [0, 1024], sizes = [512, 1], strides = [1, 1]} : vector<512x1025xf32> to vector<512x1xf32>
    %mul3A_66 = arith.mulf %select_n3A_53, %slice3A_65 : vector<512x1xf32>
    %reduce_sum3A_67 = vector.shape_cast %mul3A_66 : vector<512x1xf32> to vector<1x512x1xf32>
    %reduce_sum3A_68 = arith.constant dense<0.000000e+00> : vector<1xf32>
    %reduce_sum3A_69 = vector.multi_reduction <add>, %reduce_sum3A_67, %reduce_sum3A_68 [1, 2] : vector<1x512x1xf32> to vector<1xf32>
    %reduce_sum3A_70 = vector.shape_cast %reduce_sum3A_69 : vector<1xf32> to vector<1x1x1xf32>
    %reduce_sum3A_71 = vector.extract %reduce_sum3A_70[0, 0, 0] : f32 from vector<1x1x1xf32>
    %add3A_72 = arith.addf %get3A_64, %reduce_sum3A_71 : f32
    %swap3A_73 = arith.constant 1 : index
    %swap3A_74 = memref.load %arg9[%swap3A_73] : memref<2xf32, #tpu.memory_space<smem>>
    memref.store %add3A_72, %arg9[%swap3A_73] : memref<2xf32, #tpu.memory_space<smem>>
    %eq3A_75 = arith.constant 1 : i32
    %eq3A_76 = arith.cmpi eq, %arg1, %eq3A_75 : i32
    %convert_element_type3A_77 = arith.extui %eq3A_76 : i1 to i32
    %cond3A_78 = arith.constant 0 : i32
    %cond3A_79 = arith.cmpi ne, %convert_element_type3A_77, %cond3A_78 : i32
    scf.if %cond3A_79 {
      %get3A_80 = arith.constant 0 : index
      %get3A_81 = arith.constant 0 : index
      %get3A_82 = vector.load %arg6[%get3A_80, %get3A_81] : memref<1x1024xf32, #tpu.memory_space<vmem>>, vector<1x1024xf32>
      %le3A_83 = arith.constant 1.000000e-03 : f32
      %le3A_84 = vector.broadcast %le3A_83 : f32 to vector<1x1024xf32>
      %le3A_85 = arith.cmpf ole, %get3A_82, %le3A_84 : vector<1x1024xf32>
      %jit3A_86 = arith.constant 1.000000e+00 : f32
      %jit3A_87 = arith.constant 0.000000e+00 : f32
      %broadcast_in_dim3A_88 = vector.broadcast %jit3A_86 : f32 to vector<1x1024xf32>
      %broadcast_in_dim3A_89 = vector.broadcast %jit3A_87 : f32 to vector<1x1024xf32>
      %select_n3A_90 = arith.select %le3A_85, %broadcast_in_dim3A_88, %broadcast_in_dim3A_89 : vector<1x1024xi1>, vector<1x1024xf32>
      %get3A_91 = arith.constant 0 : index
      %get3A_92 = arith.constant 0 : index
      %get3A_93 = arith.constant 0 : index
      %get3A_94 = vector.load %arg4[%get3A_91, %get3A_92, %get3A_93] : memref<1x8x1025xf32, #tpu.memory_space<vmem>>, vector<1x1x1024xf32>
      %get3A_95 = vector.shape_cast %get3A_94 : vector<1x1x1024xf32> to vector<1x1024xf32>
      %reduce_sum3A_96 = vector.shape_cast %select_n3A_90 : vector<1x1024xf32> to vector<1x1x1024xf32>
      %reduce_sum3A_97 = arith.constant dense<0.000000e+00> : vector<1xf32>
      %reduce_sum3A_98 = vector.multi_reduction <add>, %reduce_sum3A_96, %reduce_sum3A_97 [1, 2] : vector<1x1x1024xf32> to vector<1xf32>
      %reduce_sum3A_99 = vector.shape_cast %reduce_sum3A_98 : vector<1xf32> to vector<1x1x1xf32>
      %reduce_sum3A_100 = vector.extract %reduce_sum3A_99[0, 0, 0] : f32 from vector<1x1x1xf32>
      %mul3A_101 = arith.mulf %select_n3A_90, %get3A_95 : vector<1x1024xf32>
      %reduce_sum3A_102 = vector.shape_cast %mul3A_101 : vector<1x1024xf32> to vector<1x1x1024xf32>
      %reduce_sum3A_103 = arith.constant dense<0.000000e+00> : vector<1xf32>
      %reduce_sum3A_104 = vector.multi_reduction <add>, %reduce_sum3A_102, %reduce_sum3A_103 [1, 2] : vector<1x1x1024xf32> to vector<1xf32>
      %reduce_sum3A_105 = vector.shape_cast %reduce_sum3A_104 : vector<1xf32> to vector<1x1x1xf32>
      %reduce_sum3A_106 = vector.extract %reduce_sum3A_105[0, 0, 0] : f32 from vector<1x1x1xf32>
      %get3A_107 = arith.constant 0 : index
      %get3A_108 = arith.constant 0 : index
      %get3A_109 = vector.load %arg7[%get3A_107, %get3A_108] : memref<1x1024xf32, #tpu.memory_space<vmem>>, vector<1x1024xf32>
      %reduce_sum3A_110 = vector.shape_cast %get3A_109 : vector<1x1024xf32> to vector<1x1x1024xf32>
      %reduce_sum3A_111 = arith.constant dense<0.000000e+00> : vector<1xf32>
      %reduce_sum3A_112 = vector.multi_reduction <add>, %reduce_sum3A_110, %reduce_sum3A_111 [1, 2] : vector<1x1x1024xf32> to vector<1xf32>
      %reduce_sum3A_113 = vector.shape_cast %reduce_sum3A_112 : vector<1xf32> to vector<1x1x1xf32>
      %reduce_sum3A_114 = vector.extract %reduce_sum3A_113[0, 0, 0] : f32 from vector<1x1x1xf32>
      %mul3A_115 = arith.constant 2.000000e+00 : f32
      %mul3A_116 = arith.mulf %mul3A_115, %reduce_sum3A_114 : f32
      %neg3A = arith.constant 0.000000e+00 : f32
      %neg3A_117 = arith.subf %neg3A, %mul3A_116 : f32
      %get3A_118 = arith.constant 0 : index
      %get3A_119 = arith.constant 0 : index
      %get3A_120 = vector.load %arg8[%get3A_118, %get3A_119] : memref<1x1024xf32, #tpu.memory_space<vmem>>, vector<1x1024xf32>
      %reduce_sum3A_121 = vector.shape_cast %get3A_120 : vector<1x1024xf32> to vector<1x1x1024xf32>
      %reduce_sum3A_122 = arith.constant dense<0.000000e+00> : vector<1xf32>
      %reduce_sum3A_123 = vector.multi_reduction <add>, %reduce_sum3A_121, %reduce_sum3A_122 [1, 2] : vector<1x1x1024xf32> to vector<1xf32>
      %reduce_sum3A_124 = vector.shape_cast %reduce_sum3A_123 : vector<1xf32> to vector<1x1x1xf32>
      %reduce_sum3A_125 = vector.extract %reduce_sum3A_124[0, 0, 0] : f32 from vector<1x1x1xf32>
      %max3A = arith.constant 1.000000e+00 : f32
      %max3A_126 = arith.maximumf %reduce_sum3A_125, %max3A : f32
      %div3A = arith.divf %neg3A_117, %max3A_126 : f32
      %get3A_127 = arith.constant 1 : index
      %get3A_128 = memref.load %arg9[%get3A_127] : memref<2xf32, #tpu.memory_space<smem>>
      %neg3A_129 = arith.constant 0.000000e+00 : f32
      %neg3A_130 = arith.subf %neg3A_129, %get3A_128 : f32
      %sub3A = arith.subf %neg3A_130, %reduce_sum3A_106 : f32
      %get3A_131 = arith.constant 0 : index
      %get3A_132 = memref.load %arg9[%get3A_131] : memref<2xf32, #tpu.memory_space<smem>>
      %max3A_133 = arith.constant 1.000000e+00 : f32
      %max3A_134 = arith.maximumf %get3A_132, %max3A_133 : f32
      %max3A_135 = arith.constant 1.000000e+00 : f32
      %max3A_136 = arith.maximumf %reduce_sum3A_100, %max3A_135 : f32
      %add3A_137 = arith.addf %max3A_134, %max3A_136 : f32
      %div3A_138 = arith.divf %sub3A, %add3A_137 : f32
      %mul3A_139 = arith.constant 1.000000e+00 : f32
      %mul3A_140 = arith.mulf %mul3A_139, %div3A_138 : f32
      %add3A_141 = arith.addf %div3A, %mul3A_140 : f32
      %mul3A_142 = arith.constant 3.125000e-02 : f32
      %mul3A_143 = arith.mulf %add3A_141, %mul3A_142 : f32
      %reshape3A = vector.broadcast %mul3A_143 : f32 to vector<1x1x1xf32>
      %swap3A_144 = arith.constant 0 : index
      %swap3A_145 = arith.constant 0 : index
      %swap3A_146 = arith.constant 0 : index
      %swap3A_147 = vector.load %arg5[%swap3A_144, %swap3A_145, %swap3A_146] : memref<1x1x1xf32, #tpu.memory_space<vmem>>, vector<1x1x1xf32>
      tpu.vector_store %arg5[%swap3A_144, %swap3A_145, %swap3A_146], %reshape3A {strides = array<i32>} : memref<1x1x1xf32, #tpu.memory_space<vmem>>, vector<1x1x1xf32>,
    } else {
    }
    return
  }
  func.func @transform_0(%arg0: i32, %arg1: i32) -> (i32, i32, i32) {
    %add3A = arith.constant 16 : i32
    %add3A_0 = arith.addi %arg0, %add3A : i32
    %c0_i32 = arith.constant 0 : i32
    %c0_i32_1 = arith.constant 0 : i32
    return %add3A_0, %arg1, %c0_i32 : i32, i32, i32
  }
  func.func @transform_1(%arg0: i32, %arg1: i32) -> (i32, i32, i32) {
    %add3A = arith.constant 16 : i32
    %add3A_0 = arith.addi %arg0, %add3A : i32
    %c0_i32 = arith.constant 0 : i32
    %c0_i32_1 = arith.constant 0 : i32
    return %add3A_0, %arg1, %c0_i32 : i32, i32, i32
  }
  func.func @transform_2(%arg0: i32, %arg1: i32) -> (i32, i32, i32) {
    %add3A = arith.constant 16 : i32
    %add3A_0 = arith.addi %arg0, %add3A : i32
    %c128_i32 = arith.constant 128 : i32
    %c0_i32 = arith.constant 0 : i32
    %c0_i32_1 = arith.constant 0 : i32
    return %add3A_0, %c128_i32, %c0_i32 : i32, i32, i32
  }
  func.func @transform_3(%arg0: i32, %arg1: i32) -> (i32, i32, i32) {
    %c0_i32 = arith.constant 0 : i32
    %c0_i32_0 = arith.constant 0 : i32
    %c0_i32_1 = arith.constant 0 : i32
    return %arg0, %c0_i32, %c0_i32_0 : i32, i32, i32
  }
}

</mosaic_0001>

<sc_bundles>
// kernel: _run.4.cloned.1.call-start
scs
__scs_entry_jumppad:
0x0: {  	(pc) =	sbr.rel $0x88, $3  }
0x1: {  	(tag) =	ssettag $0x0;
	lr =	simm.s32 $0x1  }
0x2: {  	[smem:$0x3F9F] =	sst lr;
	_ =	strace $0xD0000000  }
0x3: {  	_ = 	snop  }
0x4: {  	_ = 	snop  }
0x5: {  	_ = 	snop  }
0x6: {  	_ = 	snop  }
0x7: {  	_ = 	snop  }
__scs_overlays_trampoline_lowered:
0x8: {  	[smem:$0x3FAE] =	sst s0  }
0x9: {  	[smem:$0x3FAF] =	sst s1  }
0xa: {  	[smem:$0x3FB0] =	sst s2  }
0xb: {  	[smem:$0x3FB1] =	sst s3  }
0xc: {  	[smem:$0x3FB2] =	sst s4  }
0xd: {  	[smem:$0x3FB3] =	sst s5  }
0xe: {  	[smem:$0x3FB4] =	sst s6  }
0xf: {  	[smem:$0x3FB5] =	sst s7  }
0x10: {  	[smem:$0x3FB6] =	sst s8  }
0x11: {  	[smem:$0x3FB7] =	sst s9;
	s0 =	simm.s32 @!p0 $0x0  }
0x12: {  	s1 =	sld [smem:$0x3F9D];
	s0 =	simm.s32 @p0 $0x1  }
0x13: {  	[smem:$0x3FB8] =	sst s0;
	s0 =	simm.s32 @!p1 $0x0  }
0x14: {  	s2 =	sld [smem:$0x3F9C];
	s0 =	simm.s32 @p1 $0x1  }
0x15: {  	[smem:$0x3FB9] =	sst s0;
	s0 =	simm.s32 @!p2 $0x0  }
0x16: {  	s3 =	sld [smem:$0x3FDB];
	s0 =	simm.s32 @p2 $0x1  }
0x17: {  	s4 =	simm.s32 $0x1BF5;
	[smem:$0x3FBB] =	sst s0  }
0x18: {  	s0 =	sld [smem:$0x3F9E];
	_ =	swait.ge [sflag:s4], $0x0  }
0x19: {  	s7 =	sld [smem:$0x3F9F]  }
0x1a: {  	s8 =	sadd.s32 $0xFFFFE003, lr  }
0x1b: {  	s9 =	sadd.s32 $0xFFFFFEF7, lr;
	s5 =	simm.s32 $0xFFFFFFFF;
	p2 =	slt.u32 s8, $0xFFFFF086  }
0x1c: {  	p1 =	slt.u32 s9, $0xF7A;
	s5 =	simm.s32 @!p2 $0x0  }
0x1d: {  	s5 =	simm.s32 @p1 $0x1;
	p0 =	seq.s32 s7, s2  }
0x1e: {  	s7 =	smul.u32 @!p0 $0xF7A, s2;
	p2 =	seq.s32 @!p0 s5, $0x0  }
0x1f: {  	s9 =	smul.u32 $0xF7A, s1;
	s8 =	simm.s32 @!p0 $0x1BF5;
	p2 =	por !p2, p0  }
0x20: {  	[sflag:s8] =	ssyncset.s32 @!p0 $0xFFFFF086;
	s6 =	sadd.s32 @!p0 s3, s7;
	s7 =	simm.s32 @!p0 $0x108  }
0x21: {  	s3 =	sadd.s32 s3, s9;
	s6 =	sadd.s32 @!p0 $0x88, s6;
	s7 =	simm.s32 @p2 $0x1082  }
0x22: {  	[simem:s7], [sflag:s8] =	dma.local @!p0 [hbm:s6], $0xF7A  }
0x23: {  	s9 =	sor.u32 $0xD0000000, s2;
	s6 =	simm.s32 $0x108;
	_ =	swait.ge @!p0 [sflag:s8], $0x0  }
0x24: {  	s3 =	sadd.s32 $0x88, s3;
	s6 =	simm.s32 @!p1 $0x1082;
	[sflag:s4] =	ssyncset.s32 $0xFFFFF086  }
0x25: {  	[simem:s6], [sflag:s4] =	dma.local [hbm:s3], $0xF7A  }
0x26: {  	[smem:$0x3F9F] =	sst s1;
	(tag) =	ssettag s2;
	_ =	strace s9  }
0x27: {  	s1 =	sld [smem:$0x3FAF]  }
0x28: {  	s2 =	sld [smem:$0x3FB0]  }
0x29: {  	s4 =	sld [smem:$0x3FB2]  }
0x2a: {  	p0 =	seq.s32 s5, $0x0;
	s5 =	sld [smem:$0x3FB3]  }
0x2b: {  	s6 =	sld [smem:$0x3FB4]  }
0x2c: {  	s7 =	sld [smem:$0x3FB5]  }
0x2d: {  	s3 =	simm.s32 $0x108;
	s8 =	sld [smem:$0x3FB6]  }
0x2e: {  	s3 =	simm.s32 @!p0 $0x1082;
	s9 =	sld [smem:$0x3FB7]  }
0x2f: {  	lr =	sadd.s32 s0, s3;
	s0 =	sld [smem:$0x3FAE]  }
0x30: {  	s3 =	sld [smem:$0x3FB1]  }
0x31: {  	[smem:$0x3FBA] =	sst s10  }
0x32: {  	s10 =	sld [smem:$0x3FB8];
	_ =	sdelay $0x3  }
0x33: {  	p0 =	seq.s32 s10, $0x1;
	s10 =	sld [smem:$0x3FBA];
	_ =	sdelay $0x3  }
0x34: {  	[smem:$0x3FBA] =	sst s10  }
0x35: {  	s10 =	sld [smem:$0x3FB9];
	_ =	sdelay $0x3  }
0x36: {  	p1 =	seq.s32 s10, $0x1;
	s10 =	sld [smem:$0x3FBA];
	_ =	sdelay $0x3  }
0x37: {  	[smem:$0x3FBA] =	sst s10  }
0x38: {  	s10 =	sld [smem:$0x3FBB]  }
0x39: {  	_ = 	snop;
	(pc) =	sbr.ind lr, $3  }
0x3a: {  	_ = 	snop  }
0x3b: {  	_ = 	snop  }
0x3c: {  	p2 =	seq.s32 s10, $0x1;
	s10 =	sld [smem:$0x3FBA]  }
0x3d: {  	_ =	shalt  }
0x3e: {  	_ =	shalt  }
0x3f: {  	_ =	shalt  }
0x40: {  	_ =	shalt  }
0x41: {  	_ =	shalt  }
0x42: {  	_ =	shalt  }
0x43: {  	_ =	shalt  }
0x44: {  	_ =	shalt  }
0x45: {  	_ =	shalt  }
0x46: {  	_ =	shalt  }
0x47: {  	_ =	shalt  }
0x48: {  	_ =	shalt  }
0x49: {  	_ =	shalt  }
0x4a: {  	_ =	shalt  }
0x4b: {  	_ =	shalt  }
0x4c: {  	_ =	shalt  }
0x4d: {  	_ =	shalt  }
0x4e: {  	_ =	shalt  }
0x4f: {  	_ =	shalt  }
0x50: {  	_ =	shalt  }
0x51: {  	_ =	shalt  }
0x52: {  	_ =	shalt  }
0x53: {  	_ =	shalt  }
0x54: {  	_ =	shalt  }
0x55: {  	_ =	shalt  }
0x56: {  	_ =	shalt  }
0x57: {  	_ =	shalt  }
0x58: {  	_ =	shalt  }
0x59: {  	_ =	shalt  }
0x5a: {  	_ =	shalt  }
0x5b: {  	_ =	shalt  }
0x5c: {  	_ =	shalt  }
0x5d: {  	_ =	shalt  }
0x5e: {  	_ =	shalt  }
0x5f: {  	_ =	shalt  }
0x60: {  	_ =	shalt  }
0x61: {  	_ =	shalt  }
0x62: {  	_ =	shalt  }
0x63: {  	_ =	shalt  }
0x64: {  	_ =	shalt  }
0x65: {  	_ =	shalt  }
0x66: {  	_ =	shalt  }
0x67: {  	_ =	shalt  }
0x68: {  	_ =	shalt  }
0x69: {  	_ =	shalt  }
0x6a: {  	_ =	shalt  }
0x6b: {  	_ =	shalt  }
0x6c: {  	_ =	shalt  }
0x6d: {  	_ =	shalt  }
0x6e: {  	_ =	shalt  }
0x6f: {  	_ =	shalt  }
0x70: {  	_ =	shalt  }
0x71: {  	_ =	shalt  }
0x72: {  	_ =	shalt  }
0x73: {  	_ =	shalt  }
0x74: {  	_ =	shalt  }
0x75: {  	_ =	shalt  }
0x76: {  	_ =	shalt  }
0x77: {  	_ =	shalt  }
0x78: {  	_ =	shalt  }
0x79: {  	_ =	shalt  }
0x7a: {  	_ =	shalt  }
0x7b: {  	_ =	shalt  }
0x7c: {  	_ =	shalt  }
0x7d: {  	_ =	shalt  }
0x7e: {  	_ =	shalt  }
0x7f: {  	_ =	shalt  }
0x80: {  	_ =	shalt  }
0x81: {  	_ =	shalt  }
0x82: {  	_ =	shalt  }
0x83: {  	_ =	shalt  }
0x84: {  	_ =	shalt  }
0x85: {  	_ =	shalt  }
0x86: {  	_ =	shalt  }
0x87: {  	_ =	shalt  }
.Lfunc_end0:
.L_simem_size_0:
called_computation_lowered:
.L_overlay_start_0:
0x88: {  	s2 =	sld [smem:$0x3FD9]  }
0x89: {  	s3 =	sld [smem:$0x3FFE];
	_ =	sdelay $0x1  }
0x8a: {  	s1 =	srdreg.scid  }
0x8b: {  	s0 =	sand.u32 $0x1, s1  }
0x8c: {  	s17 =	sshll.u32 s0, $0xA;
	s2 =	sadd.s32 s3, s2  }
0x8d: {  	s2 =	sadd.s32 s2, s17  }
0x8e: {  	[smem:$0x3FC6] =	sst s2  }
0x8f: {  	_ = 	snop  }
0x90: {  	s2 =	sld [smem:$0x3FC8];
	(tm) =	ssettm $0x1  }
0x91: {  	s18 =	sld [smem:$0x3FFB];
	_ =	sdelay $0x3  }
0x92: {  	_ =	strace s18  }
0x93: {  	s3 =	sld [smem:$0x3FFC];
	_ =	sdelay $0x3  }
0x94: {  	_ =	strace s3  }
0x95: {  	s3 =	sld [smem:$0x3FFD];
	_ =	sdelay $0x3  }
0x96: {  	_ =	strace s3  }
0x97: {  	_ =	strace $0x8FFFFFFF  }
0x98: {  	s19 =	sld [smem:$0x3FDB];
	_ =	sdelay $0x1  }
0x99: {  	s4 =	simm.s32 $_scs_section_size  }
0x9a: {  	s5 =	simm.s32 $_size__tile_overlayer_lowered;
	s6 =	simm.s32 $_tile_overlayer_lowered  }
0x9b: {  	s22 =	simm.s32 $0x1BFF;
	s21 =	sshll.u32 s6, $0x1;
	s3 =	sadd.s32 s4, s19  }
0x9c: {  	s7 =	simm.s32 $0x0;
	s20 =	sshll.u32 s5, $0x1;
	s5 =	sadd.s32 s21, s3  }
0x9d: {  	[timem:s7], [sflag:s22] =	dma.local [hbm:s5], s20  }
0x9e: {  	_ =	swait.ge [sflag:s22], s20  }
0x9f: {  	s4 =	ssub.s32 $0x0, s20;
	[sflag:s22] =	ssyncset.done $0x0  }
0xa0: {  	[sflag:s22] =	ssyncadd.s32 s4;
	_ =	sdelay $0x1  }
0xa1: {  	s23 =	simm.s32 $0x1B8B  }
0xa2: {  	_ =	swait.ge [sflag:s23], $0x1  }
0xa3: {  	[sflag:s23] =	ssyncset.done $0x0  }
0xa4: {  	s25 =	simm.s32 $0x1B8E;
	s24 =	sld [smem:$0x3FFE];
	[sflag:s23] =	ssyncadd.s32 $0xFFFFFFFF  }
0xa5: {  	s26 =	simm.s32 $execute0_lowered;
	[smem:$0x3FD2] =	sst s25  }
0xa6: {  	s5 =	sshll.u32 s26, $0x1;
	_ =	strace $0x80000046;
	[dreg:$0x1] =	wrdreg $0xFFFFFFFF  }
0xa7: {  	s28 =	simm.s32 $_size_execute0_lowered;
	s3 =	sadd.s32 s3, s5;
	[dreg:$0x0] =	wrdreg $0x0  }
0xa8: {  	s5 =	sshll.u32 s28, $0x1;
	[dreg:$0x2] =	wrdreg s3  }
0xa9: {  	[dreg:$0x3] =	wrdreg s5  }
0xaa: {  	[dreg:$0x4] =	wrdreg $0xC0  }
0xab: {  	_ =	task [dreg:s7], $0x5FFFF  }
0xac: {  	[dreg:$0x1] =	wrdreg $0xFFFFFFFF  }
0xad: {  	[dreg:$0x0] =	wrdreg $0x60  }
0xae: {  	[dreg:$0x2] =	wrdreg s24  }
0xaf: {  	[dreg:$0x3] =	wrdreg s2  }
0xb0: {  	[dreg:$0x4] =	wrdreg $0x126000  }
0xb1: {  	[dreg:$0x5] =	wrdreg $0x9  }
0xb2: {  	_ =	task.clear_ibuf [dreg:s7], $0x6FFFF;
	_ =	strace $0x90000046  }
0xb3: {  	s29 =	simm.s32 $0x9;
	_ =	strace $0x80000048  }
0xb4: {  	_ =	swait.ge [sflag:s29], $0x1  }
0xb5: {  	[sflag:s29] =	ssyncadd.s32 $0xFFFFFFFF  }
0xb6: {  	_ =	strace $0x90000048  }
0xb7: {  	_ =	sfence  }
0xb8: {  	s30 =	sld [smem:$0x0];
	_ =	sdelay $0x2  }
0xb9: {  	s31 =	sshll.u32 s1, $0xD;
	s1 =	sshrl.u32 s1, $0x2  }
0xba: {  	s3 =	sand.u32 $0x4000, s31;
	s1 =	sadd.s32 s1, s30  }
0xbb: {  	s0 =	sor.u32 s3, s0;
	s1 =	sshll.u32 s1, $0x11  }
0xbc: {  	s0 =	sor.u32 s1, s0  }
0xbd: {  	s0 =	sadd.s32 $0x8F2B, s0  }
0xbe: {  	[sflag:s0] =	ssyncadd.remote.s32 $0x1  }
0xbf: {  	_ =	sfence.sel $0xFFFF  }
0xc0: {  	[dreg:$0x0] =	wrdreg $0xFFFFFFFF;
	(pc) =	sbr.abs _section_cstart, $3  }
0xc1: {  	[dreg:$0x1] =	wrdreg $0xFFFFFFFF  }
0xc2: {  	_ =	task.clear_ibuf [dreg:s7], $0x2FFFF;
	_ =	strace $0x9FFFFFFF  }
0xc3: {  	(tm) =	ssettm $0x7FFFFFFF  }
tec
execute0_lowered:
.L_overlay_start_1:
0x0: {  	(tag) =	ssettag $0x1  }
0x1: {  	s1 =	rddreg [dreg:$0x0]  }
0x2: {  	s2 =	rddreg [dreg:$0x1]  }
0x3: {  	s4 =	rddreg [dreg:$0x2];
	s3 =	simm.s32 $0x0  }
0x4: {  	s0 =	srdreg.scid;
	s15 =	stileid.u32;
	s28 =	simm.s32 $0x11D80  }
0x5: {  	s29 =	simm.s32 $0x2;
	s30 =	simm.s32 $0x4;
	[smem:$0x7FF] =	sst s3  }
0x6: {  	s0 =	sand.u32 $0x1, s0;
	s9 =	sshrl.u32 s15, $0x1;
	s21 =	smul.u32 $0x1200, s15  }
0x7: {  	_ =	strace $0x80000047;
	s5 =	sshll.u32 s0, $0x7;
	s12 =	ssub.s32 $0x2, s0  }
0x8: {  	s8 =	sshll.u32 s0, $0x3;
	s0 =	sand.u32 $0x1, s15;
	s7 =	sadd.s32 s5, s1  }
0x9: {  	s6 =	sshrl.u32 s12, $0x1;
	s13 =	sor.u32 s9, s8;
	s14 =	sshll.u32 s0, $0x13  }
0xa: {  	s11 =	smul.u32 $0x90000, s0;
	s24 =	sshrl.u32 s21, $0x2;
	s9 =	sshll.u32 s9, $0x4  }
0xb: {  	v0 =	vimm.s32 $0x4780;
	vm0 =	vcmask $0x300;
	p0 =	sne.s32 s0, $0x0;
	s10 =	ssub.s32 s12, s6;
	s5 =	sshll.u32 s13, $0x14  }
0xc: {  	v0 =	vsel vm0, $0x2000, v0;
	vm0 =	vcmask $0x704;
	s6 =	smul.u32 $0x122400, s13;
	s12 =	sshll.u32 s0, $0x6;
	s25 =	sadd.s32 s9, s7  }
0xd: {  	v0 =	vsel vm0, $0x2080, v0;
	vm0 =	vcmask $0xB08;
	s8 =	sor.u32 s14, s5;
	s14 =	sshll.u32 s0, $0x9;
	s12 =	sor.u32 $0x2, s12  }
0xe: {  	v0 =	vsel vm0, $0x2100, v0;
	vm0 =	vcmask $0xF0C;
	s31 =	smax.u32 s10, $0x1;
	s10 =	simm.s32 $0x5;
	s0 =	simm.s32 $0x0  }
0xf: {  	vm1 =	vcmask $0x1310;
	v0 =	vsel vm0, $0x2180, v0;
	s8 =	sshrl.u32 s8, $0x3;
	s11 =	sadd.s32 s11, s6;
	s13 =	sshll.u32 s12, $0xD  }
0x10: {  	v0 =	vsel vm1, $0x2200, v0;
	vm1 =	vcmask $0x1714;
	s12 =	smul.u32 $0x2400, s12;
	s20 =	sshrl.u32 s6, $0x3;
	[dreg:$0xc] =	wrdreg s31  }
0x11: {  	v0 =	vsel vm1, $0x2280, v0;
	vm1 =	vcmask $0x1B18;
	s8 =	sadd.s32 s2, s8;
	s16 =	sshrl.u32 s11, $0x3;
	s17 =	sor.u32 s5, s13  }
0x12: {  	s23 =	sadd.s32 s1, s20;
	v0 =	vsel vm1, $0x2300, v0;
	vm1 =	vcmask $0x1F1C;
	s20 =	simm.s32 $0xC800;
	[dreg:$0x4] =	wrdreg s8  }
0x13: {  	v1 =	vlaneseq.u32;
	s8 =	sadd.s32 s1, s16;
	s18 =	sshrl.u32 s17, $0x3;
	s19 =	sadd.s32 s6, s12;
	v0 =	vsel vm1, $0x2380, v0;
	vm1 =	vcmask $0x2320  }
0x14: {  	vm2 =	vcmask $0x3F08;
	[dreg:$0x5] =	wrdreg s8;
	s11 =	sshrl.u32 s19, $0x3;
	s8 =	sadd.s32 s2, s18;
	v0 =	vsel vm1, $0x4400, v0;
	vm1 =	vcmask $0x2724  }
0x15: {  	vm3 =	vcmask $0x3F04;
	s12 =	sor.u32 $0x20, s14;
	[dreg:$0x6] =	wrdreg s8;
	s22 =	sadd.s32 s1, s11;
	v0 =	vsel vm1, $0x4480, v0;
	vm1 =	vcmask $0x2B28  }
.Ltmp0:
0x16: {  	s8 =	sadd.s32 $0x24000, s23;
	[dreg:$0x7] =	wrdreg s22;
	v2 =	vsel vm1, $0x4500, v0;
	vm1 =	vcmask $0x2F2C;
	v0 =	vmul.u32 $0x80, v1;
	(pc) =	sbr.rel .LBB2_1-.Ltmp0, $4  }
0x17: {  	s14 =	sor.u32 $0x30, s14;
	[dreg:$0x8] =	wrdreg s8;
	s8 =	sadd.s32 s24, s4;
	v1 =	vimm.f32 $0.0e+00;
	v2 =	vsel vm1, $0x4580, v2;
	vm1 =	vcmask $0x3330  }
0x18: {  	s18 =	simm.s32 $0x8000;
	s4 =	sadd.s32 $0x489000, s25;
	[dreg:$0x9] =	wrdreg s8;
	v3 =	vsel vm1, $0x4600, v2;
	vm1 =	vcmask $0x3734;
	v46 =	vor.u32 $0x1, v0  }
0x19: {  	s19 =	simm.s32 $0x4000;
	s26 =	sadd.s32 $0x480, s8;
	[dreg:$0xb] =	wrdreg s4;
	v47 =	vor.u32 $0x2, v0;
	v5 =	vsel vm1, $0x4680, v3;
	vm1 =	vcmask $0x3B38  }
0x1a: {  	s25 =	simm.s32 $0x1;
	[dreg:$0xa] =	wrdreg s26;
	s26 =	simm.s32 $0x3;
	v55 =	vor.u32 $0x3, v0;
	v49 =	vsel vm1, $0x4700, v5;
	vm1 =	vcmask $0x3F0C  }
.LBB2_17:
0x1b: {  	s0 =	sadd.s32 $0x1, s0;
	s4 =	rddreg [dreg:$0xc]  }
0x1c: {  	p1 =	sne.s32 s0, s4  }
.Ltmp1:
0x1d: {  	_ = 	snop;
	(pc) =	sbr.rel @!p1 .LBB2_18-.Ltmp1, $1  }
0x1e: {  	_ =	sdelay $0x3  }
.LBB2_1:
0x1f: {  	s4 =	rddreg [dreg:$0x4]  }
0x20: {  	s22 =	rddreg [dreg:$0x5]  }
0x21: {  	[tilespmem:s3], [sflag:$0x1] =	stream.linear.gather [hbm4b:s4+s3], $0x4000, $0x38;
	[tilespmem:$0x12A10] =	vst v63  }
0x22: {  	s23 =	rddreg [dreg:$0x6]  }
0x23: {  	[tilespmem:s18], [sflag:$0x3] =	stream.linear.gather [hbm4b:s22+s3], $0x4800, $0x38;
	[tilespmem:$0x12A10] =	vst v63  }
0x24: {  	s24 =	rddreg [dreg:$0x7]  }
0x25: {  	[tilespmem:s19], [sflag:$0x2] =	stream.linear.gather [hbm4b:s23+s3], $0x4000, $0x38;
	[tilespmem:$0x12A10] =	vst v63  }
0x26: {  	s31 =	rddreg [dreg:$0x8]  }
0x27: {  	[tilespmem:s20], [sflag:$0x4] =	stream.linear.gather [hbm4b:s24+s3], $0x4800, $0x38;
	[tilespmem:$0x12A10] =	vst v63  }
0x28: {  	s7 =	simm.s32 $0x80;
	s8 =	simm.s32 $0x400;
	s9 =	simm.s32 $0x11000  }
0x29: {  	[tilespmem:s9], [sflag:$0x5] =	stream.strided.gather [hbm4b:s31+s7], $0x480, s8, s7, $0x38;
	[tilespmem:$0x12A10] =	vst v63  }
0x2a: {  	_ =	swait.ge [sflag:s10], $0x480  }
0x2b: {  	[sflag:s10] =	ssyncset.done $0x0  }
0x2c: {  	v6 =	vimm.f32 $0.0e+00;
	s4 =	simm.s32 $0x40;
	s7 =	simm.s32 $0x0;
	[sflag:s10] =	ssyncadd.s32 $0xFFFFFB80  }
.LBB2_2:
0x2d: {  	p1 =	sne.s32 s4, $0x1000;
	[tilespmem:s7+$0x11480] =	vst v6;
	s7 =	smov.u32 s4;
	s4 =	sadd.s32 $0x40, s4  }
.Ltmp2:
0x2e: {  	(pc) =	sbr.rel @p1 .LBB2_2-.Ltmp2, $2  }
0x2f: {  	_ =	sdelay $0x2  }
0x30: {  	v6 =	vimm.f32 $0.0e+00;
	s7 =	sshra.s32 s7, $0x2  }
0x31: {  	v7 =	vimm.f32 $0.0e+00  }
0x32: {  	[tilespmem:s7+$0x11480] =	vst v6;
	s4 =	simm.s32 $0x0;
	v8 =	vimm.f32 $0.0e+00;
	v9 =	vimm.f32 $0.0e+00;
	v10 =	vimm.f32 $0.0e+00;
	s21 =	simm.s32 $0x0  }
.LBB2_4:
0x33: {  	_ =	swait.ge [sflag:s25], $0x4000  }
0x34: {  	[sflag:s25] =	ssyncset.done $0x0  }
0x35: {  	[sflag:s25] =	ssyncadd.s32 $0xFFFFC000  }
0x36: {  	_ =	swait.ge [sflag:s26], $0x4800  }
0x37: {  	s7 =	sand.u32 $0x70, s4;
	s8 =	sand.u32 $0x1C00, s4;
	[sflag:s26] =	ssyncset.done $0x0  }
0x38: {  	s8 =	sor.u32 s7, s8;
	[sflag:s26] =	ssyncadd.s32 $0xFFFFB800  }
0x39: {  	v11 =	vld [tilespmem:s8+$0x180]  }
0x3a: {  	v12 =	vld [tilespmem:s8+$0x100]  }
0x3b: {  	s17 =	simm.s32 $0x11480;
	v13 =	vld [tilespmem:s8+$0x0]  }
0x3c: {  	v14 =	vld [tilespmem:s17+$0x0]  }
0x3d: {  	v15 =	vld [tilespmem:s8+$0x80]  }
0x3e: {  	v21 =	vld [tilespmem:s8+$0x280];
	_ =	sdelay $0x1  }
0x3f: {  	v16 =	vld [tilespmem:s8+$0x8000];
	vm5 =	vge.f32 v11, $5.000000070e-02;
	v11 =	vmin.f32 v11, $1.000000000e+00;
	vm4 =	vge.f32 v12, $5.000000070e-02  }
0x40: {  	v17 =	vld [tilespmem:s8+$0x8080];
	v12 =	vmin.f32 v12, $1.000000000e+00;
	vm6 =	vge.f32 v13, $5.000000070e-02;
	v13 =	vmin.f32 v13, $1.000000000e+00  }
0x41: {  	v19 =	vld [tilespmem:s8+$0x8100];
	vm7 =	vge.f32 v15, $5.000000070e-02;
	v15 =	vmin.f32 v15, $1.000000000e+00;
	v13 =	vnsel vm6, $0x0, v13  }
0x42: {  	vm15 =	vge.f32 v21, $5.000000070e-02;
	v24 =	vnsel vm4, $0x0, v12;
	v12 =	vld [tilespmem:s8+$0x200];
	v14 =	vadd.f32 v13, v14  }
0x43: {  	v20 =	vsel vm6, $0x3F800000, v1;
	v15 =	vnsel vm7, $0x0, v15;
	v25 =	vnsel vm5, $0x0, v11  }
0x44: {  	v26 =	vsel vm4, $0x3F800000, v1;
	v16 =	vmul.f32 v13, v16;
	v14 =	vadd.f32 v15, v14  }
0x45: {  	v22 =	vld [tilespmem:s8+$0x8180];
	v11 =	vadd.f32 v20, v9;
	v17 =	vmul.f32 v15, v17;
	v9 =	vadd.f32 v15, v6  }
0x46: {  	v20 =	vsel vm7, $0x3F800000, v1;
	v10 =	vadd.f32 v16, v10;
	v14 =	vadd.f32 v24, v14  }
0x47: {  	s9 =	sor.u32 s4, s4;
	v19 =	vmul.f32 v24, v19;
	v15 =	vld [tilespmem:s8+$0x300];
	v11 =	vadd.f32 v20, v11;
	vm14 =	vge.f32 v12, $5.000000070e-02  }
0x48: {  	s9 =	sor.u32 $0x380, s9;
	v16 =	vld [tilespmem:s8+$0x8200];
	v12 =	vmin.f32 v12, $1.000000000e+00;
	v10 =	vadd.f32 v17, v10;
	v14 =	vadd.f32 v25, v14  }
0x49: {  	v17 =	vmin.f32 v21, $1.000000000e+00;
	v21 =	vld [tilespmem:s9+$0x0];
	v11 =	vadd.f32 v26, v11;
	v23 =	vnsel vm14, $0x0, v12  }
0x4a: {  	v18 =	vsel vm5, $0x3F800000, v1;
	v22 =	vmul.f32 v25, v22;
	v14 =	vadd.f32 v23, v14  }
0x4b: {  	v12 =	vld [tilespmem:s8+$0x8280];
	v17 =	vnsel vm15, $0x0, v17;
	v10 =	vadd.f32 v19, v10;
	v11 =	vadd.f32 v18, v11  }
0x4c: {  	vm4 =	vge.f32 v15, $5.000000070e-02;
	v15 =	vmin.f32 v15, $1.000000000e+00;
	v14 =	vadd.f32 v17, v14  }
0x4d: {  	v19 =	vld [tilespmem:s8+$0x8300];
	v16 =	vmul.f32 v23, v16;
	v20 =	vnsel vm4, $0x0, v15;
	v10 =	vadd.f32 v22, v10  }
0x4e: {  	vm5 =	vge.f32 v21, $5.000000070e-02;
	v15 =	vmin.f32 v21, $1.000000000e+00;
	v14 =	vadd.f32 v20, v14  }
0x4f: {  	v22 =	vld [tilespmem:s9+$0x8000];
	v10 =	vadd.f32 v16, v10;
	v18 =	vnsel vm5, $0x0, v15;
	v16 =	vsel vm14, $0x3F800000, v1  }
0x50: {  	s22 =	simm.s32 $0x10;
	s23 =	simm.s32 $0x80;
	v12 =	vmul.f32 v17, v12;
	v11 =	vadd.f32 v16, v11;
	v14 =	vadd.f32 v18, v14  }
0x51: {  	s10 =	sand.u32 $0x70, s22;
	s11 =	sand.u32 $0x1C00, s23;
	v13 =	vadd.f32 v13, v6;
	v21 =	vsel vm15, $0x3F800000, v1;
	v15 =	vadd.f32 v18, v6  }
0x52: {  	s15 =	simm.s32 $0x11490;
	s16 =	sor.u32 s10, s11;
	v19 =	vmul.f32 v20, v19;
	v10 =	vadd.f32 v12, v10;
	v11 =	vadd.f32 v21, v11;
	[tilespmem:s17+$0x0] =	vst v14  }
0x53: {  	s24 =	simm.s32 $0x20;
	s10 =	simm.s32 $0x30;
	s8 =	sor.u32 s23, s22;
	v16 =	vadd.f32 v17, v6;
	v12 =	vadd.f32 v20, v6;
	v21 =	vsel vm4, $0x3F800000, v1;
	v17 =	vld [tilespmem:s16+$0x8000]  }
0x54: {  	s22 =	sand.u32 $0x70, s24;
	s7 =	sor.u32 $0x380, s8;
	s8 =	simm.s32 $0x100;
	v18 =	vmul.f32 v18, v22;
	v10 =	vadd.f32 v19, v10;
	v21 =	vadd.f32 v21, v11;
	v20 =	vld [tilespmem:s16+$0x180]  }
0x55: {  	s9 =	simm.s32 $0x114A0;
	s23 =	sand.u32 $0x1C00, s8;
	s11 =	sor.u32 s8, s24;
	v11 =	vadd.f32 v24, v6;
	v14 =	vadd.f32 v23, v6;
	v19 =	vld [tilespmem:s16+$0x8080]  }
0x56: {  	s31 =	sor.u32 s22, s23;
	s22 =	sor.u32 $0x380, s11;
	s23 =	simm.s32 $0x114A0;
	v18 =	vadd.f32 v18, v10;
	v23 =	vsel vm5, $0x3F800000, v1;
	v10 =	vadd.f32 v25, v6;
	v22 =	vld [tilespmem:s16+$0x100]  }
.LBB2_5:
0x57: {  	p1 =	sne.s32 s10, $0x3F0;
	s8 =	sadd.s32 $0x80, s8;
	s9 =	sadd.s32 $0x10, s9;
	v24 =	vld [tilespmem:s16+$0x0];
	v21 =	vadd.f32 v23, v21  }
0x58: {  	s11 =	smov.u32 s10;
	s10 =	sadd.s32 $0x10, s10;
	v23 =	vld [tilespmem:s15+$0x0]  }
0x59: {  	v25 =	vld [tilespmem:s16+$0x80];
	vm5 =	vge.f32 v20, $5.000000070e-02;
	v20 =	vmin.f32 v20, $1.000000000e+00  }
0x5a: {  	s17 =	sand.u32 $0x70, s11;
	s13 =	sand.u32 $0x1C00, s8;
	v26 =	vld [tilespmem:s7+$0x0]  }
0x5b: {  	s13 =	sor.u32 s17, s13;
	v28 =	vsel vm5, $0x3F800000, v1;
	v27 =	vld [tilespmem:s16+$0x8100];
	vm4 =	vge.f32 v22, $5.000000070e-02;
	v22 =	vmin.f32 v22, $1.000000000e+00  }
0x5c: {  	s11 =	sor.u32 s8, s11;
	vm6 =	vge.f32 v24, $5.000000070e-02;
	v24 =	vmin.f32 v24, $1.000000000e+00;
	v29 =	vnsel vm4, $0x0, v22;
	v22 =	vld [tilespmem:s16+$0x200]  }
0x5d: {  	s11 =	sor.u32 $0x380, s11;
	v32 =	vnsel vm5, $0x0, v20;
	v24 =	vnsel vm6, $0x0, v24;
	v30 =	vsel vm6, $0x3F800000, v1;
	v31 =	vld [tilespmem:s16+$0x8180]  }
0x5e: {  	v20 =	vadd.f32 v24, v23;
	vm5 =	vge.f32 v25, $5.000000070e-02;
	v23 =	vmin.f32 v25, $1.000000000e+00;
	v25 =	vld [tilespmem:s16+$0x280]  }
0x5f: {  	v17 =	vmul.f32 v24, v17;
	v21 =	vadd.f32 v30, v21;
	v23 =	vnsel vm5, $0x0, v23;
	v30 =	vld [tilespmem:s16+$0x8200]  }
0x60: {  	v19 =	vmul.f32 v23, v19;
	v20 =	vadd.f32 v23, v20;
	v9 =	vadd.f32 v23, v9  }
0x61: {  	v17 =	vadd.f32 v17, v18;
	vm6 =	vge.f32 v22, $5.000000070e-02;
	v18 =	vmin.f32 v22, $1.000000000e+00;
	v22 =	vld [tilespmem:s16+$0x300]  }
0x62: {  	v23 =	vsel vm5, $0x3F800000, v1;
	v20 =	vadd.f32 v29, v20;
	v18 =	vnsel vm6, $0x0, v18;
	v33 =	vld [tilespmem:s16+$0x8280]  }
0x63: {  	v17 =	vadd.f32 v19, v17;
	vm5 =	vge.f32 v25, $5.000000070e-02;
	v19 =	vmin.f32 v25, $1.000000000e+00;
	v25 =	vld [tilespmem:s16+$0x8300];
	s16 =	smov.u32 s31;
	s31 =	smov.u32 s13  }
0x64: {  	v27 =	vmul.f32 v29, v27;
	v20 =	vadd.f32 v32, v20;
	v19 =	vnsel vm5, $0x0, v19  }
0x65: {  	v34 =	vsel vm4, $0x3F800000, v1;
	v31 =	vmul.f32 v32, v31;
	v30 =	vmul.f32 v18, v30  }
0x66: {  	v20 =	vadd.f32 v18, v20;
	vm4 =	vge.f32 v22, $5.000000070e-02;
	v22 =	vmin.f32 v22, $1.000000000e+00  }
0x67: {  	v21 =	vadd.f32 v23, v21;
	v17 =	vadd.f32 v27, v17;
	v22 =	vnsel vm4, $0x0, v22;
	v23 =	vld [tilespmem:s7+$0x8000];
	s7 =	smov.u32 s22;
	s22 =	smov.u32 s11  }
0x68: {  	v27 =	vmul.f32 v19, v33;
	v20 =	vadd.f32 v19, v20;
	v25 =	vmul.f32 v22, v25  }
0x69: {  	vm7 =	vge.f32 v26, $5.000000070e-02;
	v21 =	vadd.f32 v34, v21;
	v17 =	vadd.f32 v31, v17  }
0x6a: {  	v26 =	vmin.f32 v26, $1.000000000e+00;
	v31 =	vsel vm6, $0x3F800000, v1;
	v20 =	vadd.f32 v22, v20  }
0x6b: {  	v26 =	vnsel vm7, $0x0, v26;
	v21 =	vadd.f32 v28, v21;
	v17 =	vadd.f32 v30, v17  }
0x6c: {  	v15 =	vadd.f32 v26, v15;
	v23 =	vmul.f32 v26, v23;
	v20 =	vadd.f32 v26, v20  }
0x6d: {  	v21 =	vadd.f32 v31, v21;
	v26 =	vadd.f32 v27, v17;
	v27 =	vsel vm5, $0x3F800000, v1  }
.Ltmp3:
0x6e: {  	v16 =	vadd.f32 v19, v16;
	v12 =	vadd.f32 v22, v12;
	[tilespmem:s15+$0x0] =	vst v20;
	s15 =	smov.u32 s23;
	s23 =	smov.u32 s9;
	(pc) =	sbr.rel @p1 .LBB2_5-.Ltmp3, $4  }
0x6f: {  	v21 =	vadd.f32 v27, v21;
	v22 =	vadd.f32 v25, v26;
	v25 =	vsel vm4, $0x3F800000, v1;
	v17 =	vld [tilespmem:s16+$0x8000]  }
0x70: {  	v13 =	vadd.f32 v24, v13;
	v14 =	vadd.f32 v18, v14;
	v20 =	vld [tilespmem:s16+$0x180]  }
0x71: {  	v21 =	vadd.f32 v25, v21;
	v18 =	vadd.f32 v23, v22;
	v23 =	vsel vm7, $0x3F800000, v1;
	v19 =	vld [tilespmem:s16+$0x8080]  }
0x72: {  	v10 =	vadd.f32 v32, v10;
	v11 =	vadd.f32 v29, v11;
	v22 =	vld [tilespmem:s16+$0x100]  }
0x73: {  	v24 =	vld [tilespmem:s16+$0x0]  }
0x74: {  	v25 =	vld [tilespmem:s15+$0x0]  }
0x75: {  	v26 =	vld [tilespmem:s16+$0x80];
	_ =	sdelay $0x2  }
0x76: {  	vm4 =	vge.f32 v24, $5.000000070e-02;
	v24 =	vmin.f32 v24, $1.000000000e+00  }
0x77: {  	v24 =	vnsel vm4, $0x0, v24  }
0x78: {  	vm10 =	vge.f32 v26, $5.000000070e-02;
	v26 =	vmin.f32 v26, $1.000000000e+00;
	v25 =	vadd.f32 v24, v25  }
0x79: {  	v27 =	vld [tilespmem:s16+$0x200];
	v26 =	vnsel vm10, $0x0, v26  }
0x7a: {  	vm9 =	vge.f32 v22, $5.000000070e-02;
	v22 =	vmin.f32 v22, $1.000000000e+00;
	v25 =	vadd.f32 v26, v25  }
0x7b: {  	v28 =	vld [tilespmem:s16+$0x280];
	v22 =	vnsel vm9, $0x0, v22  }
0x7c: {  	vm8 =	vge.f32 v20, $5.000000070e-02;
	v20 =	vmin.f32 v20, $1.000000000e+00;
	v25 =	vadd.f32 v22, v25  }
0x7d: {  	v29 =	vld [tilespmem:s16+$0x300];
	v20 =	vnsel vm8, $0x0, v20  }
0x7e: {  	vm7 =	vge.f32 v27, $5.000000070e-02;
	v27 =	vmin.f32 v27, $1.000000000e+00;
	v25 =	vadd.f32 v20, v25  }
0x7f: {  	v21 =	vadd.f32 v23, v21;
	v23 =	vld [tilespmem:s7+$0x0];
	v27 =	vnsel vm7, $0x0, v27  }
0x80: {  	vm6 =	vge.f32 v28, $5.000000070e-02;
	v28 =	vmin.f32 v28, $1.000000000e+00;
	v25 =	vadd.f32 v27, v25  }
0x81: {  	v28 =	vnsel vm6, $0x0, v28;
	v17 =	vmul.f32 v24, v17  }
0x82: {  	vm5 =	vge.f32 v29, $5.000000070e-02;
	v29 =	vmin.f32 v29, $1.000000000e+00;
	v25 =	vadd.f32 v28, v25  }
0x83: {  	v30 =	vld [tilespmem:s16+$0x8100];
	v31 =	vsel vm4, $0x3F800000, v1;
	v17 =	vadd.f32 v17, v18;
	v18 =	vnsel vm5, $0x0, v29  }
0x84: {  	v32 =	vld [tilespmem:s16+$0x8180];
	vm4 =	vge.f32 v23, $5.000000070e-02;
	v23 =	vmin.f32 v23, $1.000000000e+00;
	v25 =	vadd.f32 v18, v25  }
0x85: {  	v58 =	vld [tilespmem:s16+$0x8200];
	v23 =	vnsel vm4, $0x0, v23  }
0x86: {  	v33 =	vld [tilespmem:s16+$0x8280];
	v19 =	vmul.f32 v26, v19;
	v25 =	vadd.f32 v23, v25  }
0x87: {  	v60 =	vld [tilespmem:s7+$0x8000];
	v21 =	vadd.f32 v31, v21  }
0x88: {  	v61 =	vsel vm8, $0x3F800000, v1;
	v59 =	vsel vm10, $0x3F800000, v1;
	v17 =	vadd.f32 v19, v17;
	v19 =	vld [tilespmem:s16+$0x8300];
	[tilespmem:s15+$0x0] =	vst v25  }
0x89: {  	v10 =	vadd.f32 v20, v10;
	v34 =	vsel vm9, $0x3F800000, v1;
	v21 =	vadd.f32 v59, v21;
	v25 =	vld [tilespmem:s31+$0x0]  }
0x8a: {  	v32 =	vmul.f32 v20, v32;
	v30 =	vmul.f32 v22, v30;
	v37 =	vsel vm7, $0x3F800000, v1;
	v62 =	vld [tilespmem:s23+$0x0]  }
0x8b: {  	v39 =	vsel vm6, $0x3F800000, v1;
	v63 =	vmul.f32 v28, v33;
	v21 =	vadd.f32 v34, v21;
	v36 =	vld [tilespmem:s31+$0x80]  }
0x8c: {  	v38 =	vmul.f32 v23, v60;
	v15 =	vadd.f32 v23, v15;
	v17 =	vadd.f32 v30, v17  }
0x8d: {  	v29 =	vmul.f32 v27, v58;
	v12 =	vadd.f32 v18, v12;
	v21 =	vadd.f32 v61, v21;
	v23 =	vld [tilespmem:s31+$0x100]  }
0x8e: {  	v17 =	vadd.f32 v32, v17;
	vm12 =	vge.f32 v25, $5.000000070e-02;
	v25 =	vmin.f32 v25, $1.000000000e+00  }
0x8f: {  	v21 =	vadd.f32 v37, v21;
	v19 =	vmul.f32 v18, v19;
	v40 =	vld [tilespmem:s31+$0x180];
	v25 =	vnsel vm12, $0x0, v25  }
0x90: {  	vm13 =	vge.f32 v36, $5.000000070e-02;
	v30 =	vmin.f32 v36, $1.000000000e+00;
	v41 =	vadd.f32 v25, v62  }
0x91: {  	v17 =	vadd.f32 v29, v17;
	v18 =	vadd.f32 v39, v21;
	v21 =	vld [tilespmem:s31+$0x200];
	v42 =	vnsel vm13, $0x0, v30  }
0x92: {  	vm14 =	vge.f32 v23, $5.000000070e-02;
	v23 =	vmin.f32 v23, $1.000000000e+00;
	v30 =	vadd.f32 v42, v41  }
0x93: {  	v16 =	vadd.f32 v28, v16;
	v17 =	vadd.f32 v63, v17;
	v43 =	vld [tilespmem:s31+$0x280];
	v23 =	vnsel vm14, $0x0, v23  }
0x94: {  	vm6 =	vge.f32 v40, $5.000000070e-02;
	v28 =	vmin.f32 v40, $1.000000000e+00;
	v30 =	vadd.f32 v23, v30  }
0x95: {  	v17 =	vadd.f32 v19, v17;
	v19 =	vsel vm5, $0x3F800000, v1;
	v45 =	vld [tilespmem:s31+$0x300];
	v44 =	vnsel vm6, $0x0, v28  }
0x96: {  	vm7 =	vge.f32 v21, $5.000000070e-02;
	v21 =	vmin.f32 v21, $1.000000000e+00;
	v30 =	vadd.f32 v44, v30  }
0x97: {  	v11 =	vadd.f32 v22, v11;
	v18 =	vadd.f32 v19, v18;
	v19 =	vld [tilespmem:s22+$0x0];
	v21 =	vnsel vm7, $0x0, v21  }
0x98: {  	v48 =	vld [tilespmem:s31+$0x8000];
	vm5 =	vge.f32 v43, $5.000000070e-02;
	v50 =	vmin.f32 v43, $1.000000000e+00;
	v30 =	vadd.f32 v21, v30  }
0x99: {  	v14 =	vadd.f32 v27, v14;
	v52 =	vsel vm4, $0x3F800000, v1;
	v22 =	vnsel vm5, $0x0, v50  }
0x9a: {  	v51 =	vld [tilespmem:s31+$0x8080];
	vm4 =	vge.f32 v45, $5.000000070e-02;
	v27 =	vmin.f32 v45, $1.000000000e+00;
	v30 =	vadd.f32 v22, v30  }
0x9b: {  	v9 =	vadd.f32 v26, v9;
	v13 =	vadd.f32 v24, v13;
	v53 =	vld [tilespmem:s31+$0x8100];
	v27 =	vnsel vm4, $0x0, v27  }
0x9c: {  	v56 =	vld [tilespmem:s31+$0x8180];
	vm15 =	vge.f32 v19, $5.000000070e-02;
	v19 =	vmin.f32 v19, $1.000000000e+00;
	v30 =	vadd.f32 v27, v30  }
0x9d: {  	v17 =	vadd.f32 v38, v17;
	v35 =	vld [tilespmem:s31+$0x8200];
	v19 =	vnsel vm15, $0x0, v19;
	v28 =	vmul.f32 v25, v48  }
0x9e: {  	v18 =	vadd.f32 v52, v18;
	v20 =	vld [tilespmem:s31+$0x8280];
	v54 =	vsel vm12, $0x3F800000, v1;
	v30 =	vadd.f32 v19, v30  }
0x9f: {  	v57 =	vld [tilespmem:s31+$0x8300];
	v31 =	vmul.f32 v42, v51;
	v13 =	vadd.f32 v25, v13;
	v17 =	vadd.f32 v28, v17  }
0xa0: {  	v59 =	vld [tilespmem:s22+$0x8000];
	v58 =	vsel vm13, $0x3F800000, v1;
	v18 =	vadd.f32 v54, v18;
	v9 =	vadd.f32 v42, v9;
	[tilespmem:s23+$0x0] =	vst v30  }
0xa1: {  	v60 =	vmul.f32 v23, v53;
	v11 =	vadd.f32 v23, v11;
	v17 =	vadd.f32 v31, v17;
	[tilespmem:$0x11D80] =	vst v13  }
0xa2: {  	v61 =	vsel vm14, $0x3F800000, v1;
	v10 =	vadd.f32 v44, v10;
	v18 =	vadd.f32 v58, v18;
	[tilespmem:$0x11E00] =	vst v9  }
0xa3: {  	v14 =	vadd.f32 v21, v14;
	v17 =	vadd.f32 v60, v17;
	v13 =	vmul.f32 v44, v56;
	[tilespmem:$0x11E80] =	vst v11  }
0xa4: {  	v16 =	vadd.f32 v22, v16;
	v9 =	vadd.f32 v61, v18;
	[tilespmem:$0x11F00] =	vst v10  }
0xa5: {  	v11 =	vsel vm6, $0x3F800000, v1;
	[tilespmem:$0x11F80] =	vst v14;
	v14 =	vadd.f32 v19, v15;
	v13 =	vadd.f32 v13, v17  }
0xa6: {  	s15 =	simm.s32 $0x0;
	v10 =	vmul.f32 v21, v35;
	[tilespmem:$0x12000] =	vst v16;
	v9 =	vadd.f32 v11, v9;
	v11 =	vadd.f32 v27, v12  }
0xa7: {  	s31 =	sand.u32 $0x70, s15;
	s8 =	sand.u32 $0x1C00, s15;
	v12 =	vsel vm7, $0x3F800000, v1;
	[tilespmem:$0x12100] =	vst v14  }
0xa8: {  	s8 =	sor.u32 s31, s8;
	v15 =	vmul.f32 v22, v20;
	v10 =	vadd.f32 v10, v13;
	v9 =	vadd.f32 v12, v9;
	[tilespmem:$0x12080] =	vst v11  }
0xa9: {  	v11 =	vsel vm5, $0x3F800000, v1;
	v14 =	vld [tilespmem:s8+$0x2100]  }
0xaa: {  	v12 =	vmul.f32 v27, v57;
	v10 =	vadd.f32 v15, v10;
	v9 =	vadd.f32 v11, v9;
	v11 =	vld [tilespmem:s8+$0x2080]  }
0xab: {  	v13 =	vsel vm4, $0x3F800000, v1;
	v16 =	vld [tilespmem:s8+$0xA400]  }
0xac: {  	v17 =	vld [tilespmem:s8+$0x2180];
	v15 =	vmul.f32 v19, v59;
	v10 =	vadd.f32 v12, v10;
	v9 =	vadd.f32 v13, v9  }
0xad: {  	v12 =	vld [tilespmem:s8+$0x2000];
	v13 =	vsel vm15, $0x3F800000, v1  }
0xae: {  	s7 =	simm.s32 $0x11480;
	v21 =	vld [tilespmem:s8+$0x2200];
	v15 =	vadd.f32 v15, v10;
	v10 =	vadd.f32 v13, v9;
	v9 =	vimm.f32 $0.0e+00  }
0xaf: {  	v13 =	vld [tilespmem:s7+$0x0];
	vm5 =	vge.f32 v14, $5.000000070e-02;
	vm4 =	vge.f32 v11, $5.000000070e-02;
	v11 =	vmin.f32 v11, $1.000000000e+00  }
0xb0: {  	v19 =	vnsel vm4, $0x0, v11;
	v11 =	vmin.f32 v14, $1.000000000e+00;
	v14 =	vsel vm5, $0x3F800000, v1  }
0xb1: {  	v18 =	vld [tilespmem:s8+$0xA480];
	v23 =	vsel vm4, $0x3F800000, v1;
	vm4 =	vge.f32 v17, $5.000000070e-02;
	v17 =	vmin.f32 v17, $1.000000000e+00  }
0xb2: {  	v22 =	vld [tilespmem:s8+$0xA500];
	vm6 =	vge.f32 v12, $5.000000070e-02;
	v20 =	vmin.f32 v12, $1.000000000e+00;
	v12 =	vnsel vm5, $0x0, v11  }
0xb3: {  	v62 =	vld [tilespmem:s8+$0xA580];
	vm5 =	vge.f32 v21, $5.000000070e-02;
	v11 =	vnsel vm6, $0x0, v20;
	v20 =	vsel vm6, $0x3F800000, v1  }
0xb4: {  	v16 =	vmul.f32 v11, v16;
	v20 =	vadd.f32 v20, v10;
	v13 =	vadd.f32 v11, v13  }
0xb5: {  	v63 =	vld [tilespmem:s8+$0x2280];
	v38 =	vsel vm5, $0x3F800000, v1;
	v10 =	vadd.f32 v11, v9;
	v11 =	vadd.f32 v19, v9  }
0xb6: {  	v15 =	vadd.f32 v16, v15;
	v16 =	vmul.f32 v19, v18;
	v18 =	vnsel vm4, $0x0, v17  }
0xb7: {  	v17 =	vld [tilespmem:s8+$0xA600];
	v13 =	vadd.f32 v19, v13;
	v19 =	vmin.f32 v21, $1.000000000e+00;
	v20 =	vadd.f32 v23, v20  }
0xb8: {  	v23 =	vld [tilespmem:s8+$0x2300];
	v21 =	vmul.f32 v18, v62;
	v15 =	vadd.f32 v16, v15;
	v16 =	vmul.f32 v12, v22  }
0xb9: {  	v19 =	vnsel vm5, $0x0, v19;
	v13 =	vadd.f32 v12, v13;
	v14 =	vadd.f32 v14, v20  }
0xba: {  	v22 =	vsel vm4, $0x3F800000, v1;
	vm4 =	vge.f32 v63, $5.000000070e-02;
	v15 =	vadd.f32 v16, v15  }
0xbb: {  	v20 =	vmin.f32 v63, $1.000000000e+00;
	v16 =	vld [tilespmem:s8+$0xA680];
	v13 =	vadd.f32 v18, v13;
	v41 =	vadd.f32 v22, v14  }
0xbc: {  	v14 =	vmul.f32 v19, v17;
	v15 =	vadd.f32 v21, v15;
	v21 =	vnsel vm4, $0x0, v20;
	v20 =	vld [tilespmem:s8+$0x2380]  }
0xbd: {  	v43 =	vld [tilespmem:s8+$0xA700];
	vm5 =	vge.f32 v23, $5.000000070e-02;
	v22 =	vadd.f32 v19, v13;
	v13 =	vmin.f32 v23, $1.000000000e+00  }
0xbe: {  	v17 =	vimm.f32 $0.0e+00;
	v40 =	vnsel vm5, $0x0, v13  }
0xbf: {  	v39 =	vld [tilespmem:s8+$0xA780];
	v13 =	vimm.f32 $0.0e+00;
	v42 =	vadd.f32 v14, v15;
	v15 =	vimm.f32 $0.0e+00  }
0xc0: {  	s9 =	simm.s32 $0x10;
	s8 =	simm.s32 $0x11480;
	v14 =	vimm.f32 $0.0e+00;
	v44 =	vmul.f32 v21, v16;
	v16 =	vimm.f32 $0.0e+00  }
.LBB2_7:
0xc1: {  	p1 =	sne.s32 s9, $0x3F0;
	v22 =	vadd.f32 v21, v22;
	v9 =	vadd.f32 v21, v9;
	vm6 =	vge.f32 v20, $5.000000070e-02;
	s15 =	sadd.s32 $0x80, s15;
	s7 =	sadd.s32 $0x10, s7  }
0xc2: {  	v21 =	vadd.f32 v38, v41;
	v20 =	vmin.f32 v20, $1.000000000e+00;
	s10 =	smov.u32 s9;
	s9 =	sadd.s32 $0x10, s9;
	v23 =	vmul.f32 v40, v43  }
0xc3: {  	v24 =	vsel vm4, $0x3F800000, v1;
	v20 =	vnsel vm6, $0x0, v20;
	v22 =	vadd.f32 v40, v22  }
0xc4: {  	v25 =	vadd.f32 v44, v42;
	v21 =	vadd.f32 v24, v21;
	v24 =	vmul.f32 v20, v39  }
0xc5: {  	v26 =	vsel vm5, $0x3F800000, v1;
	v13 =	vadd.f32 v40, v13;
	s10 =	sand.u32 $0x70, s10;
	s11 =	sand.u32 $0x1C00, s15;
	v22 =	vadd.f32 v20, v22  }
0xc6: {  	s10 =	sor.u32 s10, s11;
	v23 =	vadd.f32 v23, v25;
	v21 =	vadd.f32 v26, v21  }
0xc7: {  	v15 =	vadd.f32 v18, v15;
	v18 =	vsel vm6, $0x3F800000, v1;
	v14 =	vadd.f32 v20, v14;
	[tilespmem:s8+$0x0] =	vst v22;
	s8 =	smov.u32 s7  }
0xc8: {  	v16 =	vadd.f32 v19, v16;
	v18 =	vadd.f32 v18, v21;
	v20 =	vld [tilespmem:s10+$0x2080]  }
0xc9: {  	v17 =	vadd.f32 v12, v17;
	v21 =	vadd.f32 v24, v23;
	v19 =	vld [tilespmem:s10+$0x2100]  }
0xca: {  	v22 =	vld [tilespmem:s10+$0xA400]  }
0xcb: {  	v12 =	vld [tilespmem:s10+$0x2000]  }
0xcc: {  	v23 =	vld [tilespmem:s10+$0xA480]  }
0xcd: {  	v24 =	vld [tilespmem:s7+$0x0]  }
0xce: {  	vm4 =	vge.f32 v20, $5.000000070e-02;
	v20 =	vmin.f32 v20, $1.000000000e+00;
	vm5 =	vge.f32 v19, $5.000000070e-02;
	v25 =	vld [tilespmem:s10+$0x2180]  }
0xcf: {  	v20 =	vnsel vm4, $0x0, v20;
	v19 =	vmin.f32 v19, $1.000000000e+00;
	v26 =	vld [tilespmem:s10+$0xA500];
	v27 =	vsel vm5, $0x3F800000, v1  }
0xd0: {  	vm6 =	vge.f32 v12, $5.000000070e-02;
	v28 =	vmin.f32 v12, $1.000000000e+00;
	v12 =	vnsel vm5, $0x0, v19;
	v19 =	vld [tilespmem:s10+$0x2200]  }
0xd1: {  	v30 =	vsel vm4, $0x3F800000, v1;
	v28 =	vnsel vm6, $0x0, v28;
	v29 =	vsel vm6, $0x3F800000, v1;
	v31 =	vld [tilespmem:s10+$0xA580]  }
0xd2: {  	v22 =	vmul.f32 v28, v22;
	v29 =	vadd.f32 v29, v18;
	v24 =	vadd.f32 v28, v24  }
0xd3: {  	v10 =	vadd.f32 v28, v10;
	vm4 =	vge.f32 v25, $5.000000070e-02;
	v18 =	vmin.f32 v25, $1.000000000e+00;
	v25 =	vld [tilespmem:s10+$0x2280]  }
0xd4: {  	v11 =	vadd.f32 v20, v11;
	v21 =	vadd.f32 v22, v21;
	v22 =	vmul.f32 v20, v23;
	v23 =	vld [tilespmem:s10+$0xA600]  }
0xd5: {  	v18 =	vnsel vm4, $0x0, v18;
	vm5 =	vge.f32 v19, $5.000000070e-02;
	v19 =	vmin.f32 v19, $1.000000000e+00  }
0xd6: {  	v20 =	vadd.f32 v20, v24;
	v21 =	vadd.f32 v22, v21;
	v22 =	vmul.f32 v12, v26  }
0xd7: {  	v24 =	vadd.f32 v30, v29;
	v28 =	vsel vm4, $0x3F800000, v1;
	v26 =	vmul.f32 v18, v31;
	v29 =	vld [tilespmem:s10+$0x2300]  }
0xd8: {  	v21 =	vadd.f32 v22, v21;
	v22 =	vadd.f32 v12, v20;
	v30 =	vld [tilespmem:s10+$0xA680];
	vm4 =	vge.f32 v25, $5.000000070e-02  }
.Ltmp4:
0xd9: {  	v24 =	vadd.f32 v27, v24;
	v19 =	vnsel vm5, $0x0, v19;
	v25 =	vmin.f32 v25, $1.000000000e+00;
	v20 =	vld [tilespmem:s10+$0x2380];
	(pc) =	sbr.rel @p1 .LBB2_7-.Ltmp4, $4  }
0xda: {  	v38 =	vsel vm5, $0x3F800000, v1;
	v26 =	vadd.f32 v26, v21;
	v22 =	vadd.f32 v18, v22;
	v43 =	vld [tilespmem:s10+$0xA700]  }
0xdb: {  	v41 =	vadd.f32 v28, v24;
	v23 =	vmul.f32 v19, v23;
	v21 =	vnsel vm4, $0x0, v25  }
0xdc: {  	v22 =	vadd.f32 v19, v22;
	vm5 =	vge.f32 v29, $5.000000070e-02;
	v24 =	vmin.f32 v29, $1.000000000e+00;
	v39 =	vld [tilespmem:s10+$0xA780]  }
0xdd: {  	v42 =	vadd.f32 v23, v26;
	v44 =	vmul.f32 v21, v30;
	v40 =	vnsel vm5, $0x0, v24  }
0xde: {  	v22 =	vadd.f32 v21, v22;
	_ =	sdelay $0x1  }
0xdf: {  	vm6 =	vge.f32 v20, $5.000000070e-02;
	v20 =	vmin.f32 v20, $1.000000000e+00;
	v22 =	vadd.f32 v40, v22  }
0xe0: {  	v45 =	vnsel vm6, $0x0, v20  }
0xe1: {  	v20 =	vadd.f32 v45, v22;
	_ =	sdelay $0x1  }
0xe2: {  	[tilespmem:s8+$0x0] =	vst v20  }
0xe3: {  	v12 =	vadd.f32 v12, v17;
	[tilespmem:$0x12180] =	vst v10  }
0xe4: {  	v9 =	vadd.f32 v21, v9;
	[tilespmem:$0x12200] =	vst v11  }
0xe5: {  	v10 =	vadd.f32 v18, v15;
	[tilespmem:$0x12280] =	vst v12  }
0xe6: {  	v11 =	vadd.f32 v19, v16;
	[tilespmem:$0x12400] =	vst v9  }
0xe7: {  	[tilespmem:$0x12300] =	vst v10;
	v10 =	vadd.f32 v40, v13  }
0xe8: {  	[tilespmem:$0x12380] =	vst v11;
	v11 =	vadd.f32 v45, v14  }
0xe9: {  	[tilespmem:$0x12480] =	vst v10  }
0xea: {  	v27 =	vor.u32 $0x4, v0;
	[tilespmem:$0x12500] =	vst v11  }
0xeb: {  	v24 =	vor.u32 $0x5, v0;
	v33 =	vld.idx.msk [tilespmem:v0+s28+$0x0], $0xffff  }
0xec: {  	v22 =	vor.u32 $0x6, v0;
	v36 =	vld.idx.msk [tilespmem:v46+s28+$0x0], $0xffff  }
0xed: {  	v21 =	vor.u32 $0x7, v0;
	v37 =	vld.idx.msk [tilespmem:v47+s28+$0x0], $0xffff  }
0xee: {  	v20 =	vor.u32 $0x8, v0;
	v35 =	vld.idx.msk [tilespmem:v55+s28+$0x0], $0xffff  }
0xef: {  	v18 =	vor.u32 $0x9, v0;
	v34 =	vld.idx.msk [tilespmem:v27+s28+$0x0], $0xffff  }
0xf0: {  	v17 =	vor.u32 $0xA, v0;
	v32 =	vld.idx.msk [tilespmem:v24+s28+$0x0], $0xffff  }
0xf1: {  	v16 =	vor.u32 $0xB, v0;
	v31 =	vld.idx.msk [tilespmem:v22+s28+$0x0], $0xffff  }
0xf2: {  	s22 =	sshll.u32 s21, $0x1;
	v30 =	vld.idx.msk [tilespmem:v21+s28+$0x0], $0xffff  }
0xf3: {  	s7 =	smin.u32 s22, $0x1D;
	v12 =	vor.u32 $0xE, v0;
	v28 =	vld.idx.msk [tilespmem:v20+s28+$0x0], $0xffff  }
0xf4: {  	s7 =	sshll.u32 s7, $0x4;
	v14 =	vor.u32 $0xC, v0;
	v29 =	vld.idx.msk [tilespmem:v18+s28+$0x0], $0xffff  }
0xf5: {  	s7 =	sadd.s32 s7, s12;
	v13 =	vor.u32 $0xD, v0;
	v25 =	vld.idx.msk [tilespmem:v17+s28+$0x0], $0xffff  }
0xf6: {  	s13 =	sshll.u32 s7, $0xA;
	s7 =	sshrl.u32 s7, $0x3;
	v10 =	vor.u32 $0xF, v0;
	v26 =	vld.idx.msk [tilespmem:v16+s28+$0x0], $0xffff  }
0xf7: {  	s7 =	smul.u32 $0x2400, s7;
	v2 =	vld.idx.msk [tilespmem:v49+s18+$0x0], $0xffff  }
0xf8: {  	s8 =	sadd.s32 s5, s13;
	v15 =	vld.idx.msk [tilespmem:v12+s28+$0x0], $0xffff  }
0xf9: {  	s8 =	sshrl.u32 s8, $0x3;
	s7 =	sadd.s32 s6, s7;
	v23 =	vld.idx.msk [tilespmem:v14+s28+$0x0], $0xffff  }
0xfa: {  	s9 =	simm.s32 $0x0;
	s8 =	sadd.s32 s2, s8;
	s7 =	sshrl.u32 s7, $0x3;
	v19 =	vld.idx.msk [tilespmem:v13+s28+$0x0], $0xffff  }
0xfb: {  	v11 =	vld.idx.msk [tilespmem:v10+s28+$0x0], $0xffff;
	[tilespmem:s9], [sflag:$0x1] =	stream.linear.gather [hbm4b:s8+s9], $0x4000, $0x38  }
0xfc: {  	s7 =	sadd.s32 s1, s7;
	[tilespmem:$0x1FFF0] =	vst v2  }
0xfd: {  	[tilespmem:s18], [sflag:$0x3] =	stream.linear.gather [hbm4b:s7+s9], $0x4800, $0x38;
	[tilespmem:$0x12A10] =	vst v63  }
0xfe: {  	_ =	swait.ge [sflag:s29], $0x4000  }
0xff: {  	[sflag:s29] =	ssyncset.done $0x0  }
0x100: {  	[sflag:s29] =	ssyncadd.s32 $0xFFFFC000  }
0x101: {  	_ =	swait.ge [sflag:s30], $0x4800  }
0x102: {  	s15 =	sand.u32 $0x70, s9;
	s16 =	sand.u32 $0x1C00, s9;
	[sflag:s30] =	ssyncset.done $0x0  }
0x103: {  	s7 =	sor.u32 s15, s16;
	[sflag:s30] =	ssyncadd.s32 $0xFFFFB800  }
0x104: {  	v38 =	vadd.f32 v38, v41;
	v50 =	vld [tilespmem:s7+$0x4180]  }
0x105: {  	v9 =	vmov v49;
	v49 =	vsel vm4, $0x3F800000, v1;
	v56 =	vld [tilespmem:s7+$0x4100]  }
0x106: {  	v5 =	vmovc v55;
	v42 =	vadd.f32 v44, v42;
	v55 =	vmul.f32 v40, v43;
	v38 =	vadd.f32 v49, v38;
	v59 =	vld [tilespmem:s7+$0x4000]  }
0x107: {  	v58 =	vsel vm5, $0x3F800000, v1;
	v61 =	vld [tilespmem:s7+$0x4080]  }
0x108: {  	s17 =	simm.s32 $0x11480;
	v39 =	vmul.f32 v45, v39;
	v40 =	vadd.f32 v55, v42;
	v38 =	vadd.f32 v58, v38;
	v58 =	vld [tilespmem:s7+$0x4200]  }
0x109: {  	v53 =	vimm.f32 $0.0e+00;
	v60 =	vsel vm6, $0x3F800000, v1;
	v42 =	vld [tilespmem:s17+$0x0]  }
0x10a: {  	v39 =	vadd.f32 v39, v40;
	v38 =	vadd.f32 v60, v38;
	vm5 =	vge.f32 v50, $5.000000070e-02  }
0x10b: {  	v63 =	vmin.f32 v50, $1.000000000e+00;
	vm4 =	vge.f32 v56, $5.000000070e-02;
	v41 =	vmin.f32 v56, $1.000000000e+00  }
0x10c: {  	v62 =	vld [tilespmem:s7+$0xC800];
	vm13 =	vge.f32 v59, $5.000000070e-02;
	v44 =	vmin.f32 v59, $1.000000000e+00;
	vm7 =	vge.f32 v61, $5.000000070e-02  }
0x10d: {  	v57 =	vld [tilespmem:s7+$0xC880];
	v45 =	vmin.f32 v61, $1.000000000e+00;
	vm14 =	vge.f32 v58, $5.000000070e-02;
	v48 =	vnsel vm13, $0x0, v44  }
0x10e: {  	v4 =	vmovc v47;
	v51 =	vld [tilespmem:s7+$0xC980];
	v47 =	vsel vm5, $0x3F800000, v1;
	v54 =	vnsel vm4, $0x0, v41;
	v42 =	vadd.f32 v48, v42  }
0x10f: {  	v50 =	vld [tilespmem:s7+$0x4280];
	v61 =	vsel vm13, $0x3F800000, v1;
	v45 =	vnsel vm7, $0x0, v45;
	v55 =	vnsel vm5, $0x0, v63  }
0x110: {  	v59 =	vld [tilespmem:s7+$0xC900];
	v41 =	vmin.f32 v58, $1.000000000e+00;
	v63 =	vsel vm7, $0x3F800000, v1;
	v42 =	vadd.f32 v45, v42  }
0x111: {  	s9 =	sor.u32 s9, s9;
	v56 =	vsel vm4, $0x3F800000, v1;
	v40 =	vmul.f32 v48, v62;
	v43 =	vadd.f32 v61, v38  }
0x112: {  	v3 =	vmovc v46;
	s9 =	sor.u32 $0x380, s9;
	v46 =	vmul.f32 v45, v57;
	v38 =	vadd.f32 v45, v53;
	v62 =	vld [tilespmem:s7+$0x4300];
	v42 =	vadd.f32 v54, v42  }
0x113: {  	v52 =	vnsel vm14, $0x0, v41;
	v61 =	vld [tilespmem:s9+$0x4000];
	v51 =	vmul.f32 v55, v51;
	v39 =	vadd.f32 v40, v39  }
0x114: {  	v43 =	vadd.f32 v63, v43;
	vm15 =	vge.f32 v50, $5.000000070e-02;
	v42 =	vadd.f32 v55, v42  }
0x115: {  	v45 =	vld [tilespmem:s7+$0xCA00];
	v60 =	vmin.f32 v50, $1.000000000e+00;
	v44 =	vmul.f32 v54, v59;
	v59 =	vsel vm14, $0x3F800000, v1  }
0x116: {  	v39 =	vadd.f32 v46, v39;
	v46 =	vnsel vm15, $0x0, v60;
	v42 =	vadd.f32 v52, v42  }
0x117: {  	v41 =	vld [tilespmem:s7+$0xCA80];
	v43 =	vadd.f32 v56, v43;
	vm4 =	vge.f32 v62, $5.000000070e-02;
	v40 =	vmin.f32 v62, $1.000000000e+00  }
0x118: {  	vm5 =	vge.f32 v61, $5.000000070e-02;
	v39 =	vadd.f32 v44, v39;
	v42 =	vadd.f32 v46, v42  }
0x119: {  	v62 =	vld [tilespmem:s7+$0xCB00];
	v57 =	vmin.f32 v61, $1.000000000e+00;
	v40 =	vnsel vm4, $0x0, v40;
	v43 =	vadd.f32 v47, v43  }
0x11a: {  	v63 =	vmul.f32 v52, v45;
	v39 =	vadd.f32 v51, v39;
	v42 =	vadd.f32 v40, v42  }
0x11b: {  	v56 =	vld [tilespmem:s9+$0xC800];
	v58 =	vnsel vm5, $0x0, v57;
	v43 =	vadd.f32 v59, v43  }
0x11c: {  	s23 =	simm.s32 $0x10;
	s10 =	simm.s32 $0x80;
	v41 =	vmul.f32 v46, v41;
	v39 =	vadd.f32 v63, v39;
	v42 =	vadd.f32 v58, v42  }
0x11d: {  	s24 =	sand.u32 $0x70, s23;
	s11 =	sand.u32 $0x1C00, s10;
	v60 =	vsel vm15, $0x3F800000, v1;
	v44 =	vadd.f32 v58, v53;
	v45 =	vadd.f32 v46, v53  }
0x11e: {  	s31 =	simm.s32 $0x114A0;
	s7 =	sor.u32 s24, s11;
	v49 =	vmul.f32 v40, v62;
	v62 =	vadd.f32 v60, v43;
	v39 =	vadd.f32 v41, v39;
	[tilespmem:s17+$0x0] =	vst v42  }
0x11f: {  	s13 =	simm.s32 $0x20;
	s16 =	simm.s32 $0x11490;
	s9 =	sor.u32 s10, s23;
	v63 =	vsel vm4, $0x3F800000, v1;
	v43 =	vadd.f32 v52, v53;
	v41 =	vadd.f32 v40, v53;
	v46 =	vld [tilespmem:s7+$0xC800]  }
0x120: {  	s15 =	sand.u32 $0x70, s13;
	s8 =	sor.u32 $0x380, s9;
	s9 =	simm.s32 $0x100;
	v61 =	vmul.f32 v58, v56;
	v50 =	vadd.f32 v63, v62;
	v39 =	vadd.f32 v49, v39;
	v49 =	vld [tilespmem:s7+$0x4180]  }
0x121: {  	s10 =	simm.s32 $0x114A0;
	s13 =	sor.u32 s9, s13;
	v40 =	vadd.f32 v54, v53;
	v42 =	vadd.f32 v48, v53;
	s17 =	sand.u32 $0x1C00, s9;
	v48 =	vld [tilespmem:s7+$0xC880]  }
0x122: {  	s11 =	simm.s32 $0x30;
	s23 =	sor.u32 $0x380, s13;
	v52 =	vsel vm5, $0x3F800000, v1;
	v47 =	vadd.f32 v61, v39;
	v39 =	vadd.f32 v55, v53;
	s15 =	sor.u32 s15, s17;
	v51 =	vld [tilespmem:s7+$0x4100]  }
.LBB2_9:
0x123: {  	p1 =	sne.s32 s11, $0x3F0;
	s9 =	sadd.s32 $0x80, s9;
	s10 =	sadd.s32 $0x10, s10;
	v53 =	vld [tilespmem:s7+$0x4000];
	v50 =	vadd.f32 v52, v50  }
0x124: {  	s13 =	smov.u32 s11;
	s11 =	sadd.s32 $0x10, s11;
	v52 =	vld [tilespmem:s16+$0x0]  }
0x125: {  	v54 =	vld [tilespmem:s7+$0x4080];
	vm5 =	vge.f32 v49, $5.000000070e-02;
	v49 =	vmin.f32 v49, $1.000000000e+00  }
0x126: {  	s17 =	sand.u32 $0x70, s13;
	s24 =	sand.u32 $0x1C00, s9;
	v55 =	vld [tilespmem:s8+$0x4000]  }
0x127: {  	s17 =	sor.u32 s17, s24;
	v57 =	vsel vm5, $0x3F800000, v1;
	v56 =	vld [tilespmem:s7+$0xC900];
	vm4 =	vge.f32 v51, $5.000000070e-02;
	v51 =	vmin.f32 v51, $1.000000000e+00  }
0x128: {  	s13 =	sor.u32 s9, s13;
	vm6 =	vge.f32 v53, $5.000000070e-02;
	v53 =	vmin.f32 v53, $1.000000000e+00;
	v58 =	vnsel vm4, $0x0, v51;
	v51 =	vld [tilespmem:s7+$0x4200]  }
0x129: {  	s13 =	sor.u32 $0x380, s13;
	v61 =	vnsel vm5, $0x0, v49;
	v53 =	vnsel vm6, $0x0, v53;
	v59 =	vsel vm6, $0x3F800000, v1;
	v60 =	vld [tilespmem:s7+$0xC980]  }
0x12a: {  	v49 =	vadd.f32 v53, v52;
	vm5 =	vge.f32 v54, $5.000000070e-02;
	v52 =	vmin.f32 v54, $1.000000000e+00;
	v54 =	vld [tilespmem:s7+$0x4280]  }
0x12b: {  	v46 =	vmul.f32 v53, v46;
	v50 =	vadd.f32 v59, v50;
	v52 =	vnsel vm5, $0x0, v52;
	v59 =	vld [tilespmem:s7+$0xCA00]  }
0x12c: {  	v48 =	vmul.f32 v52, v48;
	v49 =	vadd.f32 v52, v49;
	v38 =	vadd.f32 v52, v38  }
0x12d: {  	v46 =	vadd.f32 v46, v47;
	vm6 =	vge.f32 v51, $5.000000070e-02;
	v47 =	vmin.f32 v51, $1.000000000e+00;
	v51 =	vld [tilespmem:s7+$0x4300]  }
0x12e: {  	v52 =	vsel vm5, $0x3F800000, v1;
	v49 =	vadd.f32 v58, v49;
	v47 =	vnsel vm6, $0x0, v47;
	v62 =	vld [tilespmem:s7+$0xCA80]  }
0x12f: {  	v46 =	vadd.f32 v48, v46;
	vm5 =	vge.f32 v54, $5.000000070e-02;
	v48 =	vmin.f32 v54, $1.000000000e+00;
	v54 =	vld [tilespmem:s7+$0xCB00];
	s7 =	smov.u32 s15;
	s15 =	smov.u32 s17  }
0x130: {  	v56 =	vmul.f32 v58, v56;
	v49 =	vadd.f32 v61, v49;
	v48 =	vnsel vm5, $0x0, v48  }
0x131: {  	v63 =	vsel vm4, $0x3F800000, v1;
	v60 =	vmul.f32 v61, v60;
	v59 =	vmul.f32 v47, v59  }
0x132: {  	v49 =	vadd.f32 v47, v49;
	vm4 =	vge.f32 v51, $5.000000070e-02;
	v51 =	vmin.f32 v51, $1.000000000e+00  }
0x133: {  	v50 =	vadd.f32 v52, v50;
	v46 =	vadd.f32 v56, v46;
	v51 =	vnsel vm4, $0x0, v51;
	v52 =	vld [tilespmem:s8+$0xC800];
	s8 =	smov.u32 s23;
	s23 =	smov.u32 s13  }
0x134: {  	v56 =	vmul.f32 v48, v62;
	v49 =	vadd.f32 v48, v49;
	v54 =	vmul.f32 v51, v54  }
0x135: {  	vm7 =	vge.f32 v55, $5.000000070e-02;
	v50 =	vadd.f32 v63, v50;
	v46 =	vadd.f32 v60, v46  }
0x136: {  	v55 =	vmin.f32 v55, $1.000000000e+00;
	v60 =	vsel vm6, $0x3F800000, v1;
	v49 =	vadd.f32 v51, v49  }
0x137: {  	v55 =	vnsel vm7, $0x0, v55;
	v50 =	vadd.f32 v57, v50;
	v46 =	vadd.f32 v59, v46  }
0x138: {  	v44 =	vadd.f32 v55, v44;
	v52 =	vmul.f32 v55, v52;
	v49 =	vadd.f32 v55, v49  }
0x139: {  	v50 =	vadd.f32 v60, v50;
	v55 =	vadd.f32 v56, v46;
	v56 =	vsel vm5, $0x3F800000, v1  }
.Ltmp5:
0x13a: {  	v45 =	vadd.f32 v48, v45;
	v41 =	vadd.f32 v51, v41;
	[tilespmem:s16+$0x0] =	vst v49;
	s16 =	smov.u32 s31;
	s31 =	smov.u32 s10;
	(pc) =	sbr.rel @p1 .LBB2_9-.Ltmp5, $4  }
0x13b: {  	v50 =	vadd.f32 v56, v50;
	v51 =	vadd.f32 v54, v55;
	v54 =	vsel vm4, $0x3F800000, v1;
	v46 =	vld [tilespmem:s7+$0xC800]  }
0x13c: {  	v42 =	vadd.f32 v53, v42;
	v43 =	vadd.f32 v47, v43;
	v49 =	vld [tilespmem:s7+$0x4180]  }
0x13d: {  	v50 =	vadd.f32 v54, v50;
	v47 =	vadd.f32 v52, v51;
	v52 =	vsel vm7, $0x3F800000, v1;
	v48 =	vld [tilespmem:s7+$0xC880]  }
0x13e: {  	v39 =	vadd.f32 v61, v39;
	v40 =	vadd.f32 v58, v40;
	v51 =	vld [tilespmem:s7+$0x4100]  }
0x13f: {  	v53 =	vld [tilespmem:s7+$0x4000]  }
0x140: {  	v54 =	vld [tilespmem:s16+$0x0]  }
0x141: {  	v55 =	vld [tilespmem:s7+$0x4080];
	_ =	sdelay $0x2  }
0x142: {  	vm4 =	vge.f32 v53, $5.000000070e-02;
	v53 =	vmin.f32 v53, $1.000000000e+00  }
0x143: {  	v53 =	vnsel vm4, $0x0, v53  }
0x144: {  	vm10 =	vge.f32 v55, $5.000000070e-02;
	v55 =	vmin.f32 v55, $1.000000000e+00;
	v54 =	vadd.f32 v53, v54  }
0x145: {  	v56 =	vld [tilespmem:s7+$0x4200];
	v55 =	vnsel vm10, $0x0, v55  }
0x146: {  	vm9 =	vge.f32 v51, $5.000000070e-02;
	v58 =	vmin.f32 v51, $1.000000000e+00;
	v54 =	vadd.f32 v55, v54  }
0x147: {  	v57 =	vld [tilespmem:s7+$0x4280];
	v51 =	vnsel vm9, $0x0, v58  }
0x148: {  	vm8 =	vge.f32 v49, $5.000000070e-02;
	v59 =	vmin.f32 v49, $1.000000000e+00;
	v54 =	vadd.f32 v51, v54  }
0x149: {  	v50 =	vadd.f32 v52, v50;
	v49 =	vnsel vm8, $0x0, v59;
	v58 =	vld [tilespmem:s7+$0x4300]  }
0x14a: {  	v52 =	vld [tilespmem:s8+$0x4000];
	vm7 =	vge.f32 v56, $5.000000070e-02;
	v56 =	vmin.f32 v56, $1.000000000e+00;
	v54 =	vadd.f32 v49, v54  }
0x14b: {  	v56 =	vnsel vm7, $0x0, v56  }
0x14c: {  	vm6 =	vge.f32 v57, $5.000000070e-02;
	v57 =	vmin.f32 v57, $1.000000000e+00;
	v54 =	vadd.f32 v56, v54  }
0x14d: {  	v59 =	vld [tilespmem:s7+$0xC900];
	v60 =	vsel vm4, $0x3F800000, v1;
	v57 =	vnsel vm6, $0x0, v57;
	v46 =	vmul.f32 v53, v46  }
0x14e: {  	vm5 =	vge.f32 v58, $5.000000070e-02;
	v58 =	vmin.f32 v58, $1.000000000e+00;
	v54 =	vadd.f32 v57, v54  }
0x14f: {  	v61 =	vld [tilespmem:s7+$0xC980];
	vm4 =	vge.f32 v52, $5.000000070e-02;
	v46 =	vadd.f32 v46, v47;
	v47 =	vnsel vm5, $0x0, v58  }
0x150: {  	v52 =	vmin.f32 v52, $1.000000000e+00;
	v48 =	vmul.f32 v55, v48;
	v54 =	vadd.f32 v47, v54  }
0x151: {  	v62 =	vld [tilespmem:s7+$0xCA80];
	v50 =	vadd.f32 v60, v50;
	v60 =	vsel vm10, $0x3F800000, v1;
	v52 =	vnsel vm4, $0x0, v52  }
0x152: {  	v59 =	vmul.f32 v51, v59;
	v58 =	vld [tilespmem:s7+$0xCA00];
	v46 =	vadd.f32 v48, v46;
	v54 =	vadd.f32 v52, v54  }
0x153: {  	v50 =	vadd.f32 v60, v50;
	v60 =	vld [tilespmem:s8+$0xC800]  }
0x154: {  	v63 =	vsel vm9, $0x3F800000, v1;
	v61 =	vmul.f32 v49, v61;
	v48 =	vld [tilespmem:s7+$0xCB00];
	v46 =	vadd.f32 v59, v46;
	[tilespmem:s16+$0x0] =	vst v54  }
0x155: {  	v50 =	vadd.f32 v63, v50;
	v54 =	vld [tilespmem:s15+$0x4000]  }
0x156: {  	v38 =	vadd.f32 v55, v38;
	v59 =	vsel vm8, $0x3F800000, v1;
	v46 =	vadd.f32 v61, v46;
	v61 =	vld [tilespmem:s31+$0x0]  }
0x157: {  	v45 =	vadd.f32 v57, v45;
	v50 =	vadd.f32 v59, v50;
	v58 =	vmul.f32 v56, v58;
	v59 =	vld [tilespmem:s15+$0x4080]  }
0x158: {  	v44 =	vadd.f32 v52, v44;
	v55 =	vmul.f32 v57, v62;
	v62 =	vsel vm7, $0x3F800000, v1  }
0x159: {  	v41 =	vadd.f32 v47, v41;
	v46 =	vadd.f32 v58, v46;
	v58 =	vmul.f32 v52, v60;
	v52 =	vld [tilespmem:s15+$0x4100]  }
0x15a: {  	v50 =	vadd.f32 v62, v50;
	vm12 =	vge.f32 v54, $5.000000070e-02;
	v54 =	vmin.f32 v54, $1.000000000e+00  }
0x15b: {  	v46 =	vadd.f32 v55, v46;
	v55 =	vsel vm6, $0x3F800000, v1;
	v57 =	vld [tilespmem:s15+$0x4180];
	v54 =	vnsel vm12, $0x0, v54  }
0x15c: {  	vm13 =	vge.f32 v59, $5.000000070e-02;
	v59 =	vmin.f32 v59, $1.000000000e+00;
	v60 =	vadd.f32 v54, v61  }
0x15d: {  	v48 =	vmul.f32 v47, v48;
	v47 =	vadd.f32 v55, v50;
	v50 =	vld [tilespmem:s15+$0x4200];
	v55 =	vnsel vm13, $0x0, v59  }
0x15e: {  	vm14 =	vge.f32 v52, $5.000000070e-02;
	v52 =	vmin.f32 v52, $1.000000000e+00;
	v59 =	vadd.f32 v55, v60  }
0x15f: {  	v42 =	vadd.f32 v53, v42;
	v43 =	vadd.f32 v56, v43;
	v52 =	vnsel vm14, $0x0, v52;
	v60 =	vld [tilespmem:s15+$0x4280]  }
0x160: {  	vm6 =	vge.f32 v57, $5.000000070e-02;
	v57 =	vmin.f32 v57, $1.000000000e+00;
	v59 =	vadd.f32 v52, v59  }
0x161: {  	v46 =	vadd.f32 v48, v46;
	v48 =	vsel vm5, $0x3F800000, v1;
	v56 =	vld [tilespmem:s15+$0x4300];
	v53 =	vnsel vm6, $0x0, v57  }
0x162: {  	vm7 =	vge.f32 v50, $5.000000070e-02;
	v50 =	vmin.f32 v50, $1.000000000e+00;
	v59 =	vadd.f32 v53, v59  }
0x163: {  	v47 =	vadd.f32 v48, v47;
	v46 =	vadd.f32 v58, v46;
	v48 =	vld [tilespmem:s23+$0x4000];
	v50 =	vnsel vm7, $0x0, v50  }
0x164: {  	v57 =	vld [tilespmem:s15+$0xC800];
	vm5 =	vge.f32 v60, $5.000000070e-02;
	v58 =	vmin.f32 v60, $1.000000000e+00;
	v59 =	vadd.f32 v50, v59  }
0x165: {  	v40 =	vadd.f32 v51, v40;
	v61 =	vsel vm4, $0x3F800000, v1;
	v51 =	vnsel vm5, $0x0, v58  }
0x166: {  	v63 =	vld [tilespmem:s15+$0xC980];
	vm4 =	vge.f32 v56, $5.000000070e-02;
	v56 =	vmin.f32 v56, $1.000000000e+00;
	v59 =	vadd.f32 v51, v59  }
0x167: {  	v39 =	vadd.f32 v49, v39;
	v2 =	vld [tilespmem:s15+$0xCA00];
	v56 =	vnsel vm4, $0x0, v56  }
0x168: {  	v49 =	vld [tilespmem:s15+$0xCA80];
	vm15 =	vge.f32 v48, $5.000000070e-02;
	v48 =	vmin.f32 v48, $1.000000000e+00;
	v59 =	vadd.f32 v56, v59  }
0x169: {  	v48 =	vnsel vm15, $0x0, v48;
	v42 =	vadd.f32 v54, v42;
	v57 =	vmul.f32 v54, v57;
	v54 =	vld [tilespmem:s23+$0xC800]  }
0x16a: {  	v60 =	vld [tilespmem:s15+$0xC880];
	v59 =	vadd.f32 v48, v59  }
0x16b: {  	v46 =	vadd.f32 v57, v46;
	v57 =	vld [tilespmem:s15+$0xCB00]  }
0x16c: {  	v38 =	vadd.f32 v55, v38;
	v47 =	vadd.f32 v61, v47;
	v58 =	vld [tilespmem:s15+$0xC900];
	[tilespmem:s31+$0x0] =	vst v59  }
0x16d: {  	v62 =	vsel vm12, $0x3F800000, v1;
	v40 =	vadd.f32 v52, v40;
	[tilespmem:$0x11D80] =	vst v42  }
0x16e: {  	v39 =	vadd.f32 v53, v39;
	v47 =	vadd.f32 v62, v47;
	[tilespmem:$0x11E00] =	vst v38  }
0x16f: {  	v43 =	vadd.f32 v50, v43;
	v61 =	vsel vm13, $0x3F800000, v1;
	v60 =	vmul.f32 v55, v60;
	[tilespmem:$0x11E80] =	vst v40  }
0x170: {  	v47 =	vadd.f32 v61, v47;
	v45 =	vadd.f32 v51, v45;
	[tilespmem:$0x11F00] =	vst v39  }
0x171: {  	v61 =	vadd.f32 v56, v41;
	v46 =	vadd.f32 v60, v46;
	[tilespmem:$0x11F80] =	vst v43  }
0x172: {  	s15 =	simm.s32 $0x0;
	v60 =	vmul.f32 v52, v58;
	v52 =	vmul.f32 v53, v63;
	v63 =	vadd.f32 v48, v44;
	[tilespmem:$0x12000] =	vst v45  }
0x173: {  	s24 =	sand.u32 $0x70, s15;
	s31 =	sand.u32 $0x1C00, s15;
	[tilespmem:$0x12080] =	vst v61  }
0x174: {  	v62 =	vsel vm14, $0x3F800000, v1;
	v46 =	vadd.f32 v60, v46;
	[tilespmem:$0x12100] =	vst v63;
	s8 =	sor.u32 s24, s31  }
0x175: {  	v2 =	vmul.f32 v50, v2;
	v59 =	vadd.f32 v62, v47;
	v50 =	vld [tilespmem:s8+$0x6080]  }
0x176: {  	v60 =	vsel vm6, $0x3F800000, v1;
	v42 =	vadd.f32 v52, v46;
	v52 =	vld [tilespmem:s8+$0x6100]  }
0x177: {  	v53 =	vmul.f32 v48, v54;
	v38 =	vadd.f32 v60, v59;
	v54 =	vld [tilespmem:s8+$0x6000]  }
0x178: {  	v62 =	vsel vm7, $0x3F800000, v1;
	v46 =	vmul.f32 v51, v49;
	v49 =	vmul.f32 v56, v57;
	v56 =	vld [tilespmem:s8+$0x6180]  }
0x179: {  	v2 =	vadd.f32 v2, v42;
	v38 =	vadd.f32 v62, v38  }
0x17a: {  	s7 =	simm.s32 $0x11480;
	v55 =	vsel vm15, $0x3F800000, v1;
	v47 =	vsel vm5, $0x3F800000, v1;
	v51 =	vsel vm4, $0x3F800000, v1;
	v44 =	vld [tilespmem:s8+$0xEC00]  }
0x17b: {  	v45 =	vld [tilespmem:s7+$0x0];
	v2 =	vadd.f32 v46, v2;
	v38 =	vadd.f32 v47, v38;
	vm4 =	vge.f32 v50, $5.000000070e-02  }
0x17c: {  	v57 =	vld [tilespmem:s8+$0xEC80];
	v39 =	vmin.f32 v50, $1.000000000e+00;
	vm5 =	vge.f32 v52, $5.000000070e-02;
	v58 =	vmin.f32 v52, $1.000000000e+00  }
0x17d: {  	vm6 =	vge.f32 v54, $5.000000070e-02;
	v40 =	vmin.f32 v54, $1.000000000e+00;
	v46 =	vmin.f32 v56, $1.000000000e+00  }
0x17e: {  	v2 =	vadd.f32 v49, v2;
	v38 =	vadd.f32 v51, v38;
	v48 =	vnsel vm4, $0x0, v39  }
0x17f: {  	v59 =	vld [tilespmem:s8+$0xED00];
	v42 =	vsel vm5, $0x3F800000, v1;
	v41 =	vnsel vm5, $0x0, v58;
	v60 =	vnsel vm6, $0x0, v40  }
0x180: {  	v61 =	vsel vm6, $0x3F800000, v1;
	v62 =	vsel vm4, $0x3F800000, v1;
	vm4 =	vge.f32 v56, $5.000000070e-02  }
0x181: {  	v49 =	vld [tilespmem:s8+$0x6200];
	v44 =	vmul.f32 v60, v44;
	v45 =	vadd.f32 v60, v45;
	v56 =	vmul.f32 v48, v57  }
0x182: {  	v47 =	vnsel vm4, $0x0, v46;
	v43 =	vadd.f32 v55, v38;
	v38 =	vimm.f32 $0.0e+00  }
0x183: {  	v63 =	vld [tilespmem:s8+$0xED80];
	v46 =	vimm.f32 $0.0e+00;
	v2 =	vadd.f32 v53, v2;
	v39 =	vadd.f32 v60, v38  }
0x184: {  	v53 =	vld [tilespmem:s8+$0x6280];
	v40 =	vadd.f32 v48, v38;
	v58 =	vadd.f32 v48, v45;
	v60 =	vmul.f32 v41, v59  }
0x185: {  	v59 =	vsel vm4, $0x3F800000, v1;
	v43 =	vadd.f32 v61, v43;
	v2 =	vadd.f32 v44, v2  }
0x186: {  	v45 =	vimm.f32 $0.0e+00;
	vm5 =	vge.f32 v49, $5.000000070e-02;
	v44 =	vadd.f32 v41, v58  }
0x187: {  	v57 =	vld [tilespmem:s8+$0xEE00];
	v61 =	vmin.f32 v49, $1.000000000e+00;
	v2 =	vadd.f32 v56, v2;
	v43 =	vadd.f32 v62, v43  }
0x188: {  	v62 =	vmul.f32 v47, v63;
	v63 =	vld [tilespmem:s8+$0x6300];
	v55 =	vnsel vm5, $0x0, v61;
	v49 =	vsel vm5, $0x3F800000, v1  }
0x189: {  	vm4 =	vge.f32 v53, $5.000000070e-02;
	v44 =	vadd.f32 v47, v44;
	v2 =	vadd.f32 v60, v2;
	v60 =	vld [tilespmem:s8+$0xEE80]  }
0x18a: {  	v56 =	vld [tilespmem:s8+$0x6380];
	v61 =	vmin.f32 v53, $1.000000000e+00;
	v42 =	vadd.f32 v42, v43;
	v43 =	vimm.f32 $0.0e+00  }
0x18b: {  	v52 =	vld [tilespmem:s8+$0xEF00];
	v58 =	vadd.f32 v55, v44;
	v44 =	vimm.f32 $0.0e+00;
	v2 =	vadd.f32 v62, v2  }
0x18c: {  	v54 =	vadd.f32 v59, v42;
	v62 =	vmul.f32 v55, v57;
	v57 =	vnsel vm4, $0x0, v61  }
0x18d: {  	v48 =	vld [tilespmem:s8+$0xEF80];
	v42 =	vimm.f32 $0.0e+00;
	vm5 =	vge.f32 v63, $5.000000070e-02;
	v63 =	vmin.f32 v63, $1.000000000e+00  }
0x18e: {  	s9 =	simm.s32 $0x10;
	s8 =	simm.s32 $0x11480;
	v51 =	vadd.f32 v62, v2;
	v50 =	vnsel vm5, $0x0, v63;
	v53 =	vmul.f32 v57, v60  }
.LBB2_11:
0x18f: {  	p1 =	sne.s32 s9, $0x3F0;
	v2 =	vadd.f32 v57, v58;
	v38 =	vadd.f32 v57, v38;
	vm6 =	vge.f32 v56, $5.000000070e-02;
	s15 =	sadd.s32 $0x80, s15;
	s7 =	sadd.s32 $0x10, s7  }
0x190: {  	v49 =	vadd.f32 v49, v54;
	v54 =	vmin.f32 v56, $1.000000000e+00;
	s10 =	smov.u32 s9;
	s9 =	sadd.s32 $0x10, s9;
	v52 =	vmul.f32 v50, v52  }
0x191: {  	v56 =	vsel vm4, $0x3F800000, v1;
	v54 =	vnsel vm6, $0x0, v54;
	v2 =	vadd.f32 v50, v2  }
0x192: {  	v51 =	vadd.f32 v53, v51;
	v49 =	vadd.f32 v56, v49;
	v48 =	vmul.f32 v54, v48  }
0x193: {  	v42 =	vadd.f32 v50, v42;
	s10 =	sand.u32 $0x70, s10;
	s11 =	sand.u32 $0x1C00, s15;
	v53 =	vsel vm5, $0x3F800000, v1;
	v2 =	vadd.f32 v54, v2  }
0x194: {  	s10 =	sor.u32 s10, s11;
	v50 =	vadd.f32 v52, v51;
	v49 =	vadd.f32 v53, v49  }
0x195: {  	v44 =	vadd.f32 v47, v44;
	v47 =	vsel vm6, $0x3F800000, v1;
	v43 =	vadd.f32 v54, v43;
	[tilespmem:s8+$0x0] =	vst v2;
	s8 =	smov.u32 s7  }
0x196: {  	v45 =	vadd.f32 v55, v45;
	v47 =	vadd.f32 v47, v49;
	v2 =	vld [tilespmem:s10+$0x6080]  }
0x197: {  	v46 =	vadd.f32 v41, v46;
	v48 =	vadd.f32 v48, v50;
	v49 =	vld [tilespmem:s10+$0x6100]  }
0x198: {  	v50 =	vld [tilespmem:s10+$0xEC00]  }
0x199: {  	v41 =	vld [tilespmem:s10+$0x6000]  }
0x19a: {  	v51 =	vld [tilespmem:s10+$0xEC80]  }
0x19b: {  	v52 =	vld [tilespmem:s7+$0x0]  }
0x19c: {  	vm4 =	vge.f32 v2, $5.000000070e-02;
	v2 =	vmin.f32 v2, $1.000000000e+00;
	vm5 =	vge.f32 v49, $5.000000070e-02;
	v53 =	vld [tilespmem:s10+$0x6180]  }
0x19d: {  	v2 =	vnsel vm4, $0x0, v2;
	v49 =	vmin.f32 v49, $1.000000000e+00;
	v54 =	vld [tilespmem:s10+$0xED00];
	v55 =	vsel vm5, $0x3F800000, v1  }
0x19e: {  	vm6 =	vge.f32 v41, $5.000000070e-02;
	v56 =	vmin.f32 v41, $1.000000000e+00;
	v41 =	vnsel vm5, $0x0, v49;
	v49 =	vld [tilespmem:s10+$0x6200]  }
0x19f: {  	v58 =	vsel vm4, $0x3F800000, v1;
	v56 =	vnsel vm6, $0x0, v56;
	v57 =	vsel vm6, $0x3F800000, v1;
	v59 =	vld [tilespmem:s10+$0xED80]  }
0x1a0: {  	v50 =	vmul.f32 v56, v50;
	v57 =	vadd.f32 v57, v47;
	v52 =	vadd.f32 v56, v52  }
0x1a1: {  	v39 =	vadd.f32 v56, v39;
	vm4 =	vge.f32 v53, $5.000000070e-02;
	v47 =	vmin.f32 v53, $1.000000000e+00;
	v53 =	vld [tilespmem:s10+$0x6280]  }
0x1a2: {  	v40 =	vadd.f32 v2, v40;
	v48 =	vadd.f32 v50, v48;
	v50 =	vmul.f32 v2, v51;
	v51 =	vld [tilespmem:s10+$0xEE00]  }
0x1a3: {  	v47 =	vnsel vm4, $0x0, v47;
	vm5 =	vge.f32 v49, $5.000000070e-02;
	v49 =	vmin.f32 v49, $1.000000000e+00  }
0x1a4: {  	v2 =	vadd.f32 v2, v52;
	v48 =	vadd.f32 v50, v48;
	v50 =	vmul.f32 v41, v54  }
0x1a5: {  	v52 =	vadd.f32 v58, v57;
	v57 =	vsel vm4, $0x3F800000, v1;
	v54 =	vmul.f32 v47, v59;
	v59 =	vld [tilespmem:s10+$0x6300]  }
0x1a6: {  	v2 =	vadd.f32 v41, v2;
	v48 =	vadd.f32 v50, v48;
	v50 =	vld [tilespmem:s10+$0xEE80];
	vm4 =	vge.f32 v53, $5.000000070e-02  }
.Ltmp6:
0x1a7: {  	v58 =	vadd.f32 v55, v52;
	v55 =	vnsel vm5, $0x0, v49;
	v53 =	vmin.f32 v53, $1.000000000e+00;
	v56 =	vld [tilespmem:s10+$0x6380];
	(pc) =	sbr.rel @p1 .LBB2_11-.Ltmp6, $4  }
0x1a8: {  	v49 =	vsel vm5, $0x3F800000, v1;
	v2 =	vadd.f32 v47, v2;
	v60 =	vadd.f32 v54, v48;
	v52 =	vld [tilespmem:s10+$0xEF00]  }
0x1a9: {  	v51 =	vmul.f32 v55, v51;
	v54 =	vadd.f32 v57, v58;
	v57 =	vnsel vm4, $0x0, v53  }
0x1aa: {  	v58 =	vadd.f32 v55, v2;
	vm5 =	vge.f32 v59, $5.000000070e-02;
	v2 =	vmin.f32 v59, $1.000000000e+00;
	v48 =	vld [tilespmem:s10+$0xEF80]  }
0x1ab: {  	v51 =	vadd.f32 v51, v60;
	v53 =	vmul.f32 v57, v50;
	v50 =	vnsel vm5, $0x0, v2  }
0x1ac: {  	v2 =	vadd.f32 v57, v58;
	_ =	sdelay $0x1  }
0x1ad: {  	vm6 =	vge.f32 v56, $5.000000070e-02;
	v63 =	vmin.f32 v56, $1.000000000e+00;
	v2 =	vadd.f32 v50, v2  }
0x1ae: {  	v56 =	vnsel vm6, $0x0, v63  }
0x1af: {  	v2 =	vadd.f32 v56, v2;
	_ =	sdelay $0x1  }
0x1b0: {  	[tilespmem:s8+$0x0] =	vst v2  }
0x1b1: {  	v59 =	vadd.f32 v47, v44;
	[tilespmem:$0x12180] =	vst v39  }
0x1b2: {  	v60 =	vadd.f32 v55, v45;
	[tilespmem:$0x12200] =	vst v40  }
0x1b3: {  	v61 =	vadd.f32 v50, v42;
	[tilespmem:$0x12300] =	vst v59  }
0x1b4: {  	v2 =	vadd.f32 v41, v46;
	[tilespmem:$0x12380] =	vst v60  }
0x1b5: {  	v62 =	vadd.f32 v56, v43;
	[tilespmem:$0x12480] =	vst v61  }
0x1b6: {  	[tilespmem:$0x12280] =	vst v2;
	v2 =	vadd.f32 v57, v38  }
0x1b7: {  	[tilespmem:$0x12500] =	vst v62  }
0x1b8: {  	[tilespmem:$0x12400] =	vst v2  }
0x1b9: {  	v2 =	vld.idx.msk [tilespmem:v0+s28+$0x0], $0xffff  }
0x1ba: {  	v38 =	vld.idx.msk [tilespmem:v3+s28+$0x0], $0xffff;
	_ =	sdelay $0x1  }
0x1bb: {  	v33 =	vadd.f32 v36, v33;
	v39 =	vld.idx.msk [tilespmem:v4+s28+$0x0], $0xffff;
	_ =	sdelay $0x1  }
0x1bc: {  	v33 =	vadd.f32 v37, v33;
	v63 =	vld.idx.msk [tilespmem:v5+s28+$0x0], $0xffff  }
0x1bd: {  	v2 =	vadd.f32 v38, v2  }
0x1be: {  	v33 =	vadd.f32 v35, v33;
	v27 =	vld.idx.msk [tilespmem:v27+s28+$0x0], $0xffff  }
0x1bf: {  	v2 =	vadd.f32 v39, v2  }
0x1c0: {  	v33 =	vadd.f32 v34, v33;
	v24 =	vld.idx.msk [tilespmem:v24+s28+$0x0], $0xffff  }
0x1c1: {  	v2 =	vadd.f32 v63, v2  }
0x1c2: {  	v32 =	vadd.f32 v32, v33;
	v22 =	vld.idx.msk [tilespmem:v22+s28+$0x0], $0xffff  }
0x1c3: {  	v2 =	vadd.f32 v27, v2  }
0x1c4: {  	v37 =	vadd.f32 v31, v32;
	v21 =	vld.idx.msk [tilespmem:v21+s28+$0x0], $0xffff  }
0x1c5: {  	v2 =	vadd.f32 v24, v2  }
0x1c6: {  	v20 =	vld.idx.msk [tilespmem:v20+s28+$0x0], $0xffff;
	v38 =	vadd.f32 v30, v37  }
0x1c7: {  	v2 =	vadd.f32 v22, v2  }
0x1c8: {  	v18 =	vld.idx.msk [tilespmem:v18+s28+$0x0], $0xffff;
	v39 =	vadd.f32 v28, v38  }
0x1c9: {  	v2 =	vadd.f32 v21, v2  }
0x1ca: {  	v17 =	vld.idx.msk [tilespmem:v17+s28+$0x0], $0xffff;
	v40 =	vadd.f32 v29, v39  }
0x1cb: {  	v2 =	vadd.f32 v20, v2  }
0x1cc: {  	v16 =	vld.idx.msk [tilespmem:v16+s28+$0x0], $0xffff;
	v41 =	vadd.f32 v25, v40  }
0x1cd: {  	v2 =	vadd.f32 v18, v2  }
0x1ce: {  	v14 =	vld.idx.msk [tilespmem:v14+s28+$0x0], $0xffff;
	v42 =	vadd.f32 v26, v41  }
0x1cf: {  	v2 =	vadd.f32 v17, v2  }
0x1d0: {  	v13 =	vld.idx.msk [tilespmem:v13+s28+$0x0], $0xffff;
	v43 =	vadd.f32 v23, v42  }
0x1d1: {  	v2 =	vadd.f32 v16, v2  }
0x1d2: {  	v12 =	vld.idx.msk [tilespmem:v12+s28+$0x0], $0xffff;
	v44 =	vadd.f32 v19, v43  }
0x1d3: {  	v2 =	vadd.f32 v14, v2  }
0x1d4: {  	v10 =	vld.idx.msk [tilespmem:v10+s28+$0x0], $0xffff;
	v45 =	vadd.f32 v15, v44  }
0x1d5: {  	s7 =	smin.u32 s22, $0x1C;
	v46 =	vmov v3;
	v3 =	vld [tilespmem:$0x1FFF0];
	v2 =	vadd.f32 v13, v2  }
0x1d6: {  	s7 =	sshll.u32 s7, $0x4;
	v11 =	vadd.f32 v11, v45  }
0x1d7: {  	s7 =	sadd.s32 s7, s14;
	v59 =	vmul.f32 v50, v52;
	v2 =	vadd.f32 v12, v2  }
0x1d8: {  	s31 =	sshll.u32 s7, $0xA;
	s7 =	sshrl.u32 s7, $0x3;
	v60 =	vsel vm4, $0x3F800000, v1;
	v57 =	vadd.f32 v49, v54;
	v58 =	vld.idx.msk [tilespmem:v9+s20+$0x0], $0xffff;
	vm4 =	vle.f32 v11, $1.000000050e-03  }
0x1d9: {  	s21 =	sadd.s32 $0x1, s21;
	s7 =	smul.u32 $0x2400, s7;
	v61 =	vadd.f32 v53, v51;
	v62 =	vsel vm4, $0x3F800000, v1;
	v2 =	vadd.f32 v10, v2  }
0x1da: {  	p1 =	sne.s32 s21, $0x10;
	s8 =	sadd.s32 s5, s31;
	v49 =	vmovc v9;
	v11 =	vsel vm5, $0x3F800000, v1;
	v9 =	vmul.f32 v62, v3;
	v13 =	vadd.f32 v60, v57  }
.Ltmp7:
0x1db: {  	s7 =	sadd.s32 s6, s7;
	s8 =	sshrl.u32 s8, $0x3;
	v8 =	vadd.f32 v62, v8;
	v14 =	vadd.f32 v59, v61;
	vm4 =	vle.f32 v2, $1.000000050e-03;
	(pc) =	sbr.rel @p1 .LBB2_4-.Ltmp7, $4  }
0x1dc: {  	s7 =	sshrl.u32 s7, $0x3;
	s8 =	sadd.s32 s2, s8;
	v10 =	vmul.f32 v56, v48;
	v2 =	vadd.f32 v11, v13;
	v63 =	vsel vm4, $0x3F800000, v1  }
0x1dd: {  	[tilespmem:s19], [sflag:$0x2] =	stream.linear.gather [hbm4b:s8+s3], $0x4000, $0x38;
	v7 =	vadd.f32 v9, v7;
	v11 =	vsel vm6, $0x3F800000, v1;
	v12 =	vmul.f32 v63, v58;
	[tilespmem:$0x12A10] =	vst v63  }
0x1de: {  	s7 =	sadd.s32 s1, s7;
	v10 =	vadd.f32 v10, v14;
	v9 =	vadd.f32 v11, v2  }
0x1df: {  	v47 =	vmovc v4;
	v55 =	vmov v5;
	[tilespmem:s20], [sflag:$0x4] =	stream.linear.gather [hbm4b:s7+s3], $0x4800, $0x38;
	v8 =	vadd.f32 v63, v8;
	v7 =	vadd.f32 v12, v7;
	[tilespmem:$0x12A10] =	vst v63  }
0x1e0: {  	_ =	swait.ge [sflag:s25], $0x4000  }
0x1e1: {  	[sflag:s25] =	ssyncset.done $0x0  }
0x1e2: {  	[sflag:s25] =	ssyncadd.s32 $0xFFFFC000  }
0x1e3: {  	_ =	swait.ge [sflag:s26], $0x4800  }
0x1e4: {  	[sflag:s26] =	ssyncset.done $0x0  }
0x1e5: {  	[sflag:s26] =	ssyncadd.s32 $0xFFFFB800  }
0x1e6: {  	_ =	swait.ge [sflag:s29], $0x4000  }
0x1e7: {  	[sflag:s29] =	ssyncset.done $0x0  }
0x1e8: {  	[sflag:s29] =	ssyncadd.s32 $0xFFFFC000  }
0x1e9: {  	_ =	swait.ge [sflag:s30], $0x4800  }
0x1ea: {  	(xrf2) =	vadd.scan.msk.f32 $0xffff, v10  }
0x1eb: {  	(xrf2) =	vadd.scan.msk.f32 $0xffff, v9  }
0x1ec: {  	(xrf2) =	vadd.scan.msk.f32 $0xffff, v8  }
0x1ed: {  	(xrf2) =	vadd.scan.msk.f32 $0xffff, v7;
	_ =	sdelay $0x6  }
0x1ee: {  	v2, _, _ =	vpop (xrf2)  }
0x1ef: {  	v7, _, _ =	vpop (xrf2)  }
0x1f0: {  	v8, _, _ =	vpop (xrf2)  }
0x1f1: {  	v6, _, _ =	vpop (xrf2)  }
0x1f2: {  	v6 =	vbroadcast v6, $0xF  }
0x1f3: {  	v9 =	vbroadcast v8, $0xF  }
0x1f4: {  	v8 =	vbroadcast v7, $0xF;
	v10 =	vnsel vm0, $0x0, v6  }
0x1f5: {  	v7 =	vbroadcast v2, $0xF;
	v2 =	vsel vm1, v10, v9  }
0x1f6: {  	[sflag:s30] =	ssyncset.done $0x0;
	v2 =	vsel vm2, v2, v8  }
0x1f7: {  	[sflag:s30] =	ssyncadd.s32 $0xFFFFB800;
	v2 =	vsel vm3, v2, v7  }
0x1f8: {  	s7 =	simm.s32 $0x11480;
	s10 =	simm.s32 $0x5;
	s4 =	rddreg [dreg:$0x9];
	[tilespmem:$0x11880] =	vst v2  }
0x1f9: {  	[spmem:s4] =	stream.linear.scatter [tilespmem:s7], [sflag:$0x5], $0x480, $0x38;
	[tilespmem:$0x12A10] =	vst v63  }
.Ltmp8:
0x1fa: {  	_ =	swait.ge [sflag:s10], $0x480;
	(pc) =	sbr.rel @p0 .LBB2_17-.Ltmp8, $3  }
0x1fb: {  	[sflag:s10] =	ssyncset.done $0x0  }
0x1fc: {  	[sflag:s10] =	ssyncadd.s32 $0xFFFFFB80  }
0x1fd: {  	[bflag:$0x0] =	sbarrier.arrive $0xFFFF;
	_ =	sdelay $0x1  }
0x1fe: {  	s4 =	rddreg [dreg:$0xa];
	s7 =	simm.s32 $0x11900  }
0x1ff: {  	[tilespmem:s7], [sflag:$0x5] =	stream.linear.gather [spmem:s4], $0x480, $0x38;
	[tilespmem:$0x12A10] =	vst v63  }
0x200: {  	_ =	swait.ge [sflag:s10], $0x480  }
0x201: {  	[sflag:s10] =	ssyncset.done $0x0  }
0x202: {  	s31 =	simm.s32 $0x0;
	[sflag:s10] =	ssyncadd.s32 $0xFFFFFB80  }
0x203: {  	v2 =	vld [tilespmem:s31+$0x11480]  }
0x204: {  	v10 =	vld [tilespmem:s31+$0x11900];
	_ =	sdelay $0x3  }
0x205: {  	s4 =	simm.s32 $0x10;
	v14 =	vld [tilespmem:s31+$0x11000]  }
0x206: {  	v11 =	vld [tilespmem:s4+$0x11480];
	v2 =	vadd.f32 v10, v2  }
0x207: {  	v13 =	vld [tilespmem:s4+$0x11900]  }
0x208: {  	vm4 =	vle.f32 v2, $1.000000050e-03  }
0x209: {  	v10 =	vimm.f32 $0.0e+00;
	v2 =	vsel vm4, $0x3F800000, v1  }
0x20a: {  	s7 =	simm.s32 $0x80;
	v12 =	vadd.f32 v2, v10;
	v14 =	vmul.f32 v2, v14  }
.LBB2_15:
0x20b: {  	v2 =	vld [tilespmem:s4+$0x11000];
	s4 =	sshra.s32 s7, $0x2;
	p1 =	sne.s32 s7, $0xFC0  }
.Ltmp9:
0x20c: {  	s7 =	sadd.s32 $0x40, s7;
	v15 =	vadd.f32 v13, v11;
	v11 =	vld [tilespmem:s4+$0x11480];
	v10 =	vadd.f32 v14, v10;
	(pc) =	sbr.rel @p1 .LBB2_15-.Ltmp9, $4  }
0x20d: {  	v13 =	vld [tilespmem:s4+$0x11900]  }
0x20e: {  	vm4 =	vle.f32 v15, $1.000000050e-03  }
0x20f: {  	v14 =	vsel vm4, $0x3F800000, v1  }
0x210: {  	v12 =	vadd.f32 v14, v12;
	v14 =	vmul.f32 v14, v2  }
0x211: {  	_ = 	snop  }
0x212: {  	v2 =	vadd.f32 v13, v11;
	_ =	sdelay $0x1  }
0x213: {  	vm4 =	vle.f32 v2, $1.000000050e-03  }
0x214: {  	v2 =	vsel vm4, $0x3F800000, v1  }
0x215: {  	v53 =	vadd.f32 v2, v12;
	_ =	sdelay $0x1  }
0x216: {  	(xrf2) =	vadd.scan.msk.f32 $0xffff, v53;
	_ =	sdelay $0x1  }
0x217: {  	v54 =	vld [tilespmem:s4+$0x11000];
	_ =	sdelay $0x1  }
0x218: {  	v56 =	vld [tilespmem:$0x11D00];
	_ =	sdelay $0x2  }
0x219: {  	v10 =	vadd.f32 v14, v10;
	v2 =	vmul.f32 v2, v54;
	_ =	sdelay $0x1  }
0x21a: {  	v57 =	vbroadcast v56, $0x2;
	v2 =	vadd.f32 v2, v10  }
0x21b: {  	v58 =	vbroadcast v56, $0x1;
	v59, _, _ =	vpop (xrf2)  }
0x21c: {  	v9 =	vadd.f32 v57, v9;
	(xrf2) =	vadd.scan.msk.f32 $0xffff, v2;
	v2 =	vmax.f32 v59, $1.000000000e+00  }
0x21d: {  	v8 =	vadd.f32 v58, v8;
	v2 =	vbroadcast v2, $0xF  }
0x21e: {  	v9 =	vmax.f32 v9, $1.000000000e+00  }
0x21f: {  	v8 =	vmax.f32 v8, $1.000000000e+00;
	v2 =	vadd.f32 v9, v2  }
0x220: {  	(erf) = vrcp.f32 v8  }
0x221: {  	(erf) = vrcp.f32 v2;
	_ =	sdelay $0x1  }
0x222: {  	v60 =	vbroadcast v56, $0x3;
	v2 =	vbroadcast v56, $0x0;
	_ =	sdelay $0x1  }
0x223: {  	v6 =	vadd.f32 v60, v6;
	v2 =	vadd.f32 v2, v7  }
0x224: {  	v61, _, _ =	vpop (xrf2)  }
0x225: {  	v6 =	vsub.f32 $0.0e+00, v6;
	v2 =	vadd.f32 v2, v2;
	v7 =	vbroadcast v61, $0xF;
	_ =	sdelay $0x1  }
0x226: {  	v62 =	vpop (erf);
	v2 =	vsub.f32 $0.0e+00, v2;
	v6 =	vsub.f32 v6, v7  }
0x227: {  	v63 =	vpop (erf)  }
0x228: {  	v2 =	vmul.f32 v62, v2;
	v6 =	vmul.f32 v63, v6;
	_ =	sdelay $0x1  }
0x229: {  	v2 =	vadd.f32 v6, v2;
	_ =	sdelay $0x1  }
0x22a: {  	v2 =	vmul.f32 $3.125000000e-02, v2;
	_ =	sdelay $0x1  }
.Ltmp10:
0x22b: {  	s31 =	rddreg [dreg:$0xb];
	s7 =	simm.s32 $0x12580;
	[tilespmem:$0x12580] =	vst v2;
	(pc) =	sbr.rel .LBB2_17-.Ltmp10, $4  }
0x22c: {  	[hbm4b:s31+s3] =	stream.linear.scatter [tilespmem:s7], [sflag:$0x5], $0x80, $0x38;
	[tilespmem:$0x12A10] =	vst v63  }
0x22d: {  	_ =	swait.ge [sflag:s10], $0x80  }
0x22e: {  	[sflag:s10] =	ssyncset.done $0x0  }
0x22f: {  	[sflag:s10] =	ssyncadd.s32 $0xFFFFFF80  }
.LBB2_18:
0x230: {  	_ =	sfence.sel $0x180000  }
0x231: {  	[bflag:$0x0] =	sbarrier.arrive $0xFFFF  }
0x232: {  	_ =	strace $0x90000047  }
0x233: {  	s0 =	stileid.u32;
	[bflag:$0x2] =	sbarrier.arrive $0xFFFF  }
0x234: {  	p0 =	sne.s32 s0, $0x0;
	s0 =	rddreg [dreg:$0x3]  }
0x235: {  	s0 =	sadd.s32 @!p0 $0x100000, s0  }
0x236: {  	[sflag:s0] =	ssyncadd.tile.s32 @!p0 $0x1;
	_ =	shalt  }
.Lfunc_end2:
_tile_overlayer_lowered:
.L_overlay_start_2:
0x237: {  	(tag) =	ssettag $0x2  }
0x238: {  	s0 =	rddreg [dreg:$0x0];
	s2 =	stileid.u32  }
0x239: {  	s1 =	rddreg [dreg:$0x1];
	p0 =	sne.s32 s2, $0x0  }
0x23a: {  	s3 =	rddreg [dreg:$0x2];
	[bflag:$0x3] =	sbarrier.arrive $0xFFFF;
	s2 =	simm.s32 @!p0 $0x1C05  }
0x23b: {  	[timem:s3], [sflag:s2] =	dma.local @!p0 [hbm:s0], s1  }
0x23c: {  	s0 =	simm.s32 @!p0 $0x5  }
0x23d: {  	_ =	swait.ge @!p0 [sflag:s0], s1  }
0x23e: {  	s1 =	ssub.s32 @!p0 $0x0, s1;
	[sflag:s0] =	ssyncset.done @!p0 $0x0  }
0x23f: {  	[sflag:s0] =	ssyncadd.s32 @!p0 s1  }
0x240: {  	[bflag:$0x3] =	sbarrier.arrive $0xFFFF  }
0x241: {  	_ =	shalt  }

</sc_bundles>
